<compile_context>
chip_gen: v7x
topology: tpu7x:2x2x1
jax: 0.10.2.dev20260603
libtpu: 0.0.44.dev20260713+nightly
codegen_flags: <defaults>
</compile_context>

<pallas_src>
import functools

import jax
import jax.numpy as jnp
from jax import lax
from jax.experimental import pallas as pl
from jax.experimental.pallas import tpu as pltpu
from jax.experimental.pallas import tpu_sc as plsc

N = 10000
D = 128
E = 320000
NUM_ITERS = 3

NC, NS = 2, 16
K = 80
EPT = E // NS
NCHUNK = EPT // K
NPAD = 10240
RPT = NPAD // NS
ZR = 128

B = 2000


def _sc_body(tpc_hbm, eg_hbm, es_hbm, out_hbm, idx_g, idx_s, idx_g2, idx_s2,
             rows, rows2, zbuf, acc, sem, sem2):
    cid = lax.axis_index("c")
    sid = lax.axis_index("s")

    def zrow(i, carry):
        for j in range(D // 16):
            zbuf[i, pl.ds(j * 16, 16)] = jnp.zeros((16,), jnp.float32)
        return carry

    lax.fori_loop(0, ZR, zrow, 0)
    base_r = sid * RPT
    for z in range(RPT // ZR):
        pltpu.sync_copy(zbuf, acc.at[pl.ds(base_r + z * ZR, ZR)])
    plsc.subcore_barrier()

    ebase = cid * E + sid * EPT

    def load_start(ci, ig, isc, rw, sm):
        pltpu.sync_copy(eg_hbm.at[pl.ds(ebase + ci * K, K)], ig)
        pltpu.sync_copy(es_hbm.at[pl.ds(ebase + ci * K, K)], isc)
        pltpu.async_copy(tpc_hbm.at[ig], rw, sm)

    def finish(ig, isc, rw, sm):
        pltpu.make_async_copy(tpc_hbm.at[ig], rw, sm).wait()
        pltpu.sync_copy(rw, acc.at[isc], add=True)

    load_start(0, idx_g, idx_s, rows, sem)
    load_start(1, idx_g2, idx_s2, rows2, sem2)

    def pair(p, carry):
        c0 = 2 * p
        finish(idx_g, idx_s, rows, sem)
        load_start(c0 + 2, idx_g, idx_s, rows, sem)
        finish(idx_g2, idx_s2, rows2, sem2)
        load_start(c0 + 3, idx_g2, idx_s2, rows2, sem2)
        return carry

    lax.fori_loop(0, NCHUNK // 2 - 1, pair, 0)
    finish(idx_g, idx_s, rows, sem)
    finish(idx_g2, idx_s2, rows2, sem2)
    plsc.subcore_barrier()

    @pl.when(sid < NS - 1)
    def _flush_full():
        pltpu.sync_copy(acc.at[pl.ds(base_r, RPT)],
                        out_hbm.at[cid, pl.ds(base_r, RPT)])

    @pl.when(sid == NS - 1)
    def _flush_last():
        last = (NS - 1) * RPT
        pltpu.sync_copy(acc.at[pl.ds(last, N - last)],
                        out_hbm.at[cid, pl.ds(last, N - last)])


_sc_scatter = pl.kernel(
    _sc_body,
    out_type=jax.ShapeDtypeStruct((NC, N, D), jnp.float32),
    mesh=plsc.VectorSubcoreMesh(core_axis_name="c", subcore_axis_name="s"),
    scratch_types=[
        pltpu.VMEM((K,), jnp.int32),
        pltpu.VMEM((K,), jnp.int32),
        pltpu.VMEM((K,), jnp.int32),
        pltpu.VMEM((K,), jnp.int32),
        pltpu.VMEM((K, D), jnp.float32),
        pltpu.VMEM((K, D), jnp.float32),
        pltpu.VMEM((ZR, D), jnp.float32),
        pltpu.VMEM_SHARED((NPAD, D), jnp.float32),
        pltpu.SemaphoreType.DMA,
        pltpu.SemaphoreType.DMA,
    ],
)


def _t1_body(nodes_ref, We, be, Wp, bp, Wc, bc, n_ref, tpc_ref):
    n = jnp.dot(nodes_ref[...], We[...]) + be[...]
    n_ref[...] = n
    tpc_ref[0] = jnp.maximum(jnp.dot(n, Wp[...]) + bp[...], 0.0)
    tpc_ref[1] = jnp.maximum(jnp.dot(n, Wc[...]) + bc[...], 0.0)


def _t2_body(n_ref, fi_ref, fo_ref, Wf, bf, Wp, bp, Wc, bc, nn_ref, tpc_ref):
    n = n_ref[...]
    h = jnp.concatenate([n, fi_ref[0], fo_ref[0]], axis=1)
    nn = n + jnp.dot(h, Wf[...]) + bf[...]
    nn_ref[...] = nn
    tpc_ref[0] = jnp.maximum(jnp.dot(nn, Wp[...]) + bp[...], 0.0)
    tpc_ref[1] = jnp.maximum(jnp.dot(nn, Wc[...]) + bc[...], 0.0)


def _t3_body(n_ref, fi_ref, fo_ref, Wf, bf, Wcv, bcv, out_ref):
    n = n_ref[...]
    h = jnp.concatenate([n, fi_ref[0], fo_ref[0]], axis=1)
    nn = n + jnp.dot(h, Wf[...]) + bf[...]
    out_ref[...] = jnp.dot(nn, Wcv[...]) + bcv[...]


def _row_spec(d):
    return pl.BlockSpec((B, d), lambda i: (i, 0))


def _full_spec(r, c):
    return pl.BlockSpec((r, c), lambda i: (0, 0))


_tpc_spec = pl.BlockSpec((2, B, D), lambda i: (0, i, 0))
_fi_spec = pl.BlockSpec((1, B, D), lambda i: (0, i, 0))
_fo_spec = pl.BlockSpec((1, B, D), lambda i: (1, i, 0))

_t1 = pl.pallas_call(
    _t1_body,
    grid=(N // B,),
    in_specs=[_row_spec(D), _full_spec(D, D), _full_spec(1, D),
              _full_spec(D, D), _full_spec(1, D),
              _full_spec(D, D), _full_spec(1, D)],
    out_specs=[_row_spec(D), _tpc_spec],
    out_shape=[jax.ShapeDtypeStruct((N, D), jnp.float32),
               jax.ShapeDtypeStruct((2, N, D), jnp.float32)],
)

_t2 = pl.pallas_call(
    _t2_body,
    grid=(N // B,),
    in_specs=[_row_spec(D), _fi_spec, _fo_spec,
              _full_spec(3 * D, D), _full_spec(1, D),
              _full_spec(D, D), _full_spec(1, D),
              _full_spec(D, D), _full_spec(1, D)],
    out_specs=[_row_spec(D), _tpc_spec],
    out_shape=[jax.ShapeDtypeStruct((N, D), jnp.float32),
               jax.ShapeDtypeStruct((2, N, D), jnp.float32)],
)

_t3 = pl.pallas_call(
    _t3_body,
    grid=(N // B,),
    in_specs=[_row_spec(D), _fi_spec, _fo_spec,
              _full_spec(3 * D, D), _full_spec(1, D),
              _full_spec(D, 2 * D), _full_spec(1, 2 * D)],
    out_specs=_row_spec(2 * D),
    out_shape=jax.ShapeDtypeStruct((N, 2 * D), jnp.float32),
)


@jax.jit
def kernel(nodes, edges, edge_attr, W_enc, b_enc, W_p, b_p, W_c, b_c,
           W_f, b_f, W_conv, b_conv):
    src = edges[0].astype(jnp.int32)
    dst = edges[1].astype(jnp.int32)
    eg = jnp.concatenate([src, dst + N])
    es = jnp.concatenate([dst, src])

    be = b_enc.reshape(1, D)
    bp = b_p.reshape(1, D)
    bc = b_c.reshape(1, D)
    bf = b_f.reshape(1, D)
    bcv = b_conv.reshape(1, 2 * D)

    n, tpc = _t1(nodes, W_enc, be, W_p, bp, W_c, bc)
    out = None
    for it in range(NUM_ITERS):
        scat = _sc_scatter(tpc.reshape(2 * N, D), eg, es)
        if it < NUM_ITERS - 1:
            n, tpc = _t2(n, scat, scat, W_f, bf, W_p, bp, W_c, bc)
        else:
            out = _t3(n, scat, scat, W_f, bf, W_conv, bcv)
    return out

# --- scband reference (transcript-rebuilt; emitter-appended) ---
"""Pipeline reference for scband-message-passing-gnn-induct-57363583205559 (READ-ONLY COPY).

The authoritative reference and input builder live on the scoring server;
editing this copy changes nothing except your own understanding.
"""

import jax, jax.numpy as jnp
import numpy as np

NUM_ITERATIONS = 3
N_NODES = 10000
N_EDGES = 320000
D_IN = 128
D_EMB = 128


def setup_inputs(seed: int = 0) -> dict:
    key = jax.random.key(seed)
    ks = jax.random.split(key, 16)
    nodes = jax.random.normal(ks[0], (N_NODES, D_IN), dtype=jnp.float32)
    edges = jax.random.randint(ks[1], (2, N_EDGES), 0, N_NODES, dtype=jnp.int64)
    edge_attr = jax.random.normal(ks[2], (N_EDGES, 16), dtype=jnp.float32)
    s = 1.0 / np.sqrt(D_EMB)
    W_enc = jax.random.uniform(ks[3], (D_IN, D_EMB), minval=-s, maxval=s, dtype=jnp.float32)
    b_enc = jax.random.uniform(ks[4], (D_EMB,), minval=-s, maxval=s, dtype=jnp.float32)
    W_p = jax.random.uniform(ks[5], (D_EMB, D_EMB), minval=-s, maxval=s, dtype=jnp.float32)
    b_p = jax.random.uniform(ks[6], (D_EMB,), minval=-s, maxval=s, dtype=jnp.float32)
    W_c = jax.random.uniform(ks[7], (D_EMB, D_EMB), minval=-s, maxval=s, dtype=jnp.float32)
    b_c = jax.random.uniform(ks[8], (D_EMB,), minval=-s, maxval=s, dtype=jnp.float32)
    sf = 1.0 / np.sqrt(3 * D_EMB)
    W_f = jax.random.uniform(ks[9], (3 * D_EMB, D_EMB), minval=-sf, maxval=sf, dtype=jnp.float32)
    b_f = jax.random.uniform(ks[10], (D_EMB,), minval=-sf, maxval=sf, dtype=jnp.float32)
    W_conv = jax.random.uniform(ks[11], (D_EMB, 2 * D_EMB), minval=-s, maxval=s, dtype=jnp.float32)
    b_conv = jax.random.uniform(ks[12], (2 * D_EMB,), minval=-s, maxval=s, dtype=jnp.float32)
    return {"nodes": nodes, "edges": edges, "edge_attr": edge_attr,
            "W_enc": W_enc, "b_enc": b_enc, "W_p": W_p, "b_p": b_p,
            "W_c": W_c, "b_c": b_c, "W_f": W_f, "b_f": b_f,
            "W_conv": W_conv, "b_conv": b_conv}


def reference(nodes, edges, edge_attr, W_enc, b_enc, W_p, b_p, W_c, b_c, W_f, b_f, W_conv, b_conv):
    # initial encoder (Linear)
    n = nodes @ W_enc + b_enc
    src = edges[0]
    dst = edges[1]
    N = n.shape[0]
    for _ in range(NUM_ITERATIONS):
        # Parent_Aggregation: transform source-node embeddings, scatter-add to dst
        msg_p = jax.nn.relu(n[src] @ W_p + b_p)
        fi_sum = jnp.zeros((N, n.shape[1]), dtype=n.dtype).at[dst].add(msg_p)
        # Child_Aggregation: transform dst-node embeddings, scatter-add to src
        msg_c = jax.nn.relu(n[dst] @ W_c + b_c)
        fo_sum = jnp.zeros((N, n.shape[1]), dtype=n.dtype).at[src].add(msg_c)
        # Final_Agg on concat
        node_update = jnp.concatenate([n, fi_sum, fo_sum], axis=1) @ W_f + b_f
        n = n + node_update
    # Conv1d with kernel_size=1 on unsqueezed dim == pointwise Linear d -> 2d
    out = n @ W_conv + b_conv
    return out


if False:  # reference __main__ guard neutralized (emitter)
    inp = setup_inputs()
    out = reference(**inp)
    print(out.shape)

if __name__ == "__main__":
    import jax
    _d = setup_inputs()
    print(jax.jit(kernel)(*tuple(_d.values())))

</pallas_src>

<mosaic_0001>
#map = affine_map<(d0, d1) -> (0, 0)>
#map1 = affine_map<(d0, d1) -> (0)>
#map2 = affine_map<(d0, d1) -> (0, 0, 0)>
module attributes {stable_mosaic.version = 14 : i64} {
  func.func @_sc_body(%arg0: i32, %arg1: i32, %arg2: memref<20000x128xf32, #tpu.memory_space<hbm>>, %arg3: memref<640000xi32, #tpu.memory_space<hbm>>, %arg4: memref<640000xi32, #tpu.memory_space<hbm>>, %arg5: memref<2x10000x128xf32, #tpu.memory_space<hbm>>, %arg6: memref<80xi32, #tpu.memory_space<vmem>>, %arg7: memref<80xi32, #tpu.memory_space<vmem>>, %arg8: memref<80xi32, #tpu.memory_space<vmem>>, %arg9: memref<80xi32, #tpu.memory_space<vmem>>, %arg10: memref<80x128xf32, #tpu.memory_space<vmem>>, %arg11: memref<80x128xf32, #tpu.memory_space<vmem>>, %arg12: memref<128x128xf32, #tpu.memory_space<vmem>>, %arg13: memref<10240x128xf32, #tpu.memory_space<vmem_shared>>, %arg14: memref<!tpu.dma_semaphore, #tpu.memory_space<semaphore_mem>>, %arg15: memref<!tpu.dma_semaphore, #tpu.memory_space<semaphore_mem>>) attributes {dimension_semantics = [#tpu.dimension_semantics<core_parallel>, #tpu.dimension_semantics<subcore_parallel>], iteration_bounds = array<i64: 2, 16>, scalar_prefetch = 0 : i64, scratch_operands = 10 : i64, tpu.core_type = #tpu.core_type<sc_vector_subcore>, window_params = [{transform_indices = #map}, {transform_indices = #map1}, {transform_indices = #map1}, {transform_indices = #map2}]} {
    %scan3A = arith.constant 0 : i32
    %scan3A_0 = arith.constant 0 : i32
    %scan3A_1 = arith.constant 128 : i32
    %scan3A_2 = arith.addi %scan3A_0, %scan3A_1 : i32
    %scan3A_3 = arith.constant 1 : i32
    scf.for %scan3A_51 = %scan3A_0 to %scan3A_2 step %scan3A_3  : i32 {
      %broadcast_in_dim3A = arith.constant 0.000000e+00 : f32
      %broadcast_in_dim3A_52 = vector.broadcast %broadcast_in_dim3A : f32 to vector<16xf32>
      %swap3A = arith.index_cast %scan3A_51 : i32 to index
      %swap3A_53 = arith.constant 0 : index
      %swap3A_54 = tpu.vector_load %arg12[%swap3A, %swap3A_53] {strides = array<i32>} : memref<128x128xf32, #tpu.memory_space<vmem>>, vector<1x16xf32>,
      %swap3A_55 = vector.shape_cast %swap3A_54 : vector<1x16xf32> to vector<16xf32>
      %swap3A_56 = vector.shape_cast %broadcast_in_dim3A_52 : vector<16xf32> to vector<1x16xf32>
      tpu.vector_store %arg12[%swap3A, %swap3A_53], %swap3A_56 {strides = array<i32>} : memref<128x128xf32, #tpu.memory_space<vmem>>, vector<1x16xf32>,
      %broadcast_in_dim3A_57 = arith.constant 0.000000e+00 : f32
      %broadcast_in_dim3A_58 = vector.broadcast %broadcast_in_dim3A_57 : f32 to vector<16xf32>
      %swap3A_59 = arith.index_cast %scan3A_51 : i32 to index
      %swap3A_60 = arith.constant 16 : index
      %swap3A_61 = tpu.vector_load %arg12[%swap3A_59, %swap3A_60] {strides = array<i32>} : memref<128x128xf32, #tpu.memory_space<vmem>>, vector<1x16xf32>,
      %swap3A_62 = vector.shape_cast %swap3A_61 : vector<1x16xf32> to vector<16xf32>
      %swap3A_63 = vector.shape_cast %broadcast_in_dim3A_58 : vector<16xf32> to vector<1x16xf32>
      tpu.vector_store %arg12[%swap3A_59, %swap3A_60], %swap3A_63 {strides = array<i32>} : memref<128x128xf32, #tpu.memory_space<vmem>>, vector<1x16xf32>,
      %broadcast_in_dim3A_64 = arith.constant 0.000000e+00 : f32
      %broadcast_in_dim3A_65 = vector.broadcast %broadcast_in_dim3A_64 : f32 to vector<16xf32>
      %swap3A_66 = arith.index_cast %scan3A_51 : i32 to index
      %swap3A_67 = arith.constant 32 : index
      %swap3A_68 = tpu.vector_load %arg12[%swap3A_66, %swap3A_67] {strides = array<i32>} : memref<128x128xf32, #tpu.memory_space<vmem>>, vector<1x16xf32>,
      %swap3A_69 = vector.shape_cast %swap3A_68 : vector<1x16xf32> to vector<16xf32>
      %swap3A_70 = vector.shape_cast %broadcast_in_dim3A_65 : vector<16xf32> to vector<1x16xf32>
      tpu.vector_store %arg12[%swap3A_66, %swap3A_67], %swap3A_70 {strides = array<i32>} : memref<128x128xf32, #tpu.memory_space<vmem>>, vector<1x16xf32>,
      %broadcast_in_dim3A_71 = arith.constant 0.000000e+00 : f32
      %broadcast_in_dim3A_72 = vector.broadcast %broadcast_in_dim3A_71 : f32 to vector<16xf32>
      %swap3A_73 = arith.index_cast %scan3A_51 : i32 to index
      %swap3A_74 = arith.constant 48 : index
      %swap3A_75 = tpu.vector_load %arg12[%swap3A_73, %swap3A_74] {strides = array<i32>} : memref<128x128xf32, #tpu.memory_space<vmem>>, vector<1x16xf32>,
      %swap3A_76 = vector.shape_cast %swap3A_75 : vector<1x16xf32> to vector<16xf32>
      %swap3A_77 = vector.shape_cast %broadcast_in_dim3A_72 : vector<16xf32> to vector<1x16xf32>
      tpu.vector_store %arg12[%swap3A_73, %swap3A_74], %swap3A_77 {strides = array<i32>} : memref<128x128xf32, #tpu.memory_space<vmem>>, vector<1x16xf32>,
      %broadcast_in_dim3A_78 = arith.constant 0.000000e+00 : f32
      %broadcast_in_dim3A_79 = vector.broadcast %broadcast_in_dim3A_78 : f32 to vector<16xf32>
      %swap3A_80 = arith.index_cast %scan3A_51 : i32 to index
      %swap3A_81 = arith.constant 64 : index
      %swap3A_82 = tpu.vector_load %arg12[%swap3A_80, %swap3A_81] {strides = array<i32>} : memref<128x128xf32, #tpu.memory_space<vmem>>, vector<1x16xf32>,
      %swap3A_83 = vector.shape_cast %swap3A_82 : vector<1x16xf32> to vector<16xf32>
      %swap3A_84 = vector.shape_cast %broadcast_in_dim3A_79 : vector<16xf32> to vector<1x16xf32>
      tpu.vector_store %arg12[%swap3A_80, %swap3A_81], %swap3A_84 {strides = array<i32>} : memref<128x128xf32, #tpu.memory_space<vmem>>, vector<1x16xf32>,
      %broadcast_in_dim3A_85 = arith.constant 0.000000e+00 : f32
      %broadcast_in_dim3A_86 = vector.broadcast %broadcast_in_dim3A_85 : f32 to vector<16xf32>
      %swap3A_87 = arith.index_cast %scan3A_51 : i32 to index
      %swap3A_88 = arith.constant 80 : index
      %swap3A_89 = tpu.vector_load %arg12[%swap3A_87, %swap3A_88] {strides = array<i32>} : memref<128x128xf32, #tpu.memory_space<vmem>>, vector<1x16xf32>,
      %swap3A_90 = vector.shape_cast %swap3A_89 : vector<1x16xf32> to vector<16xf32>
      %swap3A_91 = vector.shape_cast %broadcast_in_dim3A_86 : vector<16xf32> to vector<1x16xf32>
      tpu.vector_store %arg12[%swap3A_87, %swap3A_88], %swap3A_91 {strides = array<i32>} : memref<128x128xf32, #tpu.memory_space<vmem>>, vector<1x16xf32>,
      %broadcast_in_dim3A_92 = arith.constant 0.000000e+00 : f32
      %broadcast_in_dim3A_93 = vector.broadcast %broadcast_in_dim3A_92 : f32 to vector<16xf32>
      %swap3A_94 = arith.index_cast %scan3A_51 : i32 to index
      %swap3A_95 = arith.constant 96 : index
      %swap3A_96 = tpu.vector_load %arg12[%swap3A_94, %swap3A_95] {strides = array<i32>} : memref<128x128xf32, #tpu.memory_space<vmem>>, vector<1x16xf32>,
      %swap3A_97 = vector.shape_cast %swap3A_96 : vector<1x16xf32> to vector<16xf32>
      %swap3A_98 = vector.shape_cast %broadcast_in_dim3A_93 : vector<16xf32> to vector<1x16xf32>
      tpu.vector_store %arg12[%swap3A_94, %swap3A_95], %swap3A_98 {strides = array<i32>} : memref<128x128xf32, #tpu.memory_space<vmem>>, vector<1x16xf32>,
      %broadcast_in_dim3A_99 = arith.constant 0.000000e+00 : f32
      %broadcast_in_dim3A_100 = vector.broadcast %broadcast_in_dim3A_99 : f32 to vector<16xf32>
      %swap3A_101 = arith.index_cast %scan3A_51 : i32 to index
      %swap3A_102 = arith.constant 112 : index
      %swap3A_103 = tpu.vector_load %arg12[%swap3A_101, %swap3A_102] {strides = array<i32>} : memref<128x128xf32, #tpu.memory_space<vmem>>, vector<1x16xf32>,
      %swap3A_104 = vector.shape_cast %swap3A_103 : vector<1x16xf32> to vector<16xf32>
      %swap3A_105 = vector.shape_cast %broadcast_in_dim3A_100 : vector<16xf32> to vector<1x16xf32>
      tpu.vector_store %arg12[%swap3A_101, %swap3A_102], %swap3A_105 {strides = array<i32>} : memref<128x128xf32, #tpu.memory_space<vmem>>, vector<1x16xf32>,
    }
    %scan3A_4 = arith.constant 128 : i32
    %mul3A = arith.constant 640 : i32
    %mul3A_5 = arith.muli %arg1, %mul3A : i32
    %add3A = arith.constant 0 : i32
    %add3A_6 = arith.addi %mul3A_5, %add3A : i32
    "tpu.region"() ({
      %run_scoped3A = tpu.sem_alloc : memref<!tpu.dma_semaphore, #tpu.memory_space<semaphore_mem>>
      %dma_start3A_51 = arith.constant 0 : i32
      %dma_start3A_52 = tpu.memref_slice %arg13[%add3A_6, %dma_start3A_51] : memref<10240x128xf32, #tpu.memory_space<vmem_shared>> -> memref<128x128xf32, #tpu.memory_space<vmem_shared>>
      %dma_start3A_53 = arith.constant 0 : i32
      %dma_start3A_54 = tpu.memref_slice %arg13[%add3A_6, %dma_start3A_53] : memref<10240x128xf32, #tpu.memory_space<vmem_shared>> -> memref<128x128xf32, #tpu.memory_space<vmem_shared>>
      tpu.enqueue_dma source(%arg12 : memref<128x128xf32, #tpu.memory_space<vmem>>) target(%dma_start3A_54 : memref<128x128xf32, #tpu.memory_space<vmem_shared>>) target_semaphore(%run_scoped3A : memref<!tpu.dma_semaphore, #tpu.memory_space<semaphore_mem>>)
      %dma_wait3A_55 = arith.constant 0 : i32
      %dma_wait3A_56 = tpu.memref_slice %arg13[%add3A_6, %dma_wait3A_55] : memref<10240x128xf32, #tpu.memory_space<vmem_shared>> -> memref<128x128xf32, #tpu.memory_space<vmem_shared>>
      %dma_wait3A_57 = arith.constant 0 : i32
      %dma_wait3A_58 = tpu.memref_slice %arg13[%add3A_6, %dma_wait3A_57] : memref<10240x128xf32, #tpu.memory_space<vmem_shared>> -> memref<128x128xf32, #tpu.memory_space<vmem_shared>>
      tpu.wait_dma2 semaphore(%run_scoped3A : memref<!tpu.dma_semaphore, #tpu.memory_space<semaphore_mem>>) src(%arg12 : memref<128x128xf32, #tpu.memory_space<vmem>>) dst(%dma_wait3A_58 : memref<128x128xf32, #tpu.memory_space<vmem_shared>>)
      tpu.yield
    }) : () -> ()
    %add3A_7 = arith.constant 128 : i32
    %add3A_8 = arith.addi %mul3A_5, %add3A_7 : i32
    "tpu.region"() ({
      %run_scoped3A = tpu.sem_alloc : memref<!tpu.dma_semaphore, #tpu.memory_space<semaphore_mem>>
      %dma_start3A_51 = arith.constant 0 : i32
      %dma_start3A_52 = tpu.memref_slice %arg13[%add3A_8, %dma_start3A_51] : memref<10240x128xf32, #tpu.memory_space<vmem_shared>> -> memref<128x128xf32, #tpu.memory_space<vmem_shared>>
      %dma_start3A_53 = arith.constant 0 : i32
      %dma_start3A_54 = tpu.memref_slice %arg13[%add3A_8, %dma_start3A_53] : memref<10240x128xf32, #tpu.memory_space<vmem_shared>> -> memref<128x128xf32, #tpu.memory_space<vmem_shared>>
      tpu.enqueue_dma source(%arg12 : memref<128x128xf32, #tpu.memory_space<vmem>>) target(%dma_start3A_54 : memref<128x128xf32, #tpu.memory_space<vmem_shared>>) target_semaphore(%run_scoped3A : memref<!tpu.dma_semaphore, #tpu.memory_space<semaphore_mem>>)
      %dma_wait3A_55 = arith.constant 0 : i32
      %dma_wait3A_56 = tpu.memref_slice %arg13[%add3A_8, %dma_wait3A_55] : memref<10240x128xf32, #tpu.memory_space<vmem_shared>> -> memref<128x128xf32, #tpu.memory_space<vmem_shared>>
      %dma_wait3A_57 = arith.constant 0 : i32
      %dma_wait3A_58 = tpu.memref_slice %arg13[%add3A_8, %dma_wait3A_57] : memref<10240x128xf32, #tpu.memory_space<vmem_shared>> -> memref<128x128xf32, #tpu.memory_space<vmem_shared>>
      tpu.wait_dma2 semaphore(%run_scoped3A : memref<!tpu.dma_semaphore, #tpu.memory_space<semaphore_mem>>) src(%arg12 : memref<128x128xf32, #tpu.memory_space<vmem>>) dst(%dma_wait3A_58 : memref<128x128xf32, #tpu.memory_space<vmem_shared>>)
      tpu.yield
    }) : () -> ()
    %add3A_9 = arith.constant 256 : i32
    %add3A_10 = arith.addi %mul3A_5, %add3A_9 : i32
    "tpu.region"() ({
      %run_scoped3A = tpu.sem_alloc : memref<!tpu.dma_semaphore, #tpu.memory_space<semaphore_mem>>
      %dma_start3A_51 = arith.constant 0 : i32
      %dma_start3A_52 = tpu.memref_slice %arg13[%add3A_10, %dma_start3A_51] : memref<10240x128xf32, #tpu.memory_space<vmem_shared>> -> memref<128x128xf32, #tpu.memory_space<vmem_shared>>
      %dma_start3A_53 = arith.constant 0 : i32
      %dma_start3A_54 = tpu.memref_slice %arg13[%add3A_10, %dma_start3A_53] : memref<10240x128xf32, #tpu.memory_space<vmem_shared>> -> memref<128x128xf32, #tpu.memory_space<vmem_shared>>
      tpu.enqueue_dma source(%arg12 : memref<128x128xf32, #tpu.memory_space<vmem>>) target(%dma_start3A_54 : memref<128x128xf32, #tpu.memory_space<vmem_shared>>) target_semaphore(%run_scoped3A : memref<!tpu.dma_semaphore, #tpu.memory_space<semaphore_mem>>)
      %dma_wait3A_55 = arith.constant 0 : i32
      %dma_wait3A_56 = tpu.memref_slice %arg13[%add3A_10, %dma_wait3A_55] : memref<10240x128xf32, #tpu.memory_space<vmem_shared>> -> memref<128x128xf32, #tpu.memory_space<vmem_shared>>
      %dma_wait3A_57 = arith.constant 0 : i32
      %dma_wait3A_58 = tpu.memref_slice %arg13[%add3A_10, %dma_wait3A_57] : memref<10240x128xf32, #tpu.memory_space<vmem_shared>> -> memref<128x128xf32, #tpu.memory_space<vmem_shared>>
      tpu.wait_dma2 semaphore(%run_scoped3A : memref<!tpu.dma_semaphore, #tpu.memory_space<semaphore_mem>>) src(%arg12 : memref<128x128xf32, #tpu.memory_space<vmem>>) dst(%dma_wait3A_58 : memref<128x128xf32, #tpu.memory_space<vmem_shared>>)
      tpu.yield
    }) : () -> ()
    %add3A_11 = arith.constant 384 : i32
    %add3A_12 = arith.addi %mul3A_5, %add3A_11 : i32
    "tpu.region"() ({
      %run_scoped3A = tpu.sem_alloc : memref<!tpu.dma_semaphore, #tpu.memory_space<semaphore_mem>>
      %dma_start3A_51 = arith.constant 0 : i32
      %dma_start3A_52 = tpu.memref_slice %arg13[%add3A_12, %dma_start3A_51] : memref<10240x128xf32, #tpu.memory_space<vmem_shared>> -> memref<128x128xf32, #tpu.memory_space<vmem_shared>>
      %dma_start3A_53 = arith.constant 0 : i32
      %dma_start3A_54 = tpu.memref_slice %arg13[%add3A_12, %dma_start3A_53] : memref<10240x128xf32, #tpu.memory_space<vmem_shared>> -> memref<128x128xf32, #tpu.memory_space<vmem_shared>>
      tpu.enqueue_dma source(%arg12 : memref<128x128xf32, #tpu.memory_space<vmem>>) target(%dma_start3A_54 : memref<128x128xf32, #tpu.memory_space<vmem_shared>>) target_semaphore(%run_scoped3A : memref<!tpu.dma_semaphore, #tpu.memory_space<semaphore_mem>>)
      %dma_wait3A_55 = arith.constant 0 : i32
      %dma_wait3A_56 = tpu.memref_slice %arg13[%add3A_12, %dma_wait3A_55] : memref<10240x128xf32, #tpu.memory_space<vmem_shared>> -> memref<128x128xf32, #tpu.memory_space<vmem_shared>>
      %dma_wait3A_57 = arith.constant 0 : i32
      %dma_wait3A_58 = tpu.memref_slice %arg13[%add3A_12, %dma_wait3A_57] : memref<10240x128xf32, #tpu.memory_space<vmem_shared>> -> memref<128x128xf32, #tpu.memory_space<vmem_shared>>
      tpu.wait_dma2 semaphore(%run_scoped3A : memref<!tpu.dma_semaphore, #tpu.memory_space<semaphore_mem>>) src(%arg12 : memref<128x128xf32, #tpu.memory_space<vmem>>) dst(%dma_wait3A_58 : memref<128x128xf32, #tpu.memory_space<vmem_shared>>)
      tpu.yield
    }) : () -> ()
    %add3A_13 = arith.constant 512 : i32
    %add3A_14 = arith.addi %mul3A_5, %add3A_13 : i32
    "tpu.region"() ({
      %run_scoped3A = tpu.sem_alloc : memref<!tpu.dma_semaphore, #tpu.memory_space<semaphore_mem>>
      %dma_start3A_51 = arith.constant 0 : i32
      %dma_start3A_52 = tpu.memref_slice %arg13[%add3A_14, %dma_start3A_51] : memref<10240x128xf32, #tpu.memory_space<vmem_shared>> -> memref<128x128xf32, #tpu.memory_space<vmem_shared>>
      %dma_start3A_53 = arith.constant 0 : i32
      %dma_start3A_54 = tpu.memref_slice %arg13[%add3A_14, %dma_start3A_53] : memref<10240x128xf32, #tpu.memory_space<vmem_shared>> -> memref<128x128xf32, #tpu.memory_space<vmem_shared>>
      tpu.enqueue_dma source(%arg12 : memref<128x128xf32, #tpu.memory_space<vmem>>) target(%dma_start3A_54 : memref<128x128xf32, #tpu.memory_space<vmem_shared>>) target_semaphore(%run_scoped3A : memref<!tpu.dma_semaphore, #tpu.memory_space<semaphore_mem>>)
      %dma_wait3A_55 = arith.constant 0 : i32
      %dma_wait3A_56 = tpu.memref_slice %arg13[%add3A_14, %dma_wait3A_55] : memref<10240x128xf32, #tpu.memory_space<vmem_shared>> -> memref<128x128xf32, #tpu.memory_space<vmem_shared>>
      %dma_wait3A_57 = arith.constant 0 : i32
      %dma_wait3A_58 = tpu.memref_slice %arg13[%add3A_14, %dma_wait3A_57] : memref<10240x128xf32, #tpu.memory_space<vmem_shared>> -> memref<128x128xf32, #tpu.memory_space<vmem_shared>>
      tpu.wait_dma2 semaphore(%run_scoped3A : memref<!tpu.dma_semaphore, #tpu.memory_space<semaphore_mem>>) src(%arg12 : memref<128x128xf32, #tpu.memory_space<vmem>>) dst(%dma_wait3A_58 : memref<128x128xf32, #tpu.memory_space<vmem_shared>>)
      tpu.yield
    }) : () -> ()
    %barrier3A = arith.constant 0 : index
    tpu.barrier barrier_id(%barrier3A)
    %mul3A_15 = arith.constant 320000 : i32
    %mul3A_16 = arith.muli %arg0, %mul3A_15 : i32
    %mul3A_17 = arith.constant 20000 : i32
    %mul3A_18 = arith.muli %arg1, %mul3A_17 : i32
    %add3A_19 = arith.addi %mul3A_16, %mul3A_18 : i32
    %add3A_20 = arith.constant 0 : i32
    %add3A_21 = arith.addi %add3A_19, %add3A_20 : i32
    "tpu.region"() ({
      %run_scoped3A = tpu.sem_alloc : memref<!tpu.dma_semaphore, #tpu.memory_space<semaphore_mem>>
      %dma_start3A_51 = tpu.memref_slice %arg3[%add3A_21] : memref<640000xi32, #tpu.memory_space<hbm>> -> memref<80xi32, #tpu.memory_space<hbm>>
      %dma_start3A_52 = tpu.memref_slice %arg3[%add3A_21] : memref<640000xi32, #tpu.memory_space<hbm>> -> memref<80xi32, #tpu.memory_space<hbm>>
      tpu.enqueue_dma source(%dma_start3A_52 : memref<80xi32, #tpu.memory_space<hbm>>) target(%arg6 : memref<80xi32, #tpu.memory_space<vmem>>) target_semaphore(%run_scoped3A : memref<!tpu.dma_semaphore, #tpu.memory_space<semaphore_mem>>)
      %dma_wait3A_53 = tpu.memref_slice %arg3[%add3A_21] : memref<640000xi32, #tpu.memory_space<hbm>> -> memref<80xi32, #tpu.memory_space<hbm>>
      %dma_wait3A_54 = tpu.memref_slice %arg3[%add3A_21] : memref<640000xi32, #tpu.memory_space<hbm>> -> memref<80xi32, #tpu.memory_space<hbm>>
      tpu.wait_dma2 semaphore(%run_scoped3A : memref<!tpu.dma_semaphore, #tpu.memory_space<semaphore_mem>>) src(%dma_wait3A_54 : memref<80xi32, #tpu.memory_space<hbm>>) dst(%arg6 : memref<80xi32, #tpu.memory_space<vmem>>)
      tpu.yield
    }) : () -> ()
    %add3A_22 = arith.constant 0 : i32
    %add3A_23 = arith.addi %add3A_19, %add3A_22 : i32
    "tpu.region"() ({
      %run_scoped3A = tpu.sem_alloc : memref<!tpu.dma_semaphore, #tpu.memory_space<semaphore_mem>>
      %dma_start3A_51 = tpu.memref_slice %arg4[%add3A_23] : memref<640000xi32, #tpu.memory_space<hbm>> -> memref<80xi32, #tpu.memory_space<hbm>>
      %dma_start3A_52 = tpu.memref_slice %arg4[%add3A_23] : memref<640000xi32, #tpu.memory_space<hbm>> -> memref<80xi32, #tpu.memory_space<hbm>>
      tpu.enqueue_dma source(%dma_start3A_52 : memref<80xi32, #tpu.memory_space<hbm>>) target(%arg7 : memref<80xi32, #tpu.memory_space<vmem>>) target_semaphore(%run_scoped3A : memref<!tpu.dma_semaphore, #tpu.memory_space<semaphore_mem>>)
      %dma_wait3A_53 = tpu.memref_slice %arg4[%add3A_23] : memref<640000xi32, #tpu.memory_space<hbm>> -> memref<80xi32, #tpu.memory_space<hbm>>
      %dma_wait3A_54 = tpu.memref_slice %arg4[%add3A_23] : memref<640000xi32, #tpu.memory_space<hbm>> -> memref<80xi32, #tpu.memory_space<hbm>>
      tpu.wait_dma2 semaphore(%run_scoped3A : memref<!tpu.dma_semaphore, #tpu.memory_space<semaphore_mem>>) src(%dma_wait3A_54 : memref<80xi32, #tpu.memory_space<hbm>>) dst(%arg7 : memref<80xi32, #tpu.memory_space<vmem>>)
      tpu.yield
    }) : () -> ()
    %dma_start3A = arith.constant 0 : i32
    %dma_start3A_24 = arith.constant 0 : i32
    %dma_start3A_25 = tpu.memref_slice %arg2[%dma_start3A, %dma_start3A_24] : memref<20000x128xf32, #tpu.memory_space<hbm>> -> memref<20000x128xf32, #tpu.memory_space<hbm>>
    tpu.enqueue_indirect_dma source(%dma_start3A_25 : memref<20000x128xf32, #tpu.memory_space<hbm>>) target(%arg10 : memref<80x128xf32, #tpu.memory_space<vmem>>) offsets(%arg6 : memref<80xi32, #tpu.memory_space<vmem>>) semaphore(%arg14 : memref<!tpu.dma_semaphore, #tpu.memory_space<semaphore_mem>>)
    %add3A_26 = arith.constant 80 : i32
    %add3A_27 = arith.addi %add3A_19, %add3A_26 : i32
    "tpu.region"() ({
      %run_scoped3A = tpu.sem_alloc : memref<!tpu.dma_semaphore, #tpu.memory_space<semaphore_mem>>
      %dma_start3A_51 = tpu.memref_slice %arg3[%add3A_27] : memref<640000xi32, #tpu.memory_space<hbm>> -> memref<80xi32, #tpu.memory_space<hbm>>
      %dma_start3A_52 = tpu.memref_slice %arg3[%add3A_27] : memref<640000xi32, #tpu.memory_space<hbm>> -> memref<80xi32, #tpu.memory_space<hbm>>
      tpu.enqueue_dma source(%dma_start3A_52 : memref<80xi32, #tpu.memory_space<hbm>>) target(%arg8 : memref<80xi32, #tpu.memory_space<vmem>>) target_semaphore(%run_scoped3A : memref<!tpu.dma_semaphore, #tpu.memory_space<semaphore_mem>>)
      %dma_wait3A_53 = tpu.memref_slice %arg3[%add3A_27] : memref<640000xi32, #tpu.memory_space<hbm>> -> memref<80xi32, #tpu.memory_space<hbm>>
      %dma_wait3A_54 = tpu.memref_slice %arg3[%add3A_27] : memref<640000xi32, #tpu.memory_space<hbm>> -> memref<80xi32, #tpu.memory_space<hbm>>
      tpu.wait_dma2 semaphore(%run_scoped3A : memref<!tpu.dma_semaphore, #tpu.memory_space<semaphore_mem>>) src(%dma_wait3A_54 : memref<80xi32, #tpu.memory_space<hbm>>) dst(%arg8 : memref<80xi32, #tpu.memory_space<vmem>>)
      tpu.yield
    }) : () -> ()
    %add3A_28 = arith.constant 80 : i32
    %add3A_29 = arith.addi %add3A_19, %add3A_28 : i32
    "tpu.region"() ({
      %run_scoped3A = tpu.sem_alloc : memref<!tpu.dma_semaphore, #tpu.memory_space<semaphore_mem>>
      %dma_start3A_51 = tpu.memref_slice %arg4[%add3A_29] : memref<640000xi32, #tpu.memory_space<hbm>> -> memref<80xi32, #tpu.memory_space<hbm>>
      %dma_start3A_52 = tpu.memref_slice %arg4[%add3A_29] : memref<640000xi32, #tpu.memory_space<hbm>> -> memref<80xi32, #tpu.memory_space<hbm>>
      tpu.enqueue_dma source(%dma_start3A_52 : memref<80xi32, #tpu.memory_space<hbm>>) target(%arg9 : memref<80xi32, #tpu.memory_space<vmem>>) target_semaphore(%run_scoped3A : memref<!tpu.dma_semaphore, #tpu.memory_space<semaphore_mem>>)
      %dma_wait3A_53 = tpu.memref_slice %arg4[%add3A_29] : memref<640000xi32, #tpu.memory_space<hbm>> -> memref<80xi32, #tpu.memory_space<hbm>>
      %dma_wait3A_54 = tpu.memref_slice %arg4[%add3A_29] : memref<640000xi32, #tpu.memory_space<hbm>> -> memref<80xi32, #tpu.memory_space<hbm>>
      tpu.wait_dma2 semaphore(%run_scoped3A : memref<!tpu.dma_semaphore, #tpu.memory_space<semaphore_mem>>) src(%dma_wait3A_54 : memref<80xi32, #tpu.memory_space<hbm>>) dst(%arg9 : memref<80xi32, #tpu.memory_space<vmem>>)
      tpu.yield
    }) : () -> ()
    %dma_start3A_30 = arith.constant 0 : i32
    %dma_start3A_31 = arith.constant 0 : i32
    %dma_start3A_32 = tpu.memref_slice %arg2[%dma_start3A_30, %dma_start3A_31] : memref<20000x128xf32, #tpu.memory_space<hbm>> -> memref<20000x128xf32, #tpu.memory_space<hbm>>
    tpu.enqueue_indirect_dma source(%dma_start3A_32 : memref<20000x128xf32, #tpu.memory_space<hbm>>) target(%arg11 : memref<80x128xf32, #tpu.memory_space<vmem>>) offsets(%arg8 : memref<80xi32, #tpu.memory_space<vmem>>) semaphore(%arg15 : memref<!tpu.dma_semaphore, #tpu.memory_space<semaphore_mem>>)
    %scan3A_33 = arith.constant 0 : i32
    %scan3A_34 = arith.constant 0 : i32
    %scan3A_35 = arith.constant 124 : i32
    %scan3A_36 = arith.addi %scan3A_34, %scan3A_35 : i32
    %scan3A_37 = arith.constant 1 : i32
    scf.for %scan3A_51 = %scan3A_34 to %scan3A_36 step %scan3A_37  : i32 {
      %mul3A_52 = arith.constant 2 : i32
      %mul3A_53 = arith.muli %mul3A_52, %scan3A_51 : i32
      %dma_wait3A_54 = arith.constant 0 : i32
      %dma_wait3A_55 = arith.constant 0 : i32
      %dma_wait3A_56 = tpu.memref_slice %arg2[%dma_wait3A_54, %dma_wait3A_55] : memref<20000x128xf32, #tpu.memory_space<hbm>> -> memref<20000x128xf32, #tpu.memory_space<hbm>>
      tpu.wait_indirect_dma semaphore(%arg14 : memref<!tpu.dma_semaphore, #tpu.memory_space<semaphore_mem>>) src(%dma_wait3A_56 : memref<20000x128xf32, #tpu.memory_space<hbm>>) dst(%arg10 : memref<80x128xf32, #tpu.memory_space<vmem>>)
      "tpu.region"() ({
        %run_scoped3A = tpu.sem_alloc : memref<!tpu.dma_semaphore, #tpu.memory_space<semaphore_mem>>
        %dma_start3A_82 = arith.constant 0 : i32
        %dma_start3A_83 = arith.constant 0 : i32
        %dma_start3A_84 = tpu.memref_slice %arg13[%dma_start3A_82, %dma_start3A_83] : memref<10240x128xf32, #tpu.memory_space<vmem_shared>> -> memref<10240x128xf32, #tpu.memory_space<vmem_shared>>
        tpu.enqueue_indirect_dma source(%arg10 : memref<80x128xf32, #tpu.memory_space<vmem>>) target(%dma_start3A_84 : memref<10240x128xf32, #tpu.memory_space<vmem_shared>>) offsets(%arg7 : memref<80xi32, #tpu.memory_space<vmem>>) semaphore(%run_scoped3A : memref<!tpu.dma_semaphore, #tpu.memory_space<semaphore_mem>>) {add = true}
        %dma_wait3A_85 = arith.constant 0 : i32
        %dma_wait3A_86 = arith.constant 0 : i32
        %dma_wait3A_87 = tpu.memref_slice %arg13[%dma_wait3A_85, %dma_wait3A_86] : memref<10240x128xf32, #tpu.memory_space<vmem_shared>> -> memref<10240x128xf32, #tpu.memory_space<vmem_shared>>
        tpu.wait_indirect_dma semaphore(%run_scoped3A : memref<!tpu.dma_semaphore, #tpu.memory_space<semaphore_mem>>) src(%arg10 : memref<80x128xf32, #tpu.memory_space<vmem>>) dst(%dma_wait3A_87 : memref<10240x128xf32, #tpu.memory_space<vmem_shared>>)
        tpu.yield
      }) : () -> ()
      %add3A_57 = arith.constant 2 : i32
      %add3A_58 = arith.addi %mul3A_53, %add3A_57 : i32
      %mul3A_59 = arith.constant 80 : i32
      %mul3A_60 = arith.muli %add3A_58, %mul3A_59 : i32
      %add3A_61 = arith.addi %add3A_19, %mul3A_60 : i32
      "tpu.region"() ({
        %run_scoped3A = tpu.sem_alloc : memref<!tpu.dma_semaphore, #tpu.memory_space<semaphore_mem>>
        %dma_start3A_82 = tpu.memref_slice %arg3[%add3A_61] : memref<640000xi32, #tpu.memory_space<hbm>> -> memref<80xi32, #tpu.memory_space<hbm>>
        %dma_start3A_83 = tpu.memref_slice %arg3[%add3A_61] : memref<640000xi32, #tpu.memory_space<hbm>> -> memref<80xi32, #tpu.memory_space<hbm>>
        tpu.enqueue_dma source(%dma_start3A_83 : memref<80xi32, #tpu.memory_space<hbm>>) target(%arg6 : memref<80xi32, #tpu.memory_space<vmem>>) target_semaphore(%run_scoped3A : memref<!tpu.dma_semaphore, #tpu.memory_space<semaphore_mem>>)
        %dma_wait3A_84 = tpu.memref_slice %arg3[%add3A_61] : memref<640000xi32, #tpu.memory_space<hbm>> -> memref<80xi32, #tpu.memory_space<hbm>>
        %dma_wait3A_85 = tpu.memref_slice %arg3[%add3A_61] : memref<640000xi32, #tpu.memory_space<hbm>> -> memref<80xi32, #tpu.memory_space<hbm>>
        tpu.wait_dma2 semaphore(%run_scoped3A : memref<!tpu.dma_semaphore, #tpu.memory_space<semaphore_mem>>) src(%dma_wait3A_85 : memref<80xi32, #tpu.memory_space<hbm>>) dst(%arg6 : memref<80xi32, #tpu.memory_space<vmem>>)
        tpu.yield
      }) : () -> ()
      %mul3A_62 = arith.constant 80 : i32
      %mul3A_63 = arith.muli %add3A_58, %mul3A_62 : i32
      %add3A_64 = arith.addi %add3A_19, %mul3A_63 : i32
      "tpu.region"() ({
        %run_scoped3A = tpu.sem_alloc : memref<!tpu.dma_semaphore, #tpu.memory_space<semaphore_mem>>
        %dma_start3A_82 = tpu.memref_slice %arg4[%add3A_64] : memref<640000xi32, #tpu.memory_space<hbm>> -> memref<80xi32, #tpu.memory_space<hbm>>
        %dma_start3A_83 = tpu.memref_slice %arg4[%add3A_64] : memref<640000xi32, #tpu.memory_space<hbm>> -> memref<80xi32, #tpu.memory_space<hbm>>
        tpu.enqueue_dma source(%dma_start3A_83 : memref<80xi32, #tpu.memory_space<hbm>>) target(%arg7 : memref<80xi32, #tpu.memory_space<vmem>>) target_semaphore(%run_scoped3A : memref<!tpu.dma_semaphore, #tpu.memory_space<semaphore_mem>>)
        %dma_wait3A_84 = tpu.memref_slice %arg4[%add3A_64] : memref<640000xi32, #tpu.memory_space<hbm>> -> memref<80xi32, #tpu.memory_space<hbm>>
        %dma_wait3A_85 = tpu.memref_slice %arg4[%add3A_64] : memref<640000xi32, #tpu.memory_space<hbm>> -> memref<80xi32, #tpu.memory_space<hbm>>
        tpu.wait_dma2 semaphore(%run_scoped3A : memref<!tpu.dma_semaphore, #tpu.memory_space<semaphore_mem>>) src(%dma_wait3A_85 : memref<80xi32, #tpu.memory_space<hbm>>) dst(%arg7 : memref<80xi32, #tpu.memory_space<vmem>>)
        tpu.yield
      }) : () -> ()
      %dma_start3A_65 = arith.constant 0 : i32
      %dma_start3A_66 = arith.constant 0 : i32
      %dma_start3A_67 = tpu.memref_slice %arg2[%dma_start3A_65, %dma_start3A_66] : memref<20000x128xf32, #tpu.memory_space<hbm>> -> memref<20000x128xf32, #tpu.memory_space<hbm>>
      tpu.enqueue_indirect_dma source(%dma_start3A_67 : memref<20000x128xf32, #tpu.memory_space<hbm>>) target(%arg10 : memref<80x128xf32, #tpu.memory_space<vmem>>) offsets(%arg6 : memref<80xi32, #tpu.memory_space<vmem>>) semaphore(%arg14 : memref<!tpu.dma_semaphore, #tpu.memory_space<semaphore_mem>>)
      %dma_wait3A_68 = arith.constant 0 : i32
      %dma_wait3A_69 = arith.constant 0 : i32
      %dma_wait3A_70 = tpu.memref_slice %arg2[%dma_wait3A_68, %dma_wait3A_69] : memref<20000x128xf32, #tpu.memory_space<hbm>> -> memref<20000x128xf32, #tpu.memory_space<hbm>>
      tpu.wait_indirect_dma semaphore(%arg15 : memref<!tpu.dma_semaphore, #tpu.memory_space<semaphore_mem>>) src(%dma_wait3A_70 : memref<20000x128xf32, #tpu.memory_space<hbm>>) dst(%arg11 : memref<80x128xf32, #tpu.memory_space<vmem>>)
      "tpu.region"() ({
        %run_scoped3A = tpu.sem_alloc : memref<!tpu.dma_semaphore, #tpu.memory_space<semaphore_mem>>
        %dma_start3A_82 = arith.constant 0 : i32
        %dma_start3A_83 = arith.constant 0 : i32
        %dma_start3A_84 = tpu.memref_slice %arg13[%dma_start3A_82, %dma_start3A_83] : memref<10240x128xf32, #tpu.memory_space<vmem_shared>> -> memref<10240x128xf32, #tpu.memory_space<vmem_shared>>
        tpu.enqueue_indirect_dma source(%arg11 : memref<80x128xf32, #tpu.memory_space<vmem>>) target(%dma_start3A_84 : memref<10240x128xf32, #tpu.memory_space<vmem_shared>>) offsets(%arg9 : memref<80xi32, #tpu.memory_space<vmem>>) semaphore(%run_scoped3A : memref<!tpu.dma_semaphore, #tpu.memory_space<semaphore_mem>>) {add = true}
        %dma_wait3A_85 = arith.constant 0 : i32
        %dma_wait3A_86 = arith.constant 0 : i32
        %dma_wait3A_87 = tpu.memref_slice %arg13[%dma_wait3A_85, %dma_wait3A_86] : memref<10240x128xf32, #tpu.memory_space<vmem_shared>> -> memref<10240x128xf32, #tpu.memory_space<vmem_shared>>
        tpu.wait_indirect_dma semaphore(%run_scoped3A : memref<!tpu.dma_semaphore, #tpu.memory_space<semaphore_mem>>) src(%arg11 : memref<80x128xf32, #tpu.memory_space<vmem>>) dst(%dma_wait3A_87 : memref<10240x128xf32, #tpu.memory_space<vmem_shared>>)
        tpu.yield
      }) : () -> ()
      %add3A_71 = arith.constant 3 : i32
      %add3A_72 = arith.addi %mul3A_53, %add3A_71 : i32
      %mul3A_73 = arith.constant 80 : i32
      %mul3A_74 = arith.muli %add3A_72, %mul3A_73 : i32
      %add3A_75 = arith.addi %add3A_19, %mul3A_74 : i32
      "tpu.region"() ({
        %run_scoped3A = tpu.sem_alloc : memref<!tpu.dma_semaphore, #tpu.memory_space<semaphore_mem>>
        %dma_start3A_82 = tpu.memref_slice %arg3[%add3A_75] : memref<640000xi32, #tpu.memory_space<hbm>> -> memref<80xi32, #tpu.memory_space<hbm>>
        %dma_start3A_83 = tpu.memref_slice %arg3[%add3A_75] : memref<640000xi32, #tpu.memory_space<hbm>> -> memref<80xi32, #tpu.memory_space<hbm>>
        tpu.enqueue_dma source(%dma_start3A_83 : memref<80xi32, #tpu.memory_space<hbm>>) target(%arg8 : memref<80xi32, #tpu.memory_space<vmem>>) target_semaphore(%run_scoped3A : memref<!tpu.dma_semaphore, #tpu.memory_space<semaphore_mem>>)
        %dma_wait3A_84 = tpu.memref_slice %arg3[%add3A_75] : memref<640000xi32, #tpu.memory_space<hbm>> -> memref<80xi32, #tpu.memory_space<hbm>>
        %dma_wait3A_85 = tpu.memref_slice %arg3[%add3A_75] : memref<640000xi32, #tpu.memory_space<hbm>> -> memref<80xi32, #tpu.memory_space<hbm>>
        tpu.wait_dma2 semaphore(%run_scoped3A : memref<!tpu.dma_semaphore, #tpu.memory_space<semaphore_mem>>) src(%dma_wait3A_85 : memref<80xi32, #tpu.memory_space<hbm>>) dst(%arg8 : memref<80xi32, #tpu.memory_space<vmem>>)
        tpu.yield
      }) : () -> ()
      %mul3A_76 = arith.constant 80 : i32
      %mul3A_77 = arith.muli %add3A_72, %mul3A_76 : i32
      %add3A_78 = arith.addi %add3A_19, %mul3A_77 : i32
      "tpu.region"() ({
        %run_scoped3A = tpu.sem_alloc : memref<!tpu.dma_semaphore, #tpu.memory_space<semaphore_mem>>
        %dma_start3A_82 = tpu.memref_slice %arg4[%add3A_78] : memref<640000xi32, #tpu.memory_space<hbm>> -> memref<80xi32, #tpu.memory_space<hbm>>
        %dma_start3A_83 = tpu.memref_slice %arg4[%add3A_78] : memref<640000xi32, #tpu.memory_space<hbm>> -> memref<80xi32, #tpu.memory_space<hbm>>
        tpu.enqueue_dma source(%dma_start3A_83 : memref<80xi32, #tpu.memory_space<hbm>>) target(%arg9 : memref<80xi32, #tpu.memory_space<vmem>>) target_semaphore(%run_scoped3A : memref<!tpu.dma_semaphore, #tpu.memory_space<semaphore_mem>>)
        %dma_wait3A_84 = tpu.memref_slice %arg4[%add3A_78] : memref<640000xi32, #tpu.memory_space<hbm>> -> memref<80xi32, #tpu.memory_space<hbm>>
        %dma_wait3A_85 = tpu.memref_slice %arg4[%add3A_78] : memref<640000xi32, #tpu.memory_space<hbm>> -> memref<80xi32, #tpu.memory_space<hbm>>
        tpu.wait_dma2 semaphore(%run_scoped3A : memref<!tpu.dma_semaphore, #tpu.memory_space<semaphore_mem>>) src(%dma_wait3A_85 : memref<80xi32, #tpu.memory_space<hbm>>) dst(%arg9 : memref<80xi32, #tpu.memory_space<vmem>>)
        tpu.yield
      }) : () -> ()
      %dma_start3A_79 = arith.constant 0 : i32
      %dma_start3A_80 = arith.constant 0 : i32
      %dma_start3A_81 = tpu.memref_slice %arg2[%dma_start3A_79, %dma_start3A_80] : memref<20000x128xf32, #tpu.memory_space<hbm>> -> memref<20000x128xf32, #tpu.memory_space<hbm>>
      tpu.enqueue_indirect_dma source(%dma_start3A_81 : memref<20000x128xf32, #tpu.memory_space<hbm>>) target(%arg11 : memref<80x128xf32, #tpu.memory_space<vmem>>) offsets(%arg8 : memref<80xi32, #tpu.memory_space<vmem>>) semaphore(%arg15 : memref<!tpu.dma_semaphore, #tpu.memory_space<semaphore_mem>>)
    }
    %scan3A_38 = arith.constant 124 : i32
    %dma_wait3A = arith.constant 0 : i32
    %dma_wait3A_39 = arith.constant 0 : i32
    %dma_wait3A_40 = tpu.memref_slice %arg2[%dma_wait3A, %dma_wait3A_39] : memref<20000x128xf32, #tpu.memory_space<hbm>> -> memref<20000x128xf32, #tpu.memory_space<hbm>>
    tpu.wait_indirect_dma semaphore(%arg14 : memref<!tpu.dma_semaphore, #tpu.memory_space<semaphore_mem>>) src(%dma_wait3A_40 : memref<20000x128xf32, #tpu.memory_space<hbm>>) dst(%arg10 : memref<80x128xf32, #tpu.memory_space<vmem>>)
    "tpu.region"() ({
      %run_scoped3A = tpu.sem_alloc : memref<!tpu.dma_semaphore, #tpu.memory_space<semaphore_mem>>
      %dma_start3A_51 = arith.constant 0 : i32
      %dma_start3A_52 = arith.constant 0 : i32
      %dma_start3A_53 = tpu.memref_slice %arg13[%dma_start3A_51, %dma_start3A_52] : memref<10240x128xf32, #tpu.memory_space<vmem_shared>> -> memref<10240x128xf32, #tpu.memory_space<vmem_shared>>
      tpu.enqueue_indirect_dma source(%arg10 : memref<80x128xf32, #tpu.memory_space<vmem>>) target(%dma_start3A_53 : memref<10240x128xf32, #tpu.memory_space<vmem_shared>>) offsets(%arg7 : memref<80xi32, #tpu.memory_space<vmem>>) semaphore(%run_scoped3A : memref<!tpu.dma_semaphore, #tpu.memory_space<semaphore_mem>>) {add = true}
      %dma_wait3A_54 = arith.constant 0 : i32
      %dma_wait3A_55 = arith.constant 0 : i32
      %dma_wait3A_56 = tpu.memref_slice %arg13[%dma_wait3A_54, %dma_wait3A_55] : memref<10240x128xf32, #tpu.memory_space<vmem_shared>> -> memref<10240x128xf32, #tpu.memory_space<vmem_shared>>
      tpu.wait_indirect_dma semaphore(%run_scoped3A : memref<!tpu.dma_semaphore, #tpu.memory_space<semaphore_mem>>) src(%arg10 : memref<80x128xf32, #tpu.memory_space<vmem>>) dst(%dma_wait3A_56 : memref<10240x128xf32, #tpu.memory_space<vmem_shared>>)
      tpu.yield
    }) : () -> ()
    %dma_wait3A_41 = arith.constant 0 : i32
    %dma_wait3A_42 = arith.constant 0 : i32
    %dma_wait3A_43 = tpu.memref_slice %arg2[%dma_wait3A_41, %dma_wait3A_42] : memref<20000x128xf32, #tpu.memory_space<hbm>> -> memref<20000x128xf32, #tpu.memory_space<hbm>>
    tpu.wait_indirect_dma semaphore(%arg15 : memref<!tpu.dma_semaphore, #tpu.memory_space<semaphore_mem>>) src(%dma_wait3A_43 : memref<20000x128xf32, #tpu.memory_space<hbm>>) dst(%arg11 : memref<80x128xf32, #tpu.memory_space<vmem>>)
    "tpu.region"() ({
      %run_scoped3A = tpu.sem_alloc : memref<!tpu.dma_semaphore, #tpu.memory_space<semaphore_mem>>
      %dma_start3A_51 = arith.constant 0 : i32
      %dma_start3A_52 = arith.constant 0 : i32
      %dma_start3A_53 = tpu.memref_slice %arg13[%dma_start3A_51, %dma_start3A_52] : memref<10240x128xf32, #tpu.memory_space<vmem_shared>> -> memref<10240x128xf32, #tpu.memory_space<vmem_shared>>
      tpu.enqueue_indirect_dma source(%arg11 : memref<80x128xf32, #tpu.memory_space<vmem>>) target(%dma_start3A_53 : memref<10240x128xf32, #tpu.memory_space<vmem_shared>>) offsets(%arg9 : memref<80xi32, #tpu.memory_space<vmem>>) semaphore(%run_scoped3A : memref<!tpu.dma_semaphore, #tpu.memory_space<semaphore_mem>>) {add = true}
      %dma_wait3A_54 = arith.constant 0 : i32
      %dma_wait3A_55 = arith.constant 0 : i32
      %dma_wait3A_56 = tpu.memref_slice %arg13[%dma_wait3A_54, %dma_wait3A_55] : memref<10240x128xf32, #tpu.memory_space<vmem_shared>> -> memref<10240x128xf32, #tpu.memory_space<vmem_shared>>
      tpu.wait_indirect_dma semaphore(%run_scoped3A : memref<!tpu.dma_semaphore, #tpu.memory_space<semaphore_mem>>) src(%arg11 : memref<80x128xf32, #tpu.memory_space<vmem>>) dst(%dma_wait3A_56 : memref<10240x128xf32, #tpu.memory_space<vmem_shared>>)
      tpu.yield
    }) : () -> ()
    %barrier3A_44 = arith.constant 0 : index
    tpu.barrier barrier_id(%barrier3A_44)
    %lt3A = arith.constant 15 : i32
    %lt3A_45 = arith.cmpi slt, %arg1, %lt3A : i32
    %convert_element_type3A = arith.extui %lt3A_45 : i1 to i32
    %cond3A = arith.constant 0 : i32
    %cond3A_46 = arith.cmpi ne, %convert_element_type3A, %cond3A : i32
    scf.if %cond3A_46 {
      "tpu.region"() ({
        %run_scoped3A = tpu.sem_alloc : memref<!tpu.dma_semaphore, #tpu.memory_space<semaphore_mem>>
        %dma_start3A_51 = arith.constant 0 : i32
        %dma_start3A_52 = tpu.memref_slice %arg5[%arg0, %mul3A_5, %dma_start3A_51] : memref<2x10000x128xf32, #tpu.memory_space<hbm>> -> memref<1x640x128xf32, #tpu.memory_space<hbm>>
        %dma_start3A_53 = tpu.memref_squeeze %dma_start3A_52 : memref<1x640x128xf32, #tpu.memory_space<hbm>> -> memref<640x128xf32, #tpu.memory_space<hbm>>
        %dma_start3A_54 = arith.constant 0 : i32
        %dma_start3A_55 = tpu.memref_slice %arg13[%mul3A_5, %dma_start3A_54] : memref<10240x128xf32, #tpu.memory_space<vmem_shared>> -> memref<640x128xf32, #tpu.memory_space<vmem_shared>>
        tpu.enqueue_dma source(%dma_start3A_55 : memref<640x128xf32, #tpu.memory_space<vmem_shared>>) target(%dma_start3A_53 : memref<640x128xf32, #tpu.memory_space<hbm>>) target_semaphore(%run_scoped3A : memref<!tpu.dma_semaphore, #tpu.memory_space<semaphore_mem>>)
        %dma_wait3A_56 = arith.constant 0 : i32
        %dma_wait3A_57 = tpu.memref_slice %arg5[%arg0, %mul3A_5, %dma_wait3A_56] : memref<2x10000x128xf32, #tpu.memory_space<hbm>> -> memref<1x640x128xf32, #tpu.memory_space<hbm>>
        %dma_wait3A_58 = tpu.memref_squeeze %dma_wait3A_57 : memref<1x640x128xf32, #tpu.memory_space<hbm>> -> memref<640x128xf32, #tpu.memory_space<hbm>>
        %dma_wait3A_59 = arith.constant 0 : i32
        %dma_wait3A_60 = tpu.memref_slice %arg13[%mul3A_5, %dma_wait3A_59] : memref<10240x128xf32, #tpu.memory_space<vmem_shared>> -> memref<640x128xf32, #tpu.memory_space<vmem_shared>>
        tpu.wait_dma2 semaphore(%run_scoped3A : memref<!tpu.dma_semaphore, #tpu.memory_space<semaphore_mem>>) src(%dma_wait3A_60 : memref<640x128xf32, #tpu.memory_space<vmem_shared>>) dst(%dma_wait3A_58 : memref<640x128xf32, #tpu.memory_space<hbm>>)
        tpu.yield
      }) : () -> ()
    } else {
    }
    %eq3A = arith.constant 15 : i32
    %eq3A_47 = arith.cmpi eq, %arg1, %eq3A : i32
    %convert_element_type3A_48 = arith.extui %eq3A_47 : i1 to i32
    %cond3A_49 = arith.constant 0 : i32
    %cond3A_50 = arith.cmpi ne, %convert_element_type3A_48, %cond3A_49 : i32
    scf.if %cond3A_50 {
      "tpu.region"() ({
        %run_scoped3A = tpu.sem_alloc : memref<!tpu.dma_semaphore, #tpu.memory_space<semaphore_mem>>
        %dma_start3A_51 = arith.constant 9600 : i32
        %dma_start3A_52 = arith.constant 0 : i32
        %dma_start3A_53 = tpu.memref_slice %arg5[%arg0, %dma_start3A_51, %dma_start3A_52] : memref<2x10000x128xf32, #tpu.memory_space<hbm>> -> memref<1x400x128xf32, #tpu.memory_space<hbm>>
        %dma_start3A_54 = tpu.memref_squeeze %dma_start3A_53 : memref<1x400x128xf32, #tpu.memory_space<hbm>> -> memref<400x128xf32, #tpu.memory_space<hbm>>
        %dma_start3A_55 = arith.constant 9600 : i32
        %dma_start3A_56 = arith.constant 0 : i32
        %dma_start3A_57 = tpu.memref_slice %arg13[%dma_start3A_55, %dma_start3A_56] : memref<10240x128xf32, #tpu.memory_space<vmem_shared>> -> memref<400x128xf32, #tpu.memory_space<vmem_shared>>
        tpu.enqueue_dma source(%dma_start3A_57 : memref<400x128xf32, #tpu.memory_space<vmem_shared>>) target(%dma_start3A_54 : memref<400x128xf32, #tpu.memory_space<hbm>>) target_semaphore(%run_scoped3A : memref<!tpu.dma_semaphore, #tpu.memory_space<semaphore_mem>>)
        %dma_wait3A_58 = arith.constant 9600 : i32
        %dma_wait3A_59 = arith.constant 0 : i32
        %dma_wait3A_60 = tpu.memref_slice %arg5[%arg0, %dma_wait3A_58, %dma_wait3A_59] : memref<2x10000x128xf32, #tpu.memory_space<hbm>> -> memref<1x400x128xf32, #tpu.memory_space<hbm>>
        %dma_wait3A_61 = tpu.memref_squeeze %dma_wait3A_60 : memref<1x400x128xf32, #tpu.memory_space<hbm>> -> memref<400x128xf32, #tpu.memory_space<hbm>>
        %dma_wait3A_62 = arith.constant 9600 : i32
        %dma_wait3A_63 = arith.constant 0 : i32
        %dma_wait3A_64 = tpu.memref_slice %arg13[%dma_wait3A_62, %dma_wait3A_63] : memref<10240x128xf32, #tpu.memory_space<vmem_shared>> -> memref<400x128xf32, #tpu.memory_space<vmem_shared>>
        tpu.wait_dma2 semaphore(%run_scoped3A : memref<!tpu.dma_semaphore, #tpu.memory_space<semaphore_mem>>) src(%dma_wait3A_64 : memref<400x128xf32, #tpu.memory_space<vmem_shared>>) dst(%dma_wait3A_61 : memref<400x128xf32, #tpu.memory_space<hbm>>)
        tpu.yield
      }) : () -> ()
    } else {
    }
    return
  }
}

#map = affine_map<(d0, d1) -> (0, 0)>
#map1 = affine_map<(d0, d1) -> (0)>
#map2 = affine_map<(d0, d1) -> (0, 0, 0)>
module attributes {stable_mosaic.version = 14 : i64} {
  func.func @_sc_body(%arg0: i32, %arg1: i32, %arg2: memref<20000x128xf32, #tpu.memory_space<hbm>>, %arg3: memref<640000xi32, #tpu.memory_space<hbm>>, %arg4: memref<640000xi32, #tpu.memory_space<hbm>>, %arg5: memref<2x10000x128xf32, #tpu.memory_space<hbm>>, %arg6: memref<80xi32, #tpu.memory_space<vmem>>, %arg7: memref<80xi32, #tpu.memory_space<vmem>>, %arg8: memref<80xi32, #tpu.memory_space<vmem>>, %arg9: memref<80xi32, #tpu.memory_space<vmem>>, %arg10: memref<80x128xf32, #tpu.memory_space<vmem>>, %arg11: memref<80x128xf32, #tpu.memory_space<vmem>>, %arg12: memref<128x128xf32, #tpu.memory_space<vmem>>, %arg13: memref<10240x128xf32, #tpu.memory_space<vmem_shared>>, %arg14: memref<!tpu.dma_semaphore, #tpu.memory_space<semaphore_mem>>, %arg15: memref<!tpu.dma_semaphore, #tpu.memory_space<semaphore_mem>>) attributes {dimension_semantics = [#tpu.dimension_semantics<core_parallel>, #tpu.dimension_semantics<subcore_parallel>], iteration_bounds = array<i64: 2, 16>, scalar_prefetch = 0 : i64, scratch_operands = 10 : i64, tpu.core_type = #tpu.core_type<sc_vector_subcore>, window_params = [{transform_indices = #map}, {transform_indices = #map1}, {transform_indices = #map1}, {transform_indices = #map2}]} {
    %scan3A = arith.constant 0 : i32
    %scan3A_0 = arith.constant 0 : i32
    %scan3A_1 = arith.constant 128 : i32
    %scan3A_2 = arith.addi %scan3A_0, %scan3A_1 : i32
    %scan3A_3 = arith.constant 1 : i32
    scf.for %scan3A_51 = %scan3A_0 to %scan3A_2 step %scan3A_3  : i32 {
      %broadcast_in_dim3A = arith.constant 0.000000e+00 : f32
      %broadcast_in_dim3A_52 = vector.broadcast %broadcast_in_dim3A : f32 to vector<16xf32>
      %swap3A = arith.index_cast %scan3A_51 : i32 to index
      %swap3A_53 = arith.constant 0 : index
      %swap3A_54 = tpu.vector_load %arg12[%swap3A, %swap3A_53] {strides = array<i32>} : memref<128x128xf32, #tpu.memory_space<vmem>>, vector<1x16xf32>,
      %swap3A_55 = vector.shape_cast %swap3A_54 : vector<1x16xf32> to vector<16xf32>
      %swap3A_56 = vector.shape_cast %broadcast_in_dim3A_52 : vector<16xf32> to vector<1x16xf32>
      tpu.vector_store %arg12[%swap3A, %swap3A_53], %swap3A_56 {strides = array<i32>} : memref<128x128xf32, #tpu.memory_space<vmem>>, vector<1x16xf32>,
      %broadcast_in_dim3A_57 = arith.constant 0.000000e+00 : f32
      %broadcast_in_dim3A_58 = vector.broadcast %broadcast_in_dim3A_57 : f32 to vector<16xf32>
      %swap3A_59 = arith.index_cast %scan3A_51 : i32 to index
      %swap3A_60 = arith.constant 16 : index
      %swap3A_61 = tpu.vector_load %arg12[%swap3A_59, %swap3A_60] {strides = array<i32>} : memref<128x128xf32, #tpu.memory_space<vmem>>, vector<1x16xf32>,
      %swap3A_62 = vector.shape_cast %swap3A_61 : vector<1x16xf32> to vector<16xf32>
      %swap3A_63 = vector.shape_cast %broadcast_in_dim3A_58 : vector<16xf32> to vector<1x16xf32>
      tpu.vector_store %arg12[%swap3A_59, %swap3A_60], %swap3A_63 {strides = array<i32>} : memref<128x128xf32, #tpu.memory_space<vmem>>, vector<1x16xf32>,
      %broadcast_in_dim3A_64 = arith.constant 0.000000e+00 : f32
      %broadcast_in_dim3A_65 = vector.broadcast %broadcast_in_dim3A_64 : f32 to vector<16xf32>
      %swap3A_66 = arith.index_cast %scan3A_51 : i32 to index
      %swap3A_67 = arith.constant 32 : index
      %swap3A_68 = tpu.vector_load %arg12[%swap3A_66, %swap3A_67] {strides = array<i32>} : memref<128x128xf32, #tpu.memory_space<vmem>>, vector<1x16xf32>,
      %swap3A_69 = vector.shape_cast %swap3A_68 : vector<1x16xf32> to vector<16xf32>
      %swap3A_70 = vector.shape_cast %broadcast_in_dim3A_65 : vector<16xf32> to vector<1x16xf32>
      tpu.vector_store %arg12[%swap3A_66, %swap3A_67], %swap3A_70 {strides = array<i32>} : memref<128x128xf32, #tpu.memory_space<vmem>>, vector<1x16xf32>,
      %broadcast_in_dim3A_71 = arith.constant 0.000000e+00 : f32
      %broadcast_in_dim3A_72 = vector.broadcast %broadcast_in_dim3A_71 : f32 to vector<16xf32>
      %swap3A_73 = arith.index_cast %scan3A_51 : i32 to index
      %swap3A_74 = arith.constant 48 : index
      %swap3A_75 = tpu.vector_load %arg12[%swap3A_73, %swap3A_74] {strides = array<i32>} : memref<128x128xf32, #tpu.memory_space<vmem>>, vector<1x16xf32>,
      %swap3A_76 = vector.shape_cast %swap3A_75 : vector<1x16xf32> to vector<16xf32>
      %swap3A_77 = vector.shape_cast %broadcast_in_dim3A_72 : vector<16xf32> to vector<1x16xf32>
      tpu.vector_store %arg12[%swap3A_73, %swap3A_74], %swap3A_77 {strides = array<i32>} : memref<128x128xf32, #tpu.memory_space<vmem>>, vector<1x16xf32>,
      %broadcast_in_dim3A_78 = arith.constant 0.000000e+00 : f32
      %broadcast_in_dim3A_79 = vector.broadcast %broadcast_in_dim3A_78 : f32 to vector<16xf32>
      %swap3A_80 = arith.index_cast %scan3A_51 : i32 to index
      %swap3A_81 = arith.constant 64 : index
      %swap3A_82 = tpu.vector_load %arg12[%swap3A_80, %swap3A_81] {strides = array<i32>} : memref<128x128xf32, #tpu.memory_space<vmem>>, vector<1x16xf32>,
      %swap3A_83 = vector.shape_cast %swap3A_82 : vector<1x16xf32> to vector<16xf32>
      %swap3A_84 = vector.shape_cast %broadcast_in_dim3A_79 : vector<16xf32> to vector<1x16xf32>
      tpu.vector_store %arg12[%swap3A_80, %swap3A_81], %swap3A_84 {strides = array<i32>} : memref<128x128xf32, #tpu.memory_space<vmem>>, vector<1x16xf32>,
      %broadcast_in_dim3A_85 = arith.constant 0.000000e+00 : f32
      %broadcast_in_dim3A_86 = vector.broadcast %broadcast_in_dim3A_85 : f32 to vector<16xf32>
      %swap3A_87 = arith.index_cast %scan3A_51 : i32 to index
      %swap3A_88 = arith.constant 80 : index
      %swap3A_89 = tpu.vector_load %arg12[%swap3A_87, %swap3A_88] {strides = array<i32>} : memref<128x128xf32, #tpu.memory_space<vmem>>, vector<1x16xf32>,
      %swap3A_90 = vector.shape_cast %swap3A_89 : vector<1x16xf32> to vector<16xf32>
      %swap3A_91 = vector.shape_cast %broadcast_in_dim3A_86 : vector<16xf32> to vector<1x16xf32>
      tpu.vector_store %arg12[%swap3A_87, %swap3A_88], %swap3A_91 {strides = array<i32>} : memref<128x128xf32, #tpu.memory_space<vmem>>, vector<1x16xf32>,
      %broadcast_in_dim3A_92 = arith.constant 0.000000e+00 : f32
      %broadcast_in_dim3A_93 = vector.broadcast %broadcast_in_dim3A_92 : f32 to vector<16xf32>
      %swap3A_94 = arith.index_cast %scan3A_51 : i32 to index
      %swap3A_95 = arith.constant 96 : index
      %swap3A_96 = tpu.vector_load %arg12[%swap3A_94, %swap3A_95] {strides = array<i32>} : memref<128x128xf32, #tpu.memory_space<vmem>>, vector<1x16xf32>,
      %swap3A_97 = vector.shape_cast %swap3A_96 : vector<1x16xf32> to vector<16xf32>
      %swap3A_98 = vector.shape_cast %broadcast_in_dim3A_93 : vector<16xf32> to vector<1x16xf32>
      tpu.vector_store %arg12[%swap3A_94, %swap3A_95], %swap3A_98 {strides = array<i32>} : memref<128x128xf32, #tpu.memory_space<vmem>>, vector<1x16xf32>,
      %broadcast_in_dim3A_99 = arith.constant 0.000000e+00 : f32
      %broadcast_in_dim3A_100 = vector.broadcast %broadcast_in_dim3A_99 : f32 to vector<16xf32>
      %swap3A_101 = arith.index_cast %scan3A_51 : i32 to index
      %swap3A_102 = arith.constant 112 : index
      %swap3A_103 = tpu.vector_load %arg12[%swap3A_101, %swap3A_102] {strides = array<i32>} : memref<128x128xf32, #tpu.memory_space<vmem>>, vector<1x16xf32>,
      %swap3A_104 = vector.shape_cast %swap3A_103 : vector<1x16xf32> to vector<16xf32>
      %swap3A_105 = vector.shape_cast %broadcast_in_dim3A_100 : vector<16xf32> to vector<1x16xf32>
      tpu.vector_store %arg12[%swap3A_101, %swap3A_102], %swap3A_105 {strides = array<i32>} : memref<128x128xf32, #tpu.memory_space<vmem>>, vector<1x16xf32>,
    }
    %scan3A_4 = arith.constant 128 : i32
    %mul3A = arith.constant 640 : i32
    %mul3A_5 = arith.muli %arg1, %mul3A : i32
    %add3A = arith.constant 0 : i32
    %add3A_6 = arith.addi %mul3A_5, %add3A : i32
    "tpu.region"() ({
      %run_scoped3A = tpu.sem_alloc : memref<!tpu.dma_semaphore, #tpu.memory_space<semaphore_mem>>
      %dma_start3A_51 = arith.constant 0 : i32
      %dma_start3A_52 = tpu.memref_slice %arg13[%add3A_6, %dma_start3A_51] : memref<10240x128xf32, #tpu.memory_space<vmem_shared>> -> memref<128x128xf32, #tpu.memory_space<vmem_shared>>
      %dma_start3A_53 = arith.constant 0 : i32
      %dma_start3A_54 = tpu.memref_slice %arg13[%add3A_6, %dma_start3A_53] : memref<10240x128xf32, #tpu.memory_space<vmem_shared>> -> memref<128x128xf32, #tpu.memory_space<vmem_shared>>
      tpu.enqueue_dma source(%arg12 : memref<128x128xf32, #tpu.memory_space<vmem>>) target(%dma_start3A_54 : memref<128x128xf32, #tpu.memory_space<vmem_shared>>) target_semaphore(%run_scoped3A : memref<!tpu.dma_semaphore, #tpu.memory_space<semaphore_mem>>)
      %dma_wait3A_55 = arith.constant 0 : i32
      %dma_wait3A_56 = tpu.memref_slice %arg13[%add3A_6, %dma_wait3A_55] : memref<10240x128xf32, #tpu.memory_space<vmem_shared>> -> memref<128x128xf32, #tpu.memory_space<vmem_shared>>
      %dma_wait3A_57 = arith.constant 0 : i32
      %dma_wait3A_58 = tpu.memref_slice %arg13[%add3A_6, %dma_wait3A_57] : memref<10240x128xf32, #tpu.memory_space<vmem_shared>> -> memref<128x128xf32, #tpu.memory_space<vmem_shared>>
      tpu.wait_dma2 semaphore(%run_scoped3A : memref<!tpu.dma_semaphore, #tpu.memory_space<semaphore_mem>>) src(%arg12 : memref<128x128xf32, #tpu.memory_space<vmem>>) dst(%dma_wait3A_58 : memref<128x128xf32, #tpu.memory_space<vmem_shared>>)
      tpu.yield
    }) : () -> ()
    %add3A_7 = arith.constant 128 : i32
    %add3A_8 = arith.addi %mul3A_5, %add3A_7 : i32
    "tpu.region"() ({
      %run_scoped3A = tpu.sem_alloc : memref<!tpu.dma_semaphore, #tpu.memory_space<semaphore_mem>>
      %dma_start3A_51 = arith.constant 0 : i32
      %dma_start3A_52 = tpu.memref_slice %arg13[%add3A_8, %dma_start3A_51] : memref<10240x128xf32, #tpu.memory_space<vmem_shared>> -> memref<128x128xf32, #tpu.memory_space<vmem_shared>>
      %dma_start3A_53 = arith.constant 0 : i32
      %dma_start3A_54 = tpu.memref_slice %arg13[%add3A_8, %dma_start3A_53] : memref<10240x128xf32, #tpu.memory_space<vmem_shared>> -> memref<128x128xf32, #tpu.memory_space<vmem_shared>>
      tpu.enqueue_dma source(%arg12 : memref<128x128xf32, #tpu.memory_space<vmem>>) target(%dma_start3A_54 : memref<128x128xf32, #tpu.memory_space<vmem_shared>>) target_semaphore(%run_scoped3A : memref<!tpu.dma_semaphore, #tpu.memory_space<semaphore_mem>>)
      %dma_wait3A_55 = arith.constant 0 : i32
      %dma_wait3A_56 = tpu.memref_slice %arg13[%add3A_8, %dma_wait3A_55] : memref<10240x128xf32, #tpu.memory_space<vmem_shared>> -> memref<128x128xf32, #tpu.memory_space<vmem_shared>>
      %dma_wait3A_57 = arith.constant 0 : i32
      %dma_wait3A_58 = tpu.memref_slice %arg13[%add3A_8, %dma_wait3A_57] : memref<10240x128xf32, #tpu.memory_space<vmem_shared>> -> memref<128x128xf32, #tpu.memory_space<vmem_shared>>
      tpu.wait_dma2 semaphore(%run_scoped3A : memref<!tpu.dma_semaphore, #tpu.memory_space<semaphore_mem>>) src(%arg12 : memref<128x128xf32, #tpu.memory_space<vmem>>) dst(%dma_wait3A_58 : memref<128x128xf32, #tpu.memory_space<vmem_shared>>)
      tpu.yield
    }) : () -> ()
    %add3A_9 = arith.constant 256 : i32
    %add3A_10 = arith.addi %mul3A_5, %add3A_9 : i32
    "tpu.region"() ({
      %run_scoped3A = tpu.sem_alloc : memref<!tpu.dma_semaphore, #tpu.memory_space<semaphore_mem>>
      %dma_start3A_51 = arith.constant 0 : i32
      %dma_start3A_52 = tpu.memref_slice %arg13[%add3A_10, %dma_start3A_51] : memref<10240x128xf32, #tpu.memory_space<vmem_shared>> -> memref<128x128xf32, #tpu.memory_space<vmem_shared>>
      %dma_start3A_53 = arith.constant 0 : i32
      %dma_start3A_54 = tpu.memref_slice %arg13[%add3A_10, %dma_start3A_53] : memref<10240x128xf32, #tpu.memory_space<vmem_shared>> -> memref<128x128xf32, #tpu.memory_space<vmem_shared>>
      tpu.enqueue_dma source(%arg12 : memref<128x128xf32, #tpu.memory_space<vmem>>) target(%dma_start3A_54 : memref<128x128xf32, #tpu.memory_space<vmem_shared>>) target_semaphore(%run_scoped3A : memref<!tpu.dma_semaphore, #tpu.memory_space<semaphore_mem>>)
      %dma_wait3A_55 = arith.constant 0 : i32
      %dma_wait3A_56 = tpu.memref_slice %arg13[%add3A_10, %dma_wait3A_55] : memref<10240x128xf32, #tpu.memory_space<vmem_shared>> -> memref<128x128xf32, #tpu.memory_space<vmem_shared>>
      %dma_wait3A_57 = arith.constant 0 : i32
      %dma_wait3A_58 = tpu.memref_slice %arg13[%add3A_10, %dma_wait3A_57] : memref<10240x128xf32, #tpu.memory_space<vmem_shared>> -> memref<128x128xf32, #tpu.memory_space<vmem_shared>>
      tpu.wait_dma2 semaphore(%run_scoped3A : memref<!tpu.dma_semaphore, #tpu.memory_space<semaphore_mem>>) src(%arg12 : memref<128x128xf32, #tpu.memory_space<vmem>>) dst(%dma_wait3A_58 : memref<128x128xf32, #tpu.memory_space<vmem_shared>>)
      tpu.yield
    }) : () -> ()
    %add3A_11 = arith.constant 384 : i32
    %add3A_12 = arith.addi %mul3A_5, %add3A_11 : i32
    "tpu.region"() ({
      %run_scoped3A = tpu.sem_alloc : memref<!tpu.dma_semaphore, #tpu.memory_space<semaphore_mem>>
      %dma_start3A_51 = arith.constant 0 : i32
      %dma_start3A_52 = tpu.memref_slice %arg13[%add3A_12, %dma_start3A_51] : memref<10240x128xf32, #tpu.memory_space<vmem_shared>> -> memref<128x128xf32, #tpu.memory_space<vmem_shared>>
      %dma_start3A_53 = arith.constant 0 : i32
      %dma_start3A_54 = tpu.memref_slice %arg13[%add3A_12, %dma_start3A_53] : memref<10240x128xf32, #tpu.memory_space<vmem_shared>> -> memref<128x128xf32, #tpu.memory_space<vmem_shared>>
      tpu.enqueue_dma source(%arg12 : memref<128x128xf32, #tpu.memory_space<vmem>>) target(%dma_start3A_54 : memref<128x128xf32, #tpu.memory_space<vmem_shared>>) target_semaphore(%run_scoped3A : memref<!tpu.dma_semaphore, #tpu.memory_space<semaphore_mem>>)
      %dma_wait3A_55 = arith.constant 0 : i32
      %dma_wait3A_56 = tpu.memref_slice %arg13[%add3A_12, %dma_wait3A_55] : memref<10240x128xf32, #tpu.memory_space<vmem_shared>> -> memref<128x128xf32, #tpu.memory_space<vmem_shared>>
      %dma_wait3A_57 = arith.constant 0 : i32
      %dma_wait3A_58 = tpu.memref_slice %arg13[%add3A_12, %dma_wait3A_57] : memref<10240x128xf32, #tpu.memory_space<vmem_shared>> -> memref<128x128xf32, #tpu.memory_space<vmem_shared>>
      tpu.wait_dma2 semaphore(%run_scoped3A : memref<!tpu.dma_semaphore, #tpu.memory_space<semaphore_mem>>) src(%arg12 : memref<128x128xf32, #tpu.memory_space<vmem>>) dst(%dma_wait3A_58 : memref<128x128xf32, #tpu.memory_space<vmem_shared>>)
      tpu.yield
    }) : () -> ()
    %add3A_13 = arith.constant 512 : i32
    %add3A_14 = arith.addi %mul3A_5, %add3A_13 : i32
    "tpu.region"() ({
      %run_scoped3A = tpu.sem_alloc : memref<!tpu.dma_semaphore, #tpu.memory_space<semaphore_mem>>
      %dma_start3A_51 = arith.constant 0 : i32
      %dma_start3A_52 = tpu.memref_slice %arg13[%add3A_14, %dma_start3A_51] : memref<10240x128xf32, #tpu.memory_space<vmem_shared>> -> memref<128x128xf32, #tpu.memory_space<vmem_shared>>
      %dma_start3A_53 = arith.constant 0 : i32
      %dma_start3A_54 = tpu.memref_slice %arg13[%add3A_14, %dma_start3A_53] : memref<10240x128xf32, #tpu.memory_space<vmem_shared>> -> memref<128x128xf32, #tpu.memory_space<vmem_shared>>
      tpu.enqueue_dma source(%arg12 : memref<128x128xf32, #tpu.memory_space<vmem>>) target(%dma_start3A_54 : memref<128x128xf32, #tpu.memory_space<vmem_shared>>) target_semaphore(%run_scoped3A : memref<!tpu.dma_semaphore, #tpu.memory_space<semaphore_mem>>)
      %dma_wait3A_55 = arith.constant 0 : i32
      %dma_wait3A_56 = tpu.memref_slice %arg13[%add3A_14, %dma_wait3A_55] : memref<10240x128xf32, #tpu.memory_space<vmem_shared>> -> memref<128x128xf32, #tpu.memory_space<vmem_shared>>
      %dma_wait3A_57 = arith.constant 0 : i32
      %dma_wait3A_58 = tpu.memref_slice %arg13[%add3A_14, %dma_wait3A_57] : memref<10240x128xf32, #tpu.memory_space<vmem_shared>> -> memref<128x128xf32, #tpu.memory_space<vmem_shared>>
      tpu.wait_dma2 semaphore(%run_scoped3A : memref<!tpu.dma_semaphore, #tpu.memory_space<semaphore_mem>>) src(%arg12 : memref<128x128xf32, #tpu.memory_space<vmem>>) dst(%dma_wait3A_58 : memref<128x128xf32, #tpu.memory_space<vmem_shared>>)
      tpu.yield
    }) : () -> ()
    %barrier3A = arith.constant 0 : index
    tpu.barrier barrier_id(%barrier3A)
    %mul3A_15 = arith.constant 320000 : i32
    %mul3A_16 = arith.muli %arg0, %mul3A_15 : i32
    %mul3A_17 = arith.constant 20000 : i32
    %mul3A_18 = arith.muli %arg1, %mul3A_17 : i32
    %add3A_19 = arith.addi %mul3A_16, %mul3A_18 : i32
    %add3A_20 = arith.constant 0 : i32
    %add3A_21 = arith.addi %add3A_19, %add3A_20 : i32
    "tpu.region"() ({
      %run_scoped3A = tpu.sem_alloc : memref<!tpu.dma_semaphore, #tpu.memory_space<semaphore_mem>>
      %dma_start3A_51 = tpu.memref_slice %arg3[%add3A_21] : memref<640000xi32, #tpu.memory_space<hbm>> -> memref<80xi32, #tpu.memory_space<hbm>>
      %dma_start3A_52 = tpu.memref_slice %arg3[%add3A_21] : memref<640000xi32, #tpu.memory_space<hbm>> -> memref<80xi32, #tpu.memory_space<hbm>>
      tpu.enqueue_dma source(%dma_start3A_52 : memref<80xi32, #tpu.memory_space<hbm>>) target(%arg6 : memref<80xi32, #tpu.memory_space<vmem>>) target_semaphore(%run_scoped3A : memref<!tpu.dma_semaphore, #tpu.memory_space<semaphore_mem>>)
      %dma_wait3A_53 = tpu.memref_slice %arg3[%add3A_21] : memref<640000xi32, #tpu.memory_space<hbm>> -> memref<80xi32, #tpu.memory_space<hbm>>
      %dma_wait3A_54 = tpu.memref_slice %arg3[%add3A_21] : memref<640000xi32, #tpu.memory_space<hbm>> -> memref<80xi32, #tpu.memory_space<hbm>>
      tpu.wait_dma2 semaphore(%run_scoped3A : memref<!tpu.dma_semaphore, #tpu.memory_space<semaphore_mem>>) src(%dma_wait3A_54 : memref<80xi32, #tpu.memory_space<hbm>>) dst(%arg6 : memref<80xi32, #tpu.memory_space<vmem>>)
      tpu.yield
    }) : () -> ()
    %add3A_22 = arith.constant 0 : i32
    %add3A_23 = arith.addi %add3A_19, %add3A_22 : i32
    "tpu.region"() ({
      %run_scoped3A = tpu.sem_alloc : memref<!tpu.dma_semaphore, #tpu.memory_space<semaphore_mem>>
      %dma_start3A_51 = tpu.memref_slice %arg4[%add3A_23] : memref<640000xi32, #tpu.memory_space<hbm>> -> memref<80xi32, #tpu.memory_space<hbm>>
      %dma_start3A_52 = tpu.memref_slice %arg4[%add3A_23] : memref<640000xi32, #tpu.memory_space<hbm>> -> memref<80xi32, #tpu.memory_space<hbm>>
      tpu.enqueue_dma source(%dma_start3A_52 : memref<80xi32, #tpu.memory_space<hbm>>) target(%arg7 : memref<80xi32, #tpu.memory_space<vmem>>) target_semaphore(%run_scoped3A : memref<!tpu.dma_semaphore, #tpu.memory_space<semaphore_mem>>)
      %dma_wait3A_53 = tpu.memref_slice %arg4[%add3A_23] : memref<640000xi32, #tpu.memory_space<hbm>> -> memref<80xi32, #tpu.memory_space<hbm>>
      %dma_wait3A_54 = tpu.memref_slice %arg4[%add3A_23] : memref<640000xi32, #tpu.memory_space<hbm>> -> memref<80xi32, #tpu.memory_space<hbm>>
      tpu.wait_dma2 semaphore(%run_scoped3A : memref<!tpu.dma_semaphore, #tpu.memory_space<semaphore_mem>>) src(%dma_wait3A_54 : memref<80xi32, #tpu.memory_space<hbm>>) dst(%arg7 : memref<80xi32, #tpu.memory_space<vmem>>)
      tpu.yield
    }) : () -> ()
    %dma_start3A = arith.constant 0 : i32
    %dma_start3A_24 = arith.constant 0 : i32
    %dma_start3A_25 = tpu.memref_slice %arg2[%dma_start3A, %dma_start3A_24] : memref<20000x128xf32, #tpu.memory_space<hbm>> -> memref<20000x128xf32, #tpu.memory_space<hbm>>
    tpu.enqueue_indirect_dma source(%dma_start3A_25 : memref<20000x128xf32, #tpu.memory_space<hbm>>) target(%arg10 : memref<80x128xf32, #tpu.memory_space<vmem>>) offsets(%arg6 : memref<80xi32, #tpu.memory_space<vmem>>) semaphore(%arg14 : memref<!tpu.dma_semaphore, #tpu.memory_space<semaphore_mem>>)
    %add3A_26 = arith.constant 80 : i32
    %add3A_27 = arith.addi %add3A_19, %add3A_26 : i32
    "tpu.region"() ({
      %run_scoped3A = tpu.sem_alloc : memref<!tpu.dma_semaphore, #tpu.memory_space<semaphore_mem>>
      %dma_start3A_51 = tpu.memref_slice %arg3[%add3A_27] : memref<640000xi32, #tpu.memory_space<hbm>> -> memref<80xi32, #tpu.memory_space<hbm>>
      %dma_start3A_52 = tpu.memref_slice %arg3[%add3A_27] : memref<640000xi32, #tpu.memory_space<hbm>> -> memref<80xi32, #tpu.memory_space<hbm>>
      tpu.enqueue_dma source(%dma_start3A_52 : memref<80xi32, #tpu.memory_space<hbm>>) target(%arg8 : memref<80xi32, #tpu.memory_space<vmem>>) target_semaphore(%run_scoped3A : memref<!tpu.dma_semaphore, #tpu.memory_space<semaphore_mem>>)
      %dma_wait3A_53 = tpu.memref_slice %arg3[%add3A_27] : memref<640000xi32, #tpu.memory_space<hbm>> -> memref<80xi32, #tpu.memory_space<hbm>>
      %dma_wait3A_54 = tpu.memref_slice %arg3[%add3A_27] : memref<640000xi32, #tpu.memory_space<hbm>> -> memref<80xi32, #tpu.memory_space<hbm>>
      tpu.wait_dma2 semaphore(%run_scoped3A : memref<!tpu.dma_semaphore, #tpu.memory_space<semaphore_mem>>) src(%dma_wait3A_54 : memref<80xi32, #tpu.memory_space<hbm>>) dst(%arg8 : memref<80xi32, #tpu.memory_space<vmem>>)
      tpu.yield
    }) : () -> ()
    %add3A_28 = arith.constant 80 : i32
    %add3A_29 = arith.addi %add3A_19, %add3A_28 : i32
    "tpu.region"() ({
      %run_scoped3A = tpu.sem_alloc : memref<!tpu.dma_semaphore, #tpu.memory_space<semaphore_mem>>
      %dma_start3A_51 = tpu.memref_slice %arg4[%add3A_29] : memref<640000xi32, #tpu.memory_space<hbm>> -> memref<80xi32, #tpu.memory_space<hbm>>
      %dma_start3A_52 = tpu.memref_slice %arg4[%add3A_29] : memref<640000xi32, #tpu.memory_space<hbm>> -> memref<80xi32, #tpu.memory_space<hbm>>
      tpu.enqueue_dma source(%dma_start3A_52 : memref<80xi32, #tpu.memory_space<hbm>>) target(%arg9 : memref<80xi32, #tpu.memory_space<vmem>>) target_semaphore(%run_scoped3A : memref<!tpu.dma_semaphore, #tpu.memory_space<semaphore_mem>>)
      %dma_wait3A_53 = tpu.memref_slice %arg4[%add3A_29] : memref<640000xi32, #tpu.memory_space<hbm>> -> memref<80xi32, #tpu.memory_space<hbm>>
      %dma_wait3A_54 = tpu.memref_slice %arg4[%add3A_29] : memref<640000xi32, #tpu.memory_space<hbm>> -> memref<80xi32, #tpu.memory_space<hbm>>
      tpu.wait_dma2 semaphore(%run_scoped3A : memref<!tpu.dma_semaphore, #tpu.memory_space<semaphore_mem>>) src(%dma_wait3A_54 : memref<80xi32, #tpu.memory_space<hbm>>) dst(%arg9 : memref<80xi32, #tpu.memory_space<vmem>>)
      tpu.yield
    }) : () -> ()
    %dma_start3A_30 = arith.constant 0 : i32
    %dma_start3A_31 = arith.constant 0 : i32
    %dma_start3A_32 = tpu.memref_slice %arg2[%dma_start3A_30, %dma_start3A_31] : memref<20000x128xf32, #tpu.memory_space<hbm>> -> memref<20000x128xf32, #tpu.memory_space<hbm>>
    tpu.enqueue_indirect_dma source(%dma_start3A_32 : memref<20000x128xf32, #tpu.memory_space<hbm>>) target(%arg11 : memref<80x128xf32, #tpu.memory_space<vmem>>) offsets(%arg8 : memref<80xi32, #tpu.memory_space<vmem>>) semaphore(%arg15 : memref<!tpu.dma_semaphore, #tpu.memory_space<semaphore_mem>>)
    %scan3A_33 = arith.constant 0 : i32
    %scan3A_34 = arith.constant 0 : i32
    %scan3A_35 = arith.constant 124 : i32
    %scan3A_36 = arith.addi %scan3A_34, %scan3A_35 : i32
    %scan3A_37 = arith.constant 1 : i32
    scf.for %scan3A_51 = %scan3A_34 to %scan3A_36 step %scan3A_37  : i32 {
      %mul3A_52 = arith.constant 2 : i32
      %mul3A_53 = arith.muli %mul3A_52, %scan3A_51 : i32
      %dma_wait3A_54 = arith.constant 0 : i32
      %dma_wait3A_55 = arith.constant 0 : i32
      %dma_wait3A_56 = tpu.memref_slice %arg2[%dma_wait3A_54, %dma_wait3A_55] : memref<20000x128xf32, #tpu.memory_space<hbm>> -> memref<20000x128xf32, #tpu.memory_space<hbm>>
      tpu.wait_indirect_dma semaphore(%arg14 : memref<!tpu.dma_semaphore, #tpu.memory_space<semaphore_mem>>) src(%dma_wait3A_56 : memref<20000x128xf32, #tpu.memory_space<hbm>>) dst(%arg10 : memref<80x128xf32, #tpu.memory_space<vmem>>)
      "tpu.region"() ({
        %run_scoped3A = tpu.sem_alloc : memref<!tpu.dma_semaphore, #tpu.memory_space<semaphore_mem>>
        %dma_start3A_82 = arith.constant 0 : i32
        %dma_start3A_83 = arith.constant 0 : i32
        %dma_start3A_84 = tpu.memref_slice %arg13[%dma_start3A_82, %dma_start3A_83] : memref<10240x128xf32, #tpu.memory_space<vmem_shared>> -> memref<10240x128xf32, #tpu.memory_space<vmem_shared>>
        tpu.enqueue_indirect_dma source(%arg10 : memref<80x128xf32, #tpu.memory_space<vmem>>) target(%dma_start3A_84 : memref<10240x128xf32, #tpu.memory_space<vmem_shared>>) offsets(%arg7 : memref<80xi32, #tpu.memory_space<vmem>>) semaphore(%run_scoped3A : memref<!tpu.dma_semaphore, #tpu.memory_space<semaphore_mem>>) {add = true}
        %dma_wait3A_85 = arith.constant 0 : i32
        %dma_wait3A_86 = arith.constant 0 : i32
        %dma_wait3A_87 = tpu.memref_slice %arg13[%dma_wait3A_85, %dma_wait3A_86] : memref<10240x128xf32, #tpu.memory_space<vmem_shared>> -> memref<10240x128xf32, #tpu.memory_space<vmem_shared>>
        tpu.wait_indirect_dma semaphore(%run_scoped3A : memref<!tpu.dma_semaphore, #tpu.memory_space<semaphore_mem>>) src(%arg10 : memref<80x128xf32, #tpu.memory_space<vmem>>) dst(%dma_wait3A_87 : memref<10240x128xf32, #tpu.memory_space<vmem_shared>>)
        tpu.yield
      }) : () -> ()
      %add3A_57 = arith.constant 2 : i32
      %add3A_58 = arith.addi %mul3A_53, %add3A_57 : i32
      %mul3A_59 = arith.constant 80 : i32
      %mul3A_60 = arith.muli %add3A_58, %mul3A_59 : i32
      %add3A_61 = arith.addi %add3A_19, %mul3A_60 : i32
      "tpu.region"() ({
        %run_scoped3A = tpu.sem_alloc : memref<!tpu.dma_semaphore, #tpu.memory_space<semaphore_mem>>
        %dma_start3A_82 = tpu.memref_slice %arg3[%add3A_61] : memref<640000xi32, #tpu.memory_space<hbm>> -> memref<80xi32, #tpu.memory_space<hbm>>
        %dma_start3A_83 = tpu.memref_slice %arg3[%add3A_61] : memref<640000xi32, #tpu.memory_space<hbm>> -> memref<80xi32, #tpu.memory_space<hbm>>
        tpu.enqueue_dma source(%dma_start3A_83 : memref<80xi32, #tpu.memory_space<hbm>>) target(%arg6 : memref<80xi32, #tpu.memory_space<vmem>>) target_semaphore(%run_scoped3A : memref<!tpu.dma_semaphore, #tpu.memory_space<semaphore_mem>>)
        %dma_wait3A_84 = tpu.memref_slice %arg3[%add3A_61] : memref<640000xi32, #tpu.memory_space<hbm>> -> memref<80xi32, #tpu.memory_space<hbm>>
        %dma_wait3A_85 = tpu.memref_slice %arg3[%add3A_61] : memref<640000xi32, #tpu.memory_space<hbm>> -> memref<80xi32, #tpu.memory_space<hbm>>
        tpu.wait_dma2 semaphore(%run_scoped3A : memref<!tpu.dma_semaphore, #tpu.memory_space<semaphore_mem>>) src(%dma_wait3A_85 : memref<80xi32, #tpu.memory_space<hbm>>) dst(%arg6 : memref<80xi32, #tpu.memory_space<vmem>>)
        tpu.yield
      }) : () -> ()
      %mul3A_62 = arith.constant 80 : i32
      %mul3A_63 = arith.muli %add3A_58, %mul3A_62 : i32
      %add3A_64 = arith.addi %add3A_19, %mul3A_63 : i32
      "tpu.region"() ({
        %run_scoped3A = tpu.sem_alloc : memref<!tpu.dma_semaphore, #tpu.memory_space<semaphore_mem>>
        %dma_start3A_82 = tpu.memref_slice %arg4[%add3A_64] : memref<640000xi32, #tpu.memory_space<hbm>> -> memref<80xi32, #tpu.memory_space<hbm>>
        %dma_start3A_83 = tpu.memref_slice %arg4[%add3A_64] : memref<640000xi32, #tpu.memory_space<hbm>> -> memref<80xi32, #tpu.memory_space<hbm>>
        tpu.enqueue_dma source(%dma_start3A_83 : memref<80xi32, #tpu.memory_space<hbm>>) target(%arg7 : memref<80xi32, #tpu.memory_space<vmem>>) target_semaphore(%run_scoped3A : memref<!tpu.dma_semaphore, #tpu.memory_space<semaphore_mem>>)
        %dma_wait3A_84 = tpu.memref_slice %arg4[%add3A_64] : memref<640000xi32, #tpu.memory_space<hbm>> -> memref<80xi32, #tpu.memory_space<hbm>>
        %dma_wait3A_85 = tpu.memref_slice %arg4[%add3A_64] : memref<640000xi32, #tpu.memory_space<hbm>> -> memref<80xi32, #tpu.memory_space<hbm>>
        tpu.wait_dma2 semaphore(%run_scoped3A : memref<!tpu.dma_semaphore, #tpu.memory_space<semaphore_mem>>) src(%dma_wait3A_85 : memref<80xi32, #tpu.memory_space<hbm>>) dst(%arg7 : memref<80xi32, #tpu.memory_space<vmem>>)
        tpu.yield
      }) : () -> ()
      %dma_start3A_65 = arith.constant 0 : i32
      %dma_start3A_66 = arith.constant 0 : i32
      %dma_start3A_67 = tpu.memref_slice %arg2[%dma_start3A_65, %dma_start3A_66] : memref<20000x128xf32, #tpu.memory_space<hbm>> -> memref<20000x128xf32, #tpu.memory_space<hbm>>
      tpu.enqueue_indirect_dma source(%dma_start3A_67 : memref<20000x128xf32, #tpu.memory_space<hbm>>) target(%arg10 : memref<80x128xf32, #tpu.memory_space<vmem>>) offsets(%arg6 : memref<80xi32, #tpu.memory_space<vmem>>) semaphore(%arg14 : memref<!tpu.dma_semaphore, #tpu.memory_space<semaphore_mem>>)
      %dma_wait3A_68 = arith.constant 0 : i32
      %dma_wait3A_69 = arith.constant 0 : i32
      %dma_wait3A_70 = tpu.memref_slice %arg2[%dma_wait3A_68, %dma_wait3A_69] : memref<20000x128xf32, #tpu.memory_space<hbm>> -> memref<20000x128xf32, #tpu.memory_space<hbm>>
      tpu.wait_indirect_dma semaphore(%arg15 : memref<!tpu.dma_semaphore, #tpu.memory_space<semaphore_mem>>) src(%dma_wait3A_70 : memref<20000x128xf32, #tpu.memory_space<hbm>>) dst(%arg11 : memref<80x128xf32, #tpu.memory_space<vmem>>)
      "tpu.region"() ({
        %run_scoped3A = tpu.sem_alloc : memref<!tpu.dma_semaphore, #tpu.memory_space<semaphore_mem>>
        %dma_start3A_82 = arith.constant 0 : i32
        %dma_start3A_83 = arith.constant 0 : i32
        %dma_start3A_84 = tpu.memref_slice %arg13[%dma_start3A_82, %dma_start3A_83] : memref<10240x128xf32, #tpu.memory_space<vmem_shared>> -> memref<10240x128xf32, #tpu.memory_space<vmem_shared>>
        tpu.enqueue_indirect_dma source(%arg11 : memref<80x128xf32, #tpu.memory_space<vmem>>) target(%dma_start3A_84 : memref<10240x128xf32, #tpu.memory_space<vmem_shared>>) offsets(%arg9 : memref<80xi32, #tpu.memory_space<vmem>>) semaphore(%run_scoped3A : memref<!tpu.dma_semaphore, #tpu.memory_space<semaphore_mem>>) {add = true}
        %dma_wait3A_85 = arith.constant 0 : i32
        %dma_wait3A_86 = arith.constant 0 : i32
        %dma_wait3A_87 = tpu.memref_slice %arg13[%dma_wait3A_85, %dma_wait3A_86] : memref<10240x128xf32, #tpu.memory_space<vmem_shared>> -> memref<10240x128xf32, #tpu.memory_space<vmem_shared>>
        tpu.wait_indirect_dma semaphore(%run_scoped3A : memref<!tpu.dma_semaphore, #tpu.memory_space<semaphore_mem>>) src(%arg11 : memref<80x128xf32, #tpu.memory_space<vmem>>) dst(%dma_wait3A_87 : memref<10240x128xf32, #tpu.memory_space<vmem_shared>>)
        tpu.yield
      }) : () -> ()
      %add3A_71 = arith.constant 3 : i32
      %add3A_72 = arith.addi %mul3A_53, %add3A_71 : i32
      %mul3A_73 = arith.constant 80 : i32
      %mul3A_74 = arith.muli %add3A_72, %mul3A_73 : i32
      %add3A_75 = arith.addi %add3A_19, %mul3A_74 : i32
      "tpu.region"() ({
        %run_scoped3A = tpu.sem_alloc : memref<!tpu.dma_semaphore, #tpu.memory_space<semaphore_mem>>
        %dma_start3A_82 = tpu.memref_slice %arg3[%add3A_75] : memref<640000xi32, #tpu.memory_space<hbm>> -> memref<80xi32, #tpu.memory_space<hbm>>
        %dma_start3A_83 = tpu.memref_slice %arg3[%add3A_75] : memref<640000xi32, #tpu.memory_space<hbm>> -> memref<80xi32, #tpu.memory_space<hbm>>
        tpu.enqueue_dma source(%dma_start3A_83 : memref<80xi32, #tpu.memory_space<hbm>>) target(%arg8 : memref<80xi32, #tpu.memory_space<vmem>>) target_semaphore(%run_scoped3A : memref<!tpu.dma_semaphore, #tpu.memory_space<semaphore_mem>>)
        %dma_wait3A_84 = tpu.memref_slice %arg3[%add3A_75] : memref<640000xi32, #tpu.memory_space<hbm>> -> memref<80xi32, #tpu.memory_space<hbm>>
        %dma_wait3A_85 = tpu.memref_slice %arg3[%add3A_75] : memref<640000xi32, #tpu.memory_space<hbm>> -> memref<80xi32, #tpu.memory_space<hbm>>
        tpu.wait_dma2 semaphore(%run_scoped3A : memref<!tpu.dma_semaphore, #tpu.memory_space<semaphore_mem>>) src(%dma_wait3A_85 : memref<80xi32, #tpu.memory_space<hbm>>) dst(%arg8 : memref<80xi32, #tpu.memory_space<vmem>>)
        tpu.yield
      }) : () -> ()
      %mul3A_76 = arith.constant 80 : i32
      %mul3A_77 = arith.muli %add3A_72, %mul3A_76 : i32
      %add3A_78 = arith.addi %add3A_19, %mul3A_77 : i32
      "tpu.region"() ({
        %run_scoped3A = tpu.sem_alloc : memref<!tpu.dma_semaphore, #tpu.memory_space<semaphore_mem>>
        %dma_start3A_82 = tpu.memref_slice %arg4[%add3A_78] : memref<640000xi32, #tpu.memory_space<hbm>> -> memref<80xi32, #tpu.memory_space<hbm>>
        %dma_start3A_83 = tpu.memref_slice %arg4[%add3A_78] : memref<640000xi32, #tpu.memory_space<hbm>> -> memref<80xi32, #tpu.memory_space<hbm>>
        tpu.enqueue_dma source(%dma_start3A_83 : memref<80xi32, #tpu.memory_space<hbm>>) target(%arg9 : memref<80xi32, #tpu.memory_space<vmem>>) target_semaphore(%run_scoped3A : memref<!tpu.dma_semaphore, #tpu.memory_space<semaphore_mem>>)
        %dma_wait3A_84 = tpu.memref_slice %arg4[%add3A_78] : memref<640000xi32, #tpu.memory_space<hbm>> -> memref<80xi32, #tpu.memory_space<hbm>>
        %dma_wait3A_85 = tpu.memref_slice %arg4[%add3A_78] : memref<640000xi32, #tpu.memory_space<hbm>> -> memref<80xi32, #tpu.memory_space<hbm>>
        tpu.wait_dma2 semaphore(%run_scoped3A : memref<!tpu.dma_semaphore, #tpu.memory_space<semaphore_mem>>) src(%dma_wait3A_85 : memref<80xi32, #tpu.memory_space<hbm>>) dst(%arg9 : memref<80xi32, #tpu.memory_space<vmem>>)
        tpu.yield
      }) : () -> ()
      %dma_start3A_79 = arith.constant 0 : i32
      %dma_start3A_80 = arith.constant 0 : i32
      %dma_start3A_81 = tpu.memref_slice %arg2[%dma_start3A_79, %dma_start3A_80] : memref<20000x128xf32, #tpu.memory_space<hbm>> -> memref<20000x128xf32, #tpu.memory_space<hbm>>
      tpu.enqueue_indirect_dma source(%dma_start3A_81 : memref<20000x128xf32, #tpu.memory_space<hbm>>) target(%arg11 : memref<80x128xf32, #tpu.memory_space<vmem>>) offsets(%arg8 : memref<80xi32, #tpu.memory_space<vmem>>) semaphore(%arg15 : memref<!tpu.dma_semaphore, #tpu.memory_space<semaphore_mem>>)
    }
    %scan3A_38 = arith.constant 124 : i32
    %dma_wait3A = arith.constant 0 : i32
    %dma_wait3A_39 = arith.constant 0 : i32
    %dma_wait3A_40 = tpu.memref_slice %arg2[%dma_wait3A, %dma_wait3A_39] : memref<20000x128xf32, #tpu.memory_space<hbm>> -> memref<20000x128xf32, #tpu.memory_space<hbm>>
    tpu.wait_indirect_dma semaphore(%arg14 : memref<!tpu.dma_semaphore, #tpu.memory_space<semaphore_mem>>) src(%dma_wait3A_40 : memref<20000x128xf32, #tpu.memory_space<hbm>>) dst(%arg10 : memref<80x128xf32, #tpu.memory_space<vmem>>)
    "tpu.region"() ({
      %run_scoped3A = tpu.sem_alloc : memref<!tpu.dma_semaphore, #tpu.memory_space<semaphore_mem>>
      %dma_start3A_51 = arith.constant 0 : i32
      %dma_start3A_52 = arith.constant 0 : i32
      %dma_start3A_53 = tpu.memref_slice %arg13[%dma_start3A_51, %dma_start3A_52] : memref<10240x128xf32, #tpu.memory_space<vmem_shared>> -> memref<10240x128xf32, #tpu.memory_space<vmem_shared>>
      tpu.enqueue_indirect_dma source(%arg10 : memref<80x128xf32, #tpu.memory_space<vmem>>) target(%dma_start3A_53 : memref<10240x128xf32, #tpu.memory_space<vmem_shared>>) offsets(%arg7 : memref<80xi32, #tpu.memory_space<vmem>>) semaphore(%run_scoped3A : memref<!tpu.dma_semaphore, #tpu.memory_space<semaphore_mem>>) {add = true}
      %dma_wait3A_54 = arith.constant 0 : i32
      %dma_wait3A_55 = arith.constant 0 : i32
      %dma_wait3A_56 = tpu.memref_slice %arg13[%dma_wait3A_54, %dma_wait3A_55] : memref<10240x128xf32, #tpu.memory_space<vmem_shared>> -> memref<10240x128xf32, #tpu.memory_space<vmem_shared>>
      tpu.wait_indirect_dma semaphore(%run_scoped3A : memref<!tpu.dma_semaphore, #tpu.memory_space<semaphore_mem>>) src(%arg10 : memref<80x128xf32, #tpu.memory_space<vmem>>) dst(%dma_wait3A_56 : memref<10240x128xf32, #tpu.memory_space<vmem_shared>>)
      tpu.yield
    }) : () -> ()
    %dma_wait3A_41 = arith.constant 0 : i32
    %dma_wait3A_42 = arith.constant 0 : i32
    %dma_wait3A_43 = tpu.memref_slice %arg2[%dma_wait3A_41, %dma_wait3A_42] : memref<20000x128xf32, #tpu.memory_space<hbm>> -> memref<20000x128xf32, #tpu.memory_space<hbm>>
    tpu.wait_indirect_dma semaphore(%arg15 : memref<!tpu.dma_semaphore, #tpu.memory_space<semaphore_mem>>) src(%dma_wait3A_43 : memref<20000x128xf32, #tpu.memory_space<hbm>>) dst(%arg11 : memref<80x128xf32, #tpu.memory_space<vmem>>)
    "tpu.region"() ({
      %run_scoped3A = tpu.sem_alloc : memref<!tpu.dma_semaphore, #tpu.memory_space<semaphore_mem>>
      %dma_start3A_51 = arith.constant 0 : i32
      %dma_start3A_52 = arith.constant 0 : i32
      %dma_start3A_53 = tpu.memref_slice %arg13[%dma_start3A_51, %dma_start3A_52] : memref<10240x128xf32, #tpu.memory_space<vmem_shared>> -> memref<10240x128xf32, #tpu.memory_space<vmem_shared>>
      tpu.enqueue_indirect_dma source(%arg11 : memref<80x128xf32, #tpu.memory_space<vmem>>) target(%dma_start3A_53 : memref<10240x128xf32, #tpu.memory_space<vmem_shared>>) offsets(%arg9 : memref<80xi32, #tpu.memory_space<vmem>>) semaphore(%run_scoped3A : memref<!tpu.dma_semaphore, #tpu.memory_space<semaphore_mem>>) {add = true}
      %dma_wait3A_54 = arith.constant 0 : i32
      %dma_wait3A_55 = arith.constant 0 : i32
      %dma_wait3A_56 = tpu.memref_slice %arg13[%dma_wait3A_54, %dma_wait3A_55] : memref<10240x128xf32, #tpu.memory_space<vmem_shared>> -> memref<10240x128xf32, #tpu.memory_space<vmem_shared>>
      tpu.wait_indirect_dma semaphore(%run_scoped3A : memref<!tpu.dma_semaphore, #tpu.memory_space<semaphore_mem>>) src(%arg11 : memref<80x128xf32, #tpu.memory_space<vmem>>) dst(%dma_wait3A_56 : memref<10240x128xf32, #tpu.memory_space<vmem_shared>>)
      tpu.yield
    }) : () -> ()
    %barrier3A_44 = arith.constant 0 : index
    tpu.barrier barrier_id(%barrier3A_44)
    %lt3A = arith.constant 15 : i32
    %lt3A_45 = arith.cmpi slt, %arg1, %lt3A : i32
    %convert_element_type3A = arith.extui %lt3A_45 : i1 to i32
    %cond3A = arith.constant 0 : i32
    %cond3A_46 = arith.cmpi ne, %convert_element_type3A, %cond3A : i32
    scf.if %cond3A_46 {
      "tpu.region"() ({
        %run_scoped3A = tpu.sem_alloc : memref<!tpu.dma_semaphore, #tpu.memory_space<semaphore_mem>>
        %dma_start3A_51 = arith.constant 0 : i32
        %dma_start3A_52 = tpu.memref_slice %arg5[%arg0, %mul3A_5, %dma_start3A_51] : memref<2x10000x128xf32, #tpu.memory_space<hbm>> -> memref<1x640x128xf32, #tpu.memory_space<hbm>>
        %dma_start3A_53 = tpu.memref_squeeze %dma_start3A_52 : memref<1x640x128xf32, #tpu.memory_space<hbm>> -> memref<640x128xf32, #tpu.memory_space<hbm>>
        %dma_start3A_54 = arith.constant 0 : i32
        %dma_start3A_55 = tpu.memref_slice %arg13[%mul3A_5, %dma_start3A_54] : memref<10240x128xf32, #tpu.memory_space<vmem_shared>> -> memref<640x128xf32, #tpu.memory_space<vmem_shared>>
        tpu.enqueue_dma source(%dma_start3A_55 : memref<640x128xf32, #tpu.memory_space<vmem_shared>>) target(%dma_start3A_53 : memref<640x128xf32, #tpu.memory_space<hbm>>) target_semaphore(%run_scoped3A : memref<!tpu.dma_semaphore, #tpu.memory_space<semaphore_mem>>)
        %dma_wait3A_56 = arith.constant 0 : i32
        %dma_wait3A_57 = tpu.memref_slice %arg5[%arg0, %mul3A_5, %dma_wait3A_56] : memref<2x10000x128xf32, #tpu.memory_space<hbm>> -> memref<1x640x128xf32, #tpu.memory_space<hbm>>
        %dma_wait3A_58 = tpu.memref_squeeze %dma_wait3A_57 : memref<1x640x128xf32, #tpu.memory_space<hbm>> -> memref<640x128xf32, #tpu.memory_space<hbm>>
        %dma_wait3A_59 = arith.constant 0 : i32
        %dma_wait3A_60 = tpu.memref_slice %arg13[%mul3A_5, %dma_wait3A_59] : memref<10240x128xf32, #tpu.memory_space<vmem_shared>> -> memref<640x128xf32, #tpu.memory_space<vmem_shared>>
        tpu.wait_dma2 semaphore(%run_scoped3A : memref<!tpu.dma_semaphore, #tpu.memory_space<semaphore_mem>>) src(%dma_wait3A_60 : memref<640x128xf32, #tpu.memory_space<vmem_shared>>) dst(%dma_wait3A_58 : memref<640x128xf32, #tpu.memory_space<hbm>>)
        tpu.yield
      }) : () -> ()
    } else {
    }
    %eq3A = arith.constant 15 : i32
    %eq3A_47 = arith.cmpi eq, %arg1, %eq3A : i32
    %convert_element_type3A_48 = arith.extui %eq3A_47 : i1 to i32
    %cond3A_49 = arith.constant 0 : i32
    %cond3A_50 = arith.cmpi ne, %convert_element_type3A_48, %cond3A_49 : i32
    scf.if %cond3A_50 {
      "tpu.region"() ({
        %run_scoped3A = tpu.sem_alloc : memref<!tpu.dma_semaphore, #tpu.memory_space<semaphore_mem>>
        %dma_start3A_51 = arith.constant 9600 : i32
        %dma_start3A_52 = arith.constant 0 : i32
        %dma_start3A_53 = tpu.memref_slice %arg5[%arg0, %dma_start3A_51, %dma_start3A_52] : memref<2x10000x128xf32, #tpu.memory_space<hbm>> -> memref<1x400x128xf32, #tpu.memory_space<hbm>>
        %dma_start3A_54 = tpu.memref_squeeze %dma_start3A_53 : memref<1x400x128xf32, #tpu.memory_space<hbm>> -> memref<400x128xf32, #tpu.memory_space<hbm>>
        %dma_start3A_55 = arith.constant 9600 : i32
        %dma_start3A_56 = arith.constant 0 : i32
        %dma_start3A_57 = tpu.memref_slice %arg13[%dma_start3A_55, %dma_start3A_56] : memref<10240x128xf32, #tpu.memory_space<vmem_shared>> -> memref<400x128xf32, #tpu.memory_space<vmem_shared>>
        tpu.enqueue_dma source(%dma_start3A_57 : memref<400x128xf32, #tpu.memory_space<vmem_shared>>) target(%dma_start3A_54 : memref<400x128xf32, #tpu.memory_space<hbm>>) target_semaphore(%run_scoped3A : memref<!tpu.dma_semaphore, #tpu.memory_space<semaphore_mem>>)
        %dma_wait3A_58 = arith.constant 9600 : i32
        %dma_wait3A_59 = arith.constant 0 : i32
        %dma_wait3A_60 = tpu.memref_slice %arg5[%arg0, %dma_wait3A_58, %dma_wait3A_59] : memref<2x10000x128xf32, #tpu.memory_space<hbm>> -> memref<1x400x128xf32, #tpu.memory_space<hbm>>
        %dma_wait3A_61 = tpu.memref_squeeze %dma_wait3A_60 : memref<1x400x128xf32, #tpu.memory_space<hbm>> -> memref<400x128xf32, #tpu.memory_space<hbm>>
        %dma_wait3A_62 = arith.constant 9600 : i32
        %dma_wait3A_63 = arith.constant 0 : i32
        %dma_wait3A_64 = tpu.memref_slice %arg13[%dma_wait3A_62, %dma_wait3A_63] : memref<10240x128xf32, #tpu.memory_space<vmem_shared>> -> memref<400x128xf32, #tpu.memory_space<vmem_shared>>
        tpu.wait_dma2 semaphore(%run_scoped3A : memref<!tpu.dma_semaphore, #tpu.memory_space<semaphore_mem>>) src(%dma_wait3A_64 : memref<400x128xf32, #tpu.memory_space<vmem_shared>>) dst(%dma_wait3A_61 : memref<400x128xf32, #tpu.memory_space<hbm>>)
        tpu.yield
      }) : () -> ()
    } else {
    }
    return
  }
}

#map = affine_map<(d0, d1) -> (0, 0)>
#map1 = affine_map<(d0, d1) -> (0)>
#map2 = affine_map<(d0, d1) -> (0, 0, 0)>
module attributes {stable_mosaic.version = 14 : i64} {
  func.func @_sc_body(%arg0: i32, %arg1: i32, %arg2: memref<20000x128xf32, #tpu.memory_space<hbm>>, %arg3: memref<640000xi32, #tpu.memory_space<hbm>>, %arg4: memref<640000xi32, #tpu.memory_space<hbm>>, %arg5: memref<2x10000x128xf32, #tpu.memory_space<hbm>>, %arg6: memref<80xi32, #tpu.memory_space<vmem>>, %arg7: memref<80xi32, #tpu.memory_space<vmem>>, %arg8: memref<80xi32, #tpu.memory_space<vmem>>, %arg9: memref<80xi32, #tpu.memory_space<vmem>>, %arg10: memref<80x128xf32, #tpu.memory_space<vmem>>, %arg11: memref<80x128xf32, #tpu.memory_space<vmem>>, %arg12: memref<128x128xf32, #tpu.memory_space<vmem>>, %arg13: memref<10240x128xf32, #tpu.memory_space<vmem_shared>>, %arg14: memref<!tpu.dma_semaphore, #tpu.memory_space<semaphore_mem>>, %arg15: memref<!tpu.dma_semaphore, #tpu.memory_space<semaphore_mem>>) attributes {dimension_semantics = [#tpu.dimension_semantics<core_parallel>, #tpu.dimension_semantics<subcore_parallel>], iteration_bounds = array<i64: 2, 16>, scalar_prefetch = 0 : i64, scratch_operands = 10 : i64, tpu.core_type = #tpu.core_type<sc_vector_subcore>, window_params = [{transform_indices = #map}, {transform_indices = #map1}, {transform_indices = #map1}, {transform_indices = #map2}]} {
    %scan3A = arith.constant 0 : i32
    %scan3A_0 = arith.constant 0 : i32
    %scan3A_1 = arith.constant 128 : i32
    %scan3A_2 = arith.addi %scan3A_0, %scan3A_1 : i32
    %scan3A_3 = arith.constant 1 : i32
    scf.for %scan3A_51 = %scan3A_0 to %scan3A_2 step %scan3A_3  : i32 {
      %broadcast_in_dim3A = arith.constant 0.000000e+00 : f32
      %broadcast_in_dim3A_52 = vector.broadcast %broadcast_in_dim3A : f32 to vector<16xf32>
      %swap3A = arith.index_cast %scan3A_51 : i32 to index
      %swap3A_53 = arith.constant 0 : index
      %swap3A_54 = tpu.vector_load %arg12[%swap3A, %swap3A_53] {strides = array<i32>} : memref<128x128xf32, #tpu.memory_space<vmem>>, vector<1x16xf32>,
      %swap3A_55 = vector.shape_cast %swap3A_54 : vector<1x16xf32> to vector<16xf32>
      %swap3A_56 = vector.shape_cast %broadcast_in_dim3A_52 : vector<16xf32> to vector<1x16xf32>
      tpu.vector_store %arg12[%swap3A, %swap3A_53], %swap3A_56 {strides = array<i32>} : memref<128x128xf32, #tpu.memory_space<vmem>>, vector<1x16xf32>,
      %broadcast_in_dim3A_57 = arith.constant 0.000000e+00 : f32
      %broadcast_in_dim3A_58 = vector.broadcast %broadcast_in_dim3A_57 : f32 to vector<16xf32>
      %swap3A_59 = arith.index_cast %scan3A_51 : i32 to index
      %swap3A_60 = arith.constant 16 : index
      %swap3A_61 = tpu.vector_load %arg12[%swap3A_59, %swap3A_60] {strides = array<i32>} : memref<128x128xf32, #tpu.memory_space<vmem>>, vector<1x16xf32>,
      %swap3A_62 = vector.shape_cast %swap3A_61 : vector<1x16xf32> to vector<16xf32>
      %swap3A_63 = vector.shape_cast %broadcast_in_dim3A_58 : vector<16xf32> to vector<1x16xf32>
      tpu.vector_store %arg12[%swap3A_59, %swap3A_60], %swap3A_63 {strides = array<i32>} : memref<128x128xf32, #tpu.memory_space<vmem>>, vector<1x16xf32>,
      %broadcast_in_dim3A_64 = arith.constant 0.000000e+00 : f32
      %broadcast_in_dim3A_65 = vector.broadcast %broadcast_in_dim3A_64 : f32 to vector<16xf32>
      %swap3A_66 = arith.index_cast %scan3A_51 : i32 to index
      %swap3A_67 = arith.constant 32 : index
      %swap3A_68 = tpu.vector_load %arg12[%swap3A_66, %swap3A_67] {strides = array<i32>} : memref<128x128xf32, #tpu.memory_space<vmem>>, vector<1x16xf32>,
      %swap3A_69 = vector.shape_cast %swap3A_68 : vector<1x16xf32> to vector<16xf32>
      %swap3A_70 = vector.shape_cast %broadcast_in_dim3A_65 : vector<16xf32> to vector<1x16xf32>
      tpu.vector_store %arg12[%swap3A_66, %swap3A_67], %swap3A_70 {strides = array<i32>} : memref<128x128xf32, #tpu.memory_space<vmem>>, vector<1x16xf32>,
      %broadcast_in_dim3A_71 = arith.constant 0.000000e+00 : f32
      %broadcast_in_dim3A_72 = vector.broadcast %broadcast_in_dim3A_71 : f32 to vector<16xf32>
      %swap3A_73 = arith.index_cast %scan3A_51 : i32 to index
      %swap3A_74 = arith.constant 48 : index
      %swap3A_75 = tpu.vector_load %arg12[%swap3A_73, %swap3A_74] {strides = array<i32>} : memref<128x128xf32, #tpu.memory_space<vmem>>, vector<1x16xf32>,
      %swap3A_76 = vector.shape_cast %swap3A_75 : vector<1x16xf32> to vector<16xf32>
      %swap3A_77 = vector.shape_cast %broadcast_in_dim3A_72 : vector<16xf32> to vector<1x16xf32>
      tpu.vector_store %arg12[%swap3A_73, %swap3A_74], %swap3A_77 {strides = array<i32>} : memref<128x128xf32, #tpu.memory_space<vmem>>, vector<1x16xf32>,
      %broadcast_in_dim3A_78 = arith.constant 0.000000e+00 : f32
      %broadcast_in_dim3A_79 = vector.broadcast %broadcast_in_dim3A_78 : f32 to vector<16xf32>
      %swap3A_80 = arith.index_cast %scan3A_51 : i32 to index
      %swap3A_81 = arith.constant 64 : index
      %swap3A_82 = tpu.vector_load %arg12[%swap3A_80, %swap3A_81] {strides = array<i32>} : memref<128x128xf32, #tpu.memory_space<vmem>>, vector<1x16xf32>,
      %swap3A_83 = vector.shape_cast %swap3A_82 : vector<1x16xf32> to vector<16xf32>
      %swap3A_84 = vector.shape_cast %broadcast_in_dim3A_79 : vector<16xf32> to vector<1x16xf32>
      tpu.vector_store %arg12[%swap3A_80, %swap3A_81], %swap3A_84 {strides = array<i32>} : memref<128x128xf32, #tpu.memory_space<vmem>>, vector<1x16xf32>,
      %broadcast_in_dim3A_85 = arith.constant 0.000000e+00 : f32
      %broadcast_in_dim3A_86 = vector.broadcast %broadcast_in_dim3A_85 : f32 to vector<16xf32>
      %swap3A_87 = arith.index_cast %scan3A_51 : i32 to index
      %swap3A_88 = arith.constant 80 : index
      %swap3A_89 = tpu.vector_load %arg12[%swap3A_87, %swap3A_88] {strides = array<i32>} : memref<128x128xf32, #tpu.memory_space<vmem>>, vector<1x16xf32>,
      %swap3A_90 = vector.shape_cast %swap3A_89 : vector<1x16xf32> to vector<16xf32>
      %swap3A_91 = vector.shape_cast %broadcast_in_dim3A_86 : vector<16xf32> to vector<1x16xf32>
      tpu.vector_store %arg12[%swap3A_87, %swap3A_88], %swap3A_91 {strides = array<i32>} : memref<128x128xf32, #tpu.memory_space<vmem>>, vector<1x16xf32>,
      %broadcast_in_dim3A_92 = arith.constant 0.000000e+00 : f32
      %broadcast_in_dim3A_93 = vector.broadcast %broadcast_in_dim3A_92 : f32 to vector<16xf32>
      %swap3A_94 = arith.index_cast %scan3A_51 : i32 to index
      %swap3A_95 = arith.constant 96 : index
      %swap3A_96 = tpu.vector_load %arg12[%swap3A_94, %swap3A_95] {strides = array<i32>} : memref<128x128xf32, #tpu.memory_space<vmem>>, vector<1x16xf32>,
      %swap3A_97 = vector.shape_cast %swap3A_96 : vector<1x16xf32> to vector<16xf32>
      %swap3A_98 = vector.shape_cast %broadcast_in_dim3A_93 : vector<16xf32> to vector<1x16xf32>
      tpu.vector_store %arg12[%swap3A_94, %swap3A_95], %swap3A_98 {strides = array<i32>} : memref<128x128xf32, #tpu.memory_space<vmem>>, vector<1x16xf32>,
      %broadcast_in_dim3A_99 = arith.constant 0.000000e+00 : f32
      %broadcast_in_dim3A_100 = vector.broadcast %broadcast_in_dim3A_99 : f32 to vector<16xf32>
      %swap3A_101 = arith.index_cast %scan3A_51 : i32 to index
      %swap3A_102 = arith.constant 112 : index
      %swap3A_103 = tpu.vector_load %arg12[%swap3A_101, %swap3A_102] {strides = array<i32>} : memref<128x128xf32, #tpu.memory_space<vmem>>, vector<1x16xf32>,
      %swap3A_104 = vector.shape_cast %swap3A_103 : vector<1x16xf32> to vector<16xf32>
      %swap3A_105 = vector.shape_cast %broadcast_in_dim3A_100 : vector<16xf32> to vector<1x16xf32>
      tpu.vector_store %arg12[%swap3A_101, %swap3A_102], %swap3A_105 {strides = array<i32>} : memref<128x128xf32, #tpu.memory_space<vmem>>, vector<1x16xf32>,
    }
    %scan3A_4 = arith.constant 128 : i32
    %mul3A = arith.constant 640 : i32
    %mul3A_5 = arith.muli %arg1, %mul3A : i32
    %add3A = arith.constant 0 : i32
    %add3A_6 = arith.addi %mul3A_5, %add3A : i32
    "tpu.region"() ({
      %run_scoped3A = tpu.sem_alloc : memref<!tpu.dma_semaphore, #tpu.memory_space<semaphore_mem>>
      %dma_start3A_51 = arith.constant 0 : i32
      %dma_start3A_52 = tpu.memref_slice %arg13[%add3A_6, %dma_start3A_51] : memref<10240x128xf32, #tpu.memory_space<vmem_shared>> -> memref<128x128xf32, #tpu.memory_space<vmem_shared>>
      %dma_start3A_53 = arith.constant 0 : i32
      %dma_start3A_54 = tpu.memref_slice %arg13[%add3A_6, %dma_start3A_53] : memref<10240x128xf32, #tpu.memory_space<vmem_shared>> -> memref<128x128xf32, #tpu.memory_space<vmem_shared>>
      tpu.enqueue_dma source(%arg12 : memref<128x128xf32, #tpu.memory_space<vmem>>) target(%dma_start3A_54 : memref<128x128xf32, #tpu.memory_space<vmem_shared>>) target_semaphore(%run_scoped3A : memref<!tpu.dma_semaphore, #tpu.memory_space<semaphore_mem>>)
      %dma_wait3A_55 = arith.constant 0 : i32
      %dma_wait3A_56 = tpu.memref_slice %arg13[%add3A_6, %dma_wait3A_55] : memref<10240x128xf32, #tpu.memory_space<vmem_shared>> -> memref<128x128xf32, #tpu.memory_space<vmem_shared>>
      %dma_wait3A_57 = arith.constant 0 : i32
      %dma_wait3A_58 = tpu.memref_slice %arg13[%add3A_6, %dma_wait3A_57] : memref<10240x128xf32, #tpu.memory_space<vmem_shared>> -> memref<128x128xf32, #tpu.memory_space<vmem_shared>>
      tpu.wait_dma2 semaphore(%run_scoped3A : memref<!tpu.dma_semaphore, #tpu.memory_space<semaphore_mem>>) src(%arg12 : memref<128x128xf32, #tpu.memory_space<vmem>>) dst(%dma_wait3A_58 : memref<128x128xf32, #tpu.memory_space<vmem_shared>>)
      tpu.yield
    }) : () -> ()
    %add3A_7 = arith.constant 128 : i32
    %add3A_8 = arith.addi %mul3A_5, %add3A_7 : i32
    "tpu.region"() ({
      %run_scoped3A = tpu.sem_alloc : memref<!tpu.dma_semaphore, #tpu.memory_space<semaphore_mem>>
      %dma_start3A_51 = arith.constant 0 : i32
      %dma_start3A_52 = tpu.memref_slice %arg13[%add3A_8, %dma_start3A_51] : memref<10240x128xf32, #tpu.memory_space<vmem_shared>> -> memref<128x128xf32, #tpu.memory_space<vmem_shared>>
      %dma_start3A_53 = arith.constant 0 : i32
      %dma_start3A_54 = tpu.memref_slice %arg13[%add3A_8, %dma_start3A_53] : memref<10240x128xf32, #tpu.memory_space<vmem_shared>> -> memref<128x128xf32, #tpu.memory_space<vmem_shared>>
      tpu.enqueue_dma source(%arg12 : memref<128x128xf32, #tpu.memory_space<vmem>>) target(%dma_start3A_54 : memref<128x128xf32, #tpu.memory_space<vmem_shared>>) target_semaphore(%run_scoped3A : memref<!tpu.dma_semaphore, #tpu.memory_space<semaphore_mem>>)
      %dma_wait3A_55 = arith.constant 0 : i32
      %dma_wait3A_56 = tpu.memref_slice %arg13[%add3A_8, %dma_wait3A_55] : memref<10240x128xf32, #tpu.memory_space<vmem_shared>> -> memref<128x128xf32, #tpu.memory_space<vmem_shared>>
      %dma_wait3A_57 = arith.constant 0 : i32
      %dma_wait3A_58 = tpu.memref_slice %arg13[%add3A_8, %dma_wait3A_57] : memref<10240x128xf32, #tpu.memory_space<vmem_shared>> -> memref<128x128xf32, #tpu.memory_space<vmem_shared>>
      tpu.wait_dma2 semaphore(%run_scoped3A : memref<!tpu.dma_semaphore, #tpu.memory_space<semaphore_mem>>) src(%arg12 : memref<128x128xf32, #tpu.memory_space<vmem>>) dst(%dma_wait3A_58 : memref<128x128xf32, #tpu.memory_space<vmem_shared>>)
      tpu.yield
    }) : () -> ()
    %add3A_9 = arith.constant 256 : i32
    %add3A_10 = arith.addi %mul3A_5, %add3A_9 : i32
    "tpu.region"() ({
      %run_scoped3A = tpu.sem_alloc : memref<!tpu.dma_semaphore, #tpu.memory_space<semaphore_mem>>
      %dma_start3A_51 = arith.constant 0 : i32
      %dma_start3A_52 = tpu.memref_slice %arg13[%add3A_10, %dma_start3A_51] : memref<10240x128xf32, #tpu.memory_space<vmem_shared>> -> memref<128x128xf32, #tpu.memory_space<vmem_shared>>
      %dma_start3A_53 = arith.constant 0 : i32
      %dma_start3A_54 = tpu.memref_slice %arg13[%add3A_10, %dma_start3A_53] : memref<10240x128xf32, #tpu.memory_space<vmem_shared>> -> memref<128x128xf32, #tpu.memory_space<vmem_shared>>
      tpu.enqueue_dma source(%arg12 : memref<128x128xf32, #tpu.memory_space<vmem>>) target(%dma_start3A_54 : memref<128x128xf32, #tpu.memory_space<vmem_shared>>) target_semaphore(%run_scoped3A : memref<!tpu.dma_semaphore, #tpu.memory_space<semaphore_mem>>)
      %dma_wait3A_55 = arith.constant 0 : i32
      %dma_wait3A_56 = tpu.memref_slice %arg13[%add3A_10, %dma_wait3A_55] : memref<10240x128xf32, #tpu.memory_space<vmem_shared>> -> memref<128x128xf32, #tpu.memory_space<vmem_shared>>
      %dma_wait3A_57 = arith.constant 0 : i32
      %dma_wait3A_58 = tpu.memref_slice %arg13[%add3A_10, %dma_wait3A_57] : memref<10240x128xf32, #tpu.memory_space<vmem_shared>> -> memref<128x128xf32, #tpu.memory_space<vmem_shared>>
      tpu.wait_dma2 semaphore(%run_scoped3A : memref<!tpu.dma_semaphore, #tpu.memory_space<semaphore_mem>>) src(%arg12 : memref<128x128xf32, #tpu.memory_space<vmem>>) dst(%dma_wait3A_58 : memref<128x128xf32, #tpu.memory_space<vmem_shared>>)
      tpu.yield
    }) : () -> ()
    %add3A_11 = arith.constant 384 : i32
    %add3A_12 = arith.addi %mul3A_5, %add3A_11 : i32
    "tpu.region"() ({
      %run_scoped3A = tpu.sem_alloc : memref<!tpu.dma_semaphore, #tpu.memory_space<semaphore_mem>>
      %dma_start3A_51 = arith.constant 0 : i32
      %dma_start3A_52 = tpu.memref_slice %arg13[%add3A_12, %dma_start3A_51] : memref<10240x128xf32, #tpu.memory_space<vmem_shared>> -> memref<128x128xf32, #tpu.memory_space<vmem_shared>>
      %dma_start3A_53 = arith.constant 0 : i32
      %dma_start3A_54 = tpu.memref_slice %arg13[%add3A_12, %dma_start3A_53] : memref<10240x128xf32, #tpu.memory_space<vmem_shared>> -> memref<128x128xf32, #tpu.memory_space<vmem_shared>>
      tpu.enqueue_dma source(%arg12 : memref<128x128xf32, #tpu.memory_space<vmem>>) target(%dma_start3A_54 : memref<128x128xf32, #tpu.memory_space<vmem_shared>>) target_semaphore(%run_scoped3A : memref<!tpu.dma_semaphore, #tpu.memory_space<semaphore_mem>>)
      %dma_wait3A_55 = arith.constant 0 : i32
      %dma_wait3A_56 = tpu.memref_slice %arg13[%add3A_12, %dma_wait3A_55] : memref<10240x128xf32, #tpu.memory_space<vmem_shared>> -> memref<128x128xf32, #tpu.memory_space<vmem_shared>>
      %dma_wait3A_57 = arith.constant 0 : i32
      %dma_wait3A_58 = tpu.memref_slice %arg13[%add3A_12, %dma_wait3A_57] : memref<10240x128xf32, #tpu.memory_space<vmem_shared>> -> memref<128x128xf32, #tpu.memory_space<vmem_shared>>
      tpu.wait_dma2 semaphore(%run_scoped3A : memref<!tpu.dma_semaphore, #tpu.memory_space<semaphore_mem>>) src(%arg12 : memref<128x128xf32, #tpu.memory_space<vmem>>) dst(%dma_wait3A_58 : memref<128x128xf32, #tpu.memory_space<vmem_shared>>)
      tpu.yield
    }) : () -> ()
    %add3A_13 = arith.constant 512 : i32
    %add3A_14 = arith.addi %mul3A_5, %add3A_13 : i32
    "tpu.region"() ({
      %run_scoped3A = tpu.sem_alloc : memref<!tpu.dma_semaphore, #tpu.memory_space<semaphore_mem>>
      %dma_start3A_51 = arith.constant 0 : i32
      %dma_start3A_52 = tpu.memref_slice %arg13[%add3A_14, %dma_start3A_51] : memref<10240x128xf32, #tpu.memory_space<vmem_shared>> -> memref<128x128xf32, #tpu.memory_space<vmem_shared>>
      %dma_start3A_53 = arith.constant 0 : i32
      %dma_start3A_54 = tpu.memref_slice %arg13[%add3A_14, %dma_start3A_53] : memref<10240x128xf32, #tpu.memory_space<vmem_shared>> -> memref<128x128xf32, #tpu.memory_space<vmem_shared>>
      tpu.enqueue_dma source(%arg12 : memref<128x128xf32, #tpu.memory_space<vmem>>) target(%dma_start3A_54 : memref<128x128xf32, #tpu.memory_space<vmem_shared>>) target_semaphore(%run_scoped3A : memref<!tpu.dma_semaphore, #tpu.memory_space<semaphore_mem>>)
      %dma_wait3A_55 = arith.constant 0 : i32
      %dma_wait3A_56 = tpu.memref_slice %arg13[%add3A_14, %dma_wait3A_55] : memref<10240x128xf32, #tpu.memory_space<vmem_shared>> -> memref<128x128xf32, #tpu.memory_space<vmem_shared>>
      %dma_wait3A_57 = arith.constant 0 : i32
      %dma_wait3A_58 = tpu.memref_slice %arg13[%add3A_14, %dma_wait3A_57] : memref<10240x128xf32, #tpu.memory_space<vmem_shared>> -> memref<128x128xf32, #tpu.memory_space<vmem_shared>>
      tpu.wait_dma2 semaphore(%run_scoped3A : memref<!tpu.dma_semaphore, #tpu.memory_space<semaphore_mem>>) src(%arg12 : memref<128x128xf32, #tpu.memory_space<vmem>>) dst(%dma_wait3A_58 : memref<128x128xf32, #tpu.memory_space<vmem_shared>>)
      tpu.yield
    }) : () -> ()
    %barrier3A = arith.constant 0 : index
    tpu.barrier barrier_id(%barrier3A)
    %mul3A_15 = arith.constant 320000 : i32
    %mul3A_16 = arith.muli %arg0, %mul3A_15 : i32
    %mul3A_17 = arith.constant 20000 : i32
    %mul3A_18 = arith.muli %arg1, %mul3A_17 : i32
    %add3A_19 = arith.addi %mul3A_16, %mul3A_18 : i32
    %add3A_20 = arith.constant 0 : i32
    %add3A_21 = arith.addi %add3A_19, %add3A_20 : i32
    "tpu.region"() ({
      %run_scoped3A = tpu.sem_alloc : memref<!tpu.dma_semaphore, #tpu.memory_space<semaphore_mem>>
      %dma_start3A_51 = tpu.memref_slice %arg3[%add3A_21] : memref<640000xi32, #tpu.memory_space<hbm>> -> memref<80xi32, #tpu.memory_space<hbm>>
      %dma_start3A_52 = tpu.memref_slice %arg3[%add3A_21] : memref<640000xi32, #tpu.memory_space<hbm>> -> memref<80xi32, #tpu.memory_space<hbm>>
      tpu.enqueue_dma source(%dma_start3A_52 : memref<80xi32, #tpu.memory_space<hbm>>) target(%arg6 : memref<80xi32, #tpu.memory_space<vmem>>) target_semaphore(%run_scoped3A : memref<!tpu.dma_semaphore, #tpu.memory_space<semaphore_mem>>)
      %dma_wait3A_53 = tpu.memref_slice %arg3[%add3A_21] : memref<640000xi32, #tpu.memory_space<hbm>> -> memref<80xi32, #tpu.memory_space<hbm>>
      %dma_wait3A_54 = tpu.memref_slice %arg3[%add3A_21] : memref<640000xi32, #tpu.memory_space<hbm>> -> memref<80xi32, #tpu.memory_space<hbm>>
      tpu.wait_dma2 semaphore(%run_scoped3A : memref<!tpu.dma_semaphore, #tpu.memory_space<semaphore_mem>>) src(%dma_wait3A_54 : memref<80xi32, #tpu.memory_space<hbm>>) dst(%arg6 : memref<80xi32, #tpu.memory_space<vmem>>)
      tpu.yield
    }) : () -> ()
    %add3A_22 = arith.constant 0 : i32
    %add3A_23 = arith.addi %add3A_19, %add3A_22 : i32
    "tpu.region"() ({
      %run_scoped3A = tpu.sem_alloc : memref<!tpu.dma_semaphore, #tpu.memory_space<semaphore_mem>>
      %dma_start3A_51 = tpu.memref_slice %arg4[%add3A_23] : memref<640000xi32, #tpu.memory_space<hbm>> -> memref<80xi32, #tpu.memory_space<hbm>>
      %dma_start3A_52 = tpu.memref_slice %arg4[%add3A_23] : memref<640000xi32, #tpu.memory_space<hbm>> -> memref<80xi32, #tpu.memory_space<hbm>>
      tpu.enqueue_dma source(%dma_start3A_52 : memref<80xi32, #tpu.memory_space<hbm>>) target(%arg7 : memref<80xi32, #tpu.memory_space<vmem>>) target_semaphore(%run_scoped3A : memref<!tpu.dma_semaphore, #tpu.memory_space<semaphore_mem>>)
      %dma_wait3A_53 = tpu.memref_slice %arg4[%add3A_23] : memref<640000xi32, #tpu.memory_space<hbm>> -> memref<80xi32, #tpu.memory_space<hbm>>
      %dma_wait3A_54 = tpu.memref_slice %arg4[%add3A_23] : memref<640000xi32, #tpu.memory_space<hbm>> -> memref<80xi32, #tpu.memory_space<hbm>>
      tpu.wait_dma2 semaphore(%run_scoped3A : memref<!tpu.dma_semaphore, #tpu.memory_space<semaphore_mem>>) src(%dma_wait3A_54 : memref<80xi32, #tpu.memory_space<hbm>>) dst(%arg7 : memref<80xi32, #tpu.memory_space<vmem>>)
      tpu.yield
    }) : () -> ()
    %dma_start3A = arith.constant 0 : i32
    %dma_start3A_24 = arith.constant 0 : i32
    %dma_start3A_25 = tpu.memref_slice %arg2[%dma_start3A, %dma_start3A_24] : memref<20000x128xf32, #tpu.memory_space<hbm>> -> memref<20000x128xf32, #tpu.memory_space<hbm>>
    tpu.enqueue_indirect_dma source(%dma_start3A_25 : memref<20000x128xf32, #tpu.memory_space<hbm>>) target(%arg10 : memref<80x128xf32, #tpu.memory_space<vmem>>) offsets(%arg6 : memref<80xi32, #tpu.memory_space<vmem>>) semaphore(%arg14 : memref<!tpu.dma_semaphore, #tpu.memory_space<semaphore_mem>>)
    %add3A_26 = arith.constant 80 : i32
    %add3A_27 = arith.addi %add3A_19, %add3A_26 : i32
    "tpu.region"() ({
      %run_scoped3A = tpu.sem_alloc : memref<!tpu.dma_semaphore, #tpu.memory_space<semaphore_mem>>
      %dma_start3A_51 = tpu.memref_slice %arg3[%add3A_27] : memref<640000xi32, #tpu.memory_space<hbm>> -> memref<80xi32, #tpu.memory_space<hbm>>
      %dma_start3A_52 = tpu.memref_slice %arg3[%add3A_27] : memref<640000xi32, #tpu.memory_space<hbm>> -> memref<80xi32, #tpu.memory_space<hbm>>
      tpu.enqueue_dma source(%dma_start3A_52 : memref<80xi32, #tpu.memory_space<hbm>>) target(%arg8 : memref<80xi32, #tpu.memory_space<vmem>>) target_semaphore(%run_scoped3A : memref<!tpu.dma_semaphore, #tpu.memory_space<semaphore_mem>>)
      %dma_wait3A_53 = tpu.memref_slice %arg3[%add3A_27] : memref<640000xi32, #tpu.memory_space<hbm>> -> memref<80xi32, #tpu.memory_space<hbm>>
      %dma_wait3A_54 = tpu.memref_slice %arg3[%add3A_27] : memref<640000xi32, #tpu.memory_space<hbm>> -> memref<80xi32, #tpu.memory_space<hbm>>
      tpu.wait_dma2 semaphore(%run_scoped3A : memref<!tpu.dma_semaphore, #tpu.memory_space<semaphore_mem>>) src(%dma_wait3A_54 : memref<80xi32, #tpu.memory_space<hbm>>) dst(%arg8 : memref<80xi32, #tpu.memory_space<vmem>>)
      tpu.yield
    }) : () -> ()
    %add3A_28 = arith.constant 80 : i32
    %add3A_29 = arith.addi %add3A_19, %add3A_28 : i32
    "tpu.region"() ({
      %run_scoped3A = tpu.sem_alloc : memref<!tpu.dma_semaphore, #tpu.memory_space<semaphore_mem>>
      %dma_start3A_51 = tpu.memref_slice %arg4[%add3A_29] : memref<640000xi32, #tpu.memory_space<hbm>> -> memref<80xi32, #tpu.memory_space<hbm>>
      %dma_start3A_52 = tpu.memref_slice %arg4[%add3A_29] : memref<640000xi32, #tpu.memory_space<hbm>> -> memref<80xi32, #tpu.memory_space<hbm>>
      tpu.enqueue_dma source(%dma_start3A_52 : memref<80xi32, #tpu.memory_space<hbm>>) target(%arg9 : memref<80xi32, #tpu.memory_space<vmem>>) target_semaphore(%run_scoped3A : memref<!tpu.dma_semaphore, #tpu.memory_space<semaphore_mem>>)
      %dma_wait3A_53 = tpu.memref_slice %arg4[%add3A_29] : memref<640000xi32, #tpu.memory_space<hbm>> -> memref<80xi32, #tpu.memory_space<hbm>>
      %dma_wait3A_54 = tpu.memref_slice %arg4[%add3A_29] : memref<640000xi32, #tpu.memory_space<hbm>> -> memref<80xi32, #tpu.memory_space<hbm>>
      tpu.wait_dma2 semaphore(%run_scoped3A : memref<!tpu.dma_semaphore, #tpu.memory_space<semaphore_mem>>) src(%dma_wait3A_54 : memref<80xi32, #tpu.memory_space<hbm>>) dst(%arg9 : memref<80xi32, #tpu.memory_space<vmem>>)
      tpu.yield
    }) : () -> ()
    %dma_start3A_30 = arith.constant 0 : i32
    %dma_start3A_31 = arith.constant 0 : i32
    %dma_start3A_32 = tpu.memref_slice %arg2[%dma_start3A_30, %dma_start3A_31] : memref<20000x128xf32, #tpu.memory_space<hbm>> -> memref<20000x128xf32, #tpu.memory_space<hbm>>
    tpu.enqueue_indirect_dma source(%dma_start3A_32 : memref<20000x128xf32, #tpu.memory_space<hbm>>) target(%arg11 : memref<80x128xf32, #tpu.memory_space<vmem>>) offsets(%arg8 : memref<80xi32, #tpu.memory_space<vmem>>) semaphore(%arg15 : memref<!tpu.dma_semaphore, #tpu.memory_space<semaphore_mem>>)
    %scan3A_33 = arith.constant 0 : i32
    %scan3A_34 = arith.constant 0 : i32
    %scan3A_35 = arith.constant 124 : i32
    %scan3A_36 = arith.addi %scan3A_34, %scan3A_35 : i32
    %scan3A_37 = arith.constant 1 : i32
    scf.for %scan3A_51 = %scan3A_34 to %scan3A_36 step %scan3A_37  : i32 {
      %mul3A_52 = arith.constant 2 : i32
      %mul3A_53 = arith.muli %mul3A_52, %scan3A_51 : i32
      %dma_wait3A_54 = arith.constant 0 : i32
      %dma_wait3A_55 = arith.constant 0 : i32
      %dma_wait3A_56 = tpu.memref_slice %arg2[%dma_wait3A_54, %dma_wait3A_55] : memref<20000x128xf32, #tpu.memory_space<hbm>> -> memref<20000x128xf32, #tpu.memory_space<hbm>>
      tpu.wait_indirect_dma semaphore(%arg14 : memref<!tpu.dma_semaphore, #tpu.memory_space<semaphore_mem>>) src(%dma_wait3A_56 : memref<20000x128xf32, #tpu.memory_space<hbm>>) dst(%arg10 : memref<80x128xf32, #tpu.memory_space<vmem>>)
      "tpu.region"() ({
        %run_scoped3A = tpu.sem_alloc : memref<!tpu.dma_semaphore, #tpu.memory_space<semaphore_mem>>
        %dma_start3A_82 = arith.constant 0 : i32
        %dma_start3A_83 = arith.constant 0 : i32
        %dma_start3A_84 = tpu.memref_slice %arg13[%dma_start3A_82, %dma_start3A_83] : memref<10240x128xf32, #tpu.memory_space<vmem_shared>> -> memref<10240x128xf32, #tpu.memory_space<vmem_shared>>
        tpu.enqueue_indirect_dma source(%arg10 : memref<80x128xf32, #tpu.memory_space<vmem>>) target(%dma_start3A_84 : memref<10240x128xf32, #tpu.memory_space<vmem_shared>>) offsets(%arg7 : memref<80xi32, #tpu.memory_space<vmem>>) semaphore(%run_scoped3A : memref<!tpu.dma_semaphore, #tpu.memory_space<semaphore_mem>>) {add = true}
        %dma_wait3A_85 = arith.constant 0 : i32
        %dma_wait3A_86 = arith.constant 0 : i32
        %dma_wait3A_87 = tpu.memref_slice %arg13[%dma_wait3A_85, %dma_wait3A_86] : memref<10240x128xf32, #tpu.memory_space<vmem_shared>> -> memref<10240x128xf32, #tpu.memory_space<vmem_shared>>
        tpu.wait_indirect_dma semaphore(%run_scoped3A : memref<!tpu.dma_semaphore, #tpu.memory_space<semaphore_mem>>) src(%arg10 : memref<80x128xf32, #tpu.memory_space<vmem>>) dst(%dma_wait3A_87 : memref<10240x128xf32, #tpu.memory_space<vmem_shared>>)
        tpu.yield
      }) : () -> ()
      %add3A_57 = arith.constant 2 : i32
      %add3A_58 = arith.addi %mul3A_53, %add3A_57 : i32
      %mul3A_59 = arith.constant 80 : i32
      %mul3A_60 = arith.muli %add3A_58, %mul3A_59 : i32
      %add3A_61 = arith.addi %add3A_19, %mul3A_60 : i32
      "tpu.region"() ({
        %run_scoped3A = tpu.sem_alloc : memref<!tpu.dma_semaphore, #tpu.memory_space<semaphore_mem>>
        %dma_start3A_82 = tpu.memref_slice %arg3[%add3A_61] : memref<640000xi32, #tpu.memory_space<hbm>> -> memref<80xi32, #tpu.memory_space<hbm>>
        %dma_start3A_83 = tpu.memref_slice %arg3[%add3A_61] : memref<640000xi32, #tpu.memory_space<hbm>> -> memref<80xi32, #tpu.memory_space<hbm>>
        tpu.enqueue_dma source(%dma_start3A_83 : memref<80xi32, #tpu.memory_space<hbm>>) target(%arg6 : memref<80xi32, #tpu.memory_space<vmem>>) target_semaphore(%run_scoped3A : memref<!tpu.dma_semaphore, #tpu.memory_space<semaphore_mem>>)
        %dma_wait3A_84 = tpu.memref_slice %arg3[%add3A_61] : memref<640000xi32, #tpu.memory_space<hbm>> -> memref<80xi32, #tpu.memory_space<hbm>>
        %dma_wait3A_85 = tpu.memref_slice %arg3[%add3A_61] : memref<640000xi32, #tpu.memory_space<hbm>> -> memref<80xi32, #tpu.memory_space<hbm>>
        tpu.wait_dma2 semaphore(%run_scoped3A : memref<!tpu.dma_semaphore, #tpu.memory_space<semaphore_mem>>) src(%dma_wait3A_85 : memref<80xi32, #tpu.memory_space<hbm>>) dst(%arg6 : memref<80xi32, #tpu.memory_space<vmem>>)
        tpu.yield
      }) : () -> ()
      %mul3A_62 = arith.constant 80 : i32
      %mul3A_63 = arith.muli %add3A_58, %mul3A_62 : i32
      %add3A_64 = arith.addi %add3A_19, %mul3A_63 : i32
      "tpu.region"() ({
        %run_scoped3A = tpu.sem_alloc : memref<!tpu.dma_semaphore, #tpu.memory_space<semaphore_mem>>
        %dma_start3A_82 = tpu.memref_slice %arg4[%add3A_64] : memref<640000xi32, #tpu.memory_space<hbm>> -> memref<80xi32, #tpu.memory_space<hbm>>
        %dma_start3A_83 = tpu.memref_slice %arg4[%add3A_64] : memref<640000xi32, #tpu.memory_space<hbm>> -> memref<80xi32, #tpu.memory_space<hbm>>
        tpu.enqueue_dma source(%dma_start3A_83 : memref<80xi32, #tpu.memory_space<hbm>>) target(%arg7 : memref<80xi32, #tpu.memory_space<vmem>>) target_semaphore(%run_scoped3A : memref<!tpu.dma_semaphore, #tpu.memory_space<semaphore_mem>>)
        %dma_wait3A_84 = tpu.memref_slice %arg4[%add3A_64] : memref<640000xi32, #tpu.memory_space<hbm>> -> memref<80xi32, #tpu.memory_space<hbm>>
        %dma_wait3A_85 = tpu.memref_slice %arg4[%add3A_64] : memref<640000xi32, #tpu.memory_space<hbm>> -> memref<80xi32, #tpu.memory_space<hbm>>
        tpu.wait_dma2 semaphore(%run_scoped3A : memref<!tpu.dma_semaphore, #tpu.memory_space<semaphore_mem>>) src(%dma_wait3A_85 : memref<80xi32, #tpu.memory_space<hbm>>) dst(%arg7 : memref<80xi32, #tpu.memory_space<vmem>>)
        tpu.yield
      }) : () -> ()
      %dma_start3A_65 = arith.constant 0 : i32
      %dma_start3A_66 = arith.constant 0 : i32
      %dma_start3A_67 = tpu.memref_slice %arg2[%dma_start3A_65, %dma_start3A_66] : memref<20000x128xf32, #tpu.memory_space<hbm>> -> memref<20000x128xf32, #tpu.memory_space<hbm>>
      tpu.enqueue_indirect_dma source(%dma_start3A_67 : memref<20000x128xf32, #tpu.memory_space<hbm>>) target(%arg10 : memref<80x128xf32, #tpu.memory_space<vmem>>) offsets(%arg6 : memref<80xi32, #tpu.memory_space<vmem>>) semaphore(%arg14 : memref<!tpu.dma_semaphore, #tpu.memory_space<semaphore_mem>>)
      %dma_wait3A_68 = arith.constant 0 : i32
      %dma_wait3A_69 = arith.constant 0 : i32
      %dma_wait3A_70 = tpu.memref_slice %arg2[%dma_wait3A_68, %dma_wait3A_69] : memref<20000x128xf32, #tpu.memory_space<hbm>> -> memref<20000x128xf32, #tpu.memory_space<hbm>>
      tpu.wait_indirect_dma semaphore(%arg15 : memref<!tpu.dma_semaphore, #tpu.memory_space<semaphore_mem>>) src(%dma_wait3A_70 : memref<20000x128xf32, #tpu.memory_space<hbm>>) dst(%arg11 : memref<80x128xf32, #tpu.memory_space<vmem>>)
      "tpu.region"() ({
        %run_scoped3A = tpu.sem_alloc : memref<!tpu.dma_semaphore, #tpu.memory_space<semaphore_mem>>
        %dma_start3A_82 = arith.constant 0 : i32
        %dma_start3A_83 = arith.constant 0 : i32
        %dma_start3A_84 = tpu.memref_slice %arg13[%dma_start3A_82, %dma_start3A_83] : memref<10240x128xf32, #tpu.memory_space<vmem_shared>> -> memref<10240x128xf32, #tpu.memory_space<vmem_shared>>
        tpu.enqueue_indirect_dma source(%arg11 : memref<80x128xf32, #tpu.memory_space<vmem>>) target(%dma_start3A_84 : memref<10240x128xf32, #tpu.memory_space<vmem_shared>>) offsets(%arg9 : memref<80xi32, #tpu.memory_space<vmem>>) semaphore(%run_scoped3A : memref<!tpu.dma_semaphore, #tpu.memory_space<semaphore_mem>>) {add = true}
        %dma_wait3A_85 = arith.constant 0 : i32
        %dma_wait3A_86 = arith.constant 0 : i32
        %dma_wait3A_87 = tpu.memref_slice %arg13[%dma_wait3A_85, %dma_wait3A_86] : memref<10240x128xf32, #tpu.memory_space<vmem_shared>> -> memref<10240x128xf32, #tpu.memory_space<vmem_shared>>
        tpu.wait_indirect_dma semaphore(%run_scoped3A : memref<!tpu.dma_semaphore, #tpu.memory_space<semaphore_mem>>) src(%arg11 : memref<80x128xf32, #tpu.memory_space<vmem>>) dst(%dma_wait3A_87 : memref<10240x128xf32, #tpu.memory_space<vmem_shared>>)
        tpu.yield
      }) : () -> ()
      %add3A_71 = arith.constant 3 : i32
      %add3A_72 = arith.addi %mul3A_53, %add3A_71 : i32
      %mul3A_73 = arith.constant 80 : i32
      %mul3A_74 = arith.muli %add3A_72, %mul3A_73 : i32
      %add3A_75 = arith.addi %add3A_19, %mul3A_74 : i32
      "tpu.region"() ({
        %run_scoped3A = tpu.sem_alloc : memref<!tpu.dma_semaphore, #tpu.memory_space<semaphore_mem>>
        %dma_start3A_82 = tpu.memref_slice %arg3[%add3A_75] : memref<640000xi32, #tpu.memory_space<hbm>> -> memref<80xi32, #tpu.memory_space<hbm>>
        %dma_start3A_83 = tpu.memref_slice %arg3[%add3A_75] : memref<640000xi32, #tpu.memory_space<hbm>> -> memref<80xi32, #tpu.memory_space<hbm>>
        tpu.enqueue_dma source(%dma_start3A_83 : memref<80xi32, #tpu.memory_space<hbm>>) target(%arg8 : memref<80xi32, #tpu.memory_space<vmem>>) target_semaphore(%run_scoped3A : memref<!tpu.dma_semaphore, #tpu.memory_space<semaphore_mem>>)
        %dma_wait3A_84 = tpu.memref_slice %arg3[%add3A_75] : memref<640000xi32, #tpu.memory_space<hbm>> -> memref<80xi32, #tpu.memory_space<hbm>>
        %dma_wait3A_85 = tpu.memref_slice %arg3[%add3A_75] : memref<640000xi32, #tpu.memory_space<hbm>> -> memref<80xi32, #tpu.memory_space<hbm>>
        tpu.wait_dma2 semaphore(%run_scoped3A : memref<!tpu.dma_semaphore, #tpu.memory_space<semaphore_mem>>) src(%dma_wait3A_85 : memref<80xi32, #tpu.memory_space<hbm>>) dst(%arg8 : memref<80xi32, #tpu.memory_space<vmem>>)
        tpu.yield
      }) : () -> ()
      %mul3A_76 = arith.constant 80 : i32
      %mul3A_77 = arith.muli %add3A_72, %mul3A_76 : i32
      %add3A_78 = arith.addi %add3A_19, %mul3A_77 : i32
      "tpu.region"() ({
        %run_scoped3A = tpu.sem_alloc : memref<!tpu.dma_semaphore, #tpu.memory_space<semaphore_mem>>
        %dma_start3A_82 = tpu.memref_slice %arg4[%add3A_78] : memref<640000xi32, #tpu.memory_space<hbm>> -> memref<80xi32, #tpu.memory_space<hbm>>
        %dma_start3A_83 = tpu.memref_slice %arg4[%add3A_78] : memref<640000xi32, #tpu.memory_space<hbm>> -> memref<80xi32, #tpu.memory_space<hbm>>
        tpu.enqueue_dma source(%dma_start3A_83 : memref<80xi32, #tpu.memory_space<hbm>>) target(%arg9 : memref<80xi32, #tpu.memory_space<vmem>>) target_semaphore(%run_scoped3A : memref<!tpu.dma_semaphore, #tpu.memory_space<semaphore_mem>>)
        %dma_wait3A_84 = tpu.memref_slice %arg4[%add3A_78] : memref<640000xi32, #tpu.memory_space<hbm>> -> memref<80xi32, #tpu.memory_space<hbm>>
        %dma_wait3A_85 = tpu.memref_slice %arg4[%add3A_78] : memref<640000xi32, #tpu.memory_space<hbm>> -> memref<80xi32, #tpu.memory_space<hbm>>
        tpu.wait_dma2 semaphore(%run_scoped3A : memref<!tpu.dma_semaphore, #tpu.memory_space<semaphore_mem>>) src(%dma_wait3A_85 : memref<80xi32, #tpu.memory_space<hbm>>) dst(%arg9 : memref<80xi32, #tpu.memory_space<vmem>>)
        tpu.yield
      }) : () -> ()
      %dma_start3A_79 = arith.constant 0 : i32
      %dma_start3A_80 = arith.constant 0 : i32
      %dma_start3A_81 = tpu.memref_slice %arg2[%dma_start3A_79, %dma_start3A_80] : memref<20000x128xf32, #tpu.memory_space<hbm>> -> memref<20000x128xf32, #tpu.memory_space<hbm>>
      tpu.enqueue_indirect_dma source(%dma_start3A_81 : memref<20000x128xf32, #tpu.memory_space<hbm>>) target(%arg11 : memref<80x128xf32, #tpu.memory_space<vmem>>) offsets(%arg8 : memref<80xi32, #tpu.memory_space<vmem>>) semaphore(%arg15 : memref<!tpu.dma_semaphore, #tpu.memory_space<semaphore_mem>>)
    }
    %scan3A_38 = arith.constant 124 : i32
    %dma_wait3A = arith.constant 0 : i32
    %dma_wait3A_39 = arith.constant 0 : i32
    %dma_wait3A_40 = tpu.memref_slice %arg2[%dma_wait3A, %dma_wait3A_39] : memref<20000x128xf32, #tpu.memory_space<hbm>> -> memref<20000x128xf32, #tpu.memory_space<hbm>>
    tpu.wait_indirect_dma semaphore(%arg14 : memref<!tpu.dma_semaphore, #tpu.memory_space<semaphore_mem>>) src(%dma_wait3A_40 : memref<20000x128xf32, #tpu.memory_space<hbm>>) dst(%arg10 : memref<80x128xf32, #tpu.memory_space<vmem>>)
    "tpu.region"() ({
      %run_scoped3A = tpu.sem_alloc : memref<!tpu.dma_semaphore, #tpu.memory_space<semaphore_mem>>
      %dma_start3A_51 = arith.constant 0 : i32
      %dma_start3A_52 = arith.constant 0 : i32
      %dma_start3A_53 = tpu.memref_slice %arg13[%dma_start3A_51, %dma_start3A_52] : memref<10240x128xf32, #tpu.memory_space<vmem_shared>> -> memref<10240x128xf32, #tpu.memory_space<vmem_shared>>
      tpu.enqueue_indirect_dma source(%arg10 : memref<80x128xf32, #tpu.memory_space<vmem>>) target(%dma_start3A_53 : memref<10240x128xf32, #tpu.memory_space<vmem_shared>>) offsets(%arg7 : memref<80xi32, #tpu.memory_space<vmem>>) semaphore(%run_scoped3A : memref<!tpu.dma_semaphore, #tpu.memory_space<semaphore_mem>>) {add = true}
      %dma_wait3A_54 = arith.constant 0 : i32
      %dma_wait3A_55 = arith.constant 0 : i32
      %dma_wait3A_56 = tpu.memref_slice %arg13[%dma_wait3A_54, %dma_wait3A_55] : memref<10240x128xf32, #tpu.memory_space<vmem_shared>> -> memref<10240x128xf32, #tpu.memory_space<vmem_shared>>
      tpu.wait_indirect_dma semaphore(%run_scoped3A : memref<!tpu.dma_semaphore, #tpu.memory_space<semaphore_mem>>) src(%arg10 : memref<80x128xf32, #tpu.memory_space<vmem>>) dst(%dma_wait3A_56 : memref<10240x128xf32, #tpu.memory_space<vmem_shared>>)
      tpu.yield
    }) : () -> ()
    %dma_wait3A_41 = arith.constant 0 : i32
    %dma_wait3A_42 = arith.constant 0 : i32
    %dma_wait3A_43 = tpu.memref_slice %arg2[%dma_wait3A_41, %dma_wait3A_42] : memref<20000x128xf32, #tpu.memory_space<hbm>> -> memref<20000x128xf32, #tpu.memory_space<hbm>>
    tpu.wait_indirect_dma semaphore(%arg15 : memref<!tpu.dma_semaphore, #tpu.memory_space<semaphore_mem>>) src(%dma_wait3A_43 : memref<20000x128xf32, #tpu.memory_space<hbm>>) dst(%arg11 : memref<80x128xf32, #tpu.memory_space<vmem>>)
    "tpu.region"() ({
      %run_scoped3A = tpu.sem_alloc : memref<!tpu.dma_semaphore, #tpu.memory_space<semaphore_mem>>
      %dma_start3A_51 = arith.constant 0 : i32
      %dma_start3A_52 = arith.constant 0 : i32
      %dma_start3A_53 = tpu.memref_slice %arg13[%dma_start3A_51, %dma_start3A_52] : memref<10240x128xf32, #tpu.memory_space<vmem_shared>> -> memref<10240x128xf32, #tpu.memory_space<vmem_shared>>
      tpu.enqueue_indirect_dma source(%arg11 : memref<80x128xf32, #tpu.memory_space<vmem>>) target(%dma_start3A_53 : memref<10240x128xf32, #tpu.memory_space<vmem_shared>>) offsets(%arg9 : memref<80xi32, #tpu.memory_space<vmem>>) semaphore(%run_scoped3A : memref<!tpu.dma_semaphore, #tpu.memory_space<semaphore_mem>>) {add = true}
      %dma_wait3A_54 = arith.constant 0 : i32
      %dma_wait3A_55 = arith.constant 0 : i32
      %dma_wait3A_56 = tpu.memref_slice %arg13[%dma_wait3A_54, %dma_wait3A_55] : memref<10240x128xf32, #tpu.memory_space<vmem_shared>> -> memref<10240x128xf32, #tpu.memory_space<vmem_shared>>
      tpu.wait_indirect_dma semaphore(%run_scoped3A : memref<!tpu.dma_semaphore, #tpu.memory_space<semaphore_mem>>) src(%arg11 : memref<80x128xf32, #tpu.memory_space<vmem>>) dst(%dma_wait3A_56 : memref<10240x128xf32, #tpu.memory_space<vmem_shared>>)
      tpu.yield
    }) : () -> ()
    %barrier3A_44 = arith.constant 0 : index
    tpu.barrier barrier_id(%barrier3A_44)
    %lt3A = arith.constant 15 : i32
    %lt3A_45 = arith.cmpi slt, %arg1, %lt3A : i32
    %convert_element_type3A = arith.extui %lt3A_45 : i1 to i32
    %cond3A = arith.constant 0 : i32
    %cond3A_46 = arith.cmpi ne, %convert_element_type3A, %cond3A : i32
    scf.if %cond3A_46 {
      "tpu.region"() ({
        %run_scoped3A = tpu.sem_alloc : memref<!tpu.dma_semaphore, #tpu.memory_space<semaphore_mem>>
        %dma_start3A_51 = arith.constant 0 : i32
        %dma_start3A_52 = tpu.memref_slice %arg5[%arg0, %mul3A_5, %dma_start3A_51] : memref<2x10000x128xf32, #tpu.memory_space<hbm>> -> memref<1x640x128xf32, #tpu.memory_space<hbm>>
        %dma_start3A_53 = tpu.memref_squeeze %dma_start3A_52 : memref<1x640x128xf32, #tpu.memory_space<hbm>> -> memref<640x128xf32, #tpu.memory_space<hbm>>
        %dma_start3A_54 = arith.constant 0 : i32
        %dma_start3A_55 = tpu.memref_slice %arg13[%mul3A_5, %dma_start3A_54] : memref<10240x128xf32, #tpu.memory_space<vmem_shared>> -> memref<640x128xf32, #tpu.memory_space<vmem_shared>>
        tpu.enqueue_dma source(%dma_start3A_55 : memref<640x128xf32, #tpu.memory_space<vmem_shared>>) target(%dma_start3A_53 : memref<640x128xf32, #tpu.memory_space<hbm>>) target_semaphore(%run_scoped3A : memref<!tpu.dma_semaphore, #tpu.memory_space<semaphore_mem>>)
        %dma_wait3A_56 = arith.constant 0 : i32
        %dma_wait3A_57 = tpu.memref_slice %arg5[%arg0, %mul3A_5, %dma_wait3A_56] : memref<2x10000x128xf32, #tpu.memory_space<hbm>> -> memref<1x640x128xf32, #tpu.memory_space<hbm>>
        %dma_wait3A_58 = tpu.memref_squeeze %dma_wait3A_57 : memref<1x640x128xf32, #tpu.memory_space<hbm>> -> memref<640x128xf32, #tpu.memory_space<hbm>>
        %dma_wait3A_59 = arith.constant 0 : i32
        %dma_wait3A_60 = tpu.memref_slice %arg13[%mul3A_5, %dma_wait3A_59] : memref<10240x128xf32, #tpu.memory_space<vmem_shared>> -> memref<640x128xf32, #tpu.memory_space<vmem_shared>>
        tpu.wait_dma2 semaphore(%run_scoped3A : memref<!tpu.dma_semaphore, #tpu.memory_space<semaphore_mem>>) src(%dma_wait3A_60 : memref<640x128xf32, #tpu.memory_space<vmem_shared>>) dst(%dma_wait3A_58 : memref<640x128xf32, #tpu.memory_space<hbm>>)
        tpu.yield
      }) : () -> ()
    } else {
    }
    %eq3A = arith.constant 15 : i32
    %eq3A_47 = arith.cmpi eq, %arg1, %eq3A : i32
    %convert_element_type3A_48 = arith.extui %eq3A_47 : i1 to i32
    %cond3A_49 = arith.constant 0 : i32
    %cond3A_50 = arith.cmpi ne, %convert_element_type3A_48, %cond3A_49 : i32
    scf.if %cond3A_50 {
      "tpu.region"() ({
        %run_scoped3A = tpu.sem_alloc : memref<!tpu.dma_semaphore, #tpu.memory_space<semaphore_mem>>
        %dma_start3A_51 = arith.constant 9600 : i32
        %dma_start3A_52 = arith.constant 0 : i32
        %dma_start3A_53 = tpu.memref_slice %arg5[%arg0, %dma_start3A_51, %dma_start3A_52] : memref<2x10000x128xf32, #tpu.memory_space<hbm>> -> memref<1x400x128xf32, #tpu.memory_space<hbm>>
        %dma_start3A_54 = tpu.memref_squeeze %dma_start3A_53 : memref<1x400x128xf32, #tpu.memory_space<hbm>> -> memref<400x128xf32, #tpu.memory_space<hbm>>
        %dma_start3A_55 = arith.constant 9600 : i32
        %dma_start3A_56 = arith.constant 0 : i32
        %dma_start3A_57 = tpu.memref_slice %arg13[%dma_start3A_55, %dma_start3A_56] : memref<10240x128xf32, #tpu.memory_space<vmem_shared>> -> memref<400x128xf32, #tpu.memory_space<vmem_shared>>
        tpu.enqueue_dma source(%dma_start3A_57 : memref<400x128xf32, #tpu.memory_space<vmem_shared>>) target(%dma_start3A_54 : memref<400x128xf32, #tpu.memory_space<hbm>>) target_semaphore(%run_scoped3A : memref<!tpu.dma_semaphore, #tpu.memory_space<semaphore_mem>>)
        %dma_wait3A_58 = arith.constant 9600 : i32
        %dma_wait3A_59 = arith.constant 0 : i32
        %dma_wait3A_60 = tpu.memref_slice %arg5[%arg0, %dma_wait3A_58, %dma_wait3A_59] : memref<2x10000x128xf32, #tpu.memory_space<hbm>> -> memref<1x400x128xf32, #tpu.memory_space<hbm>>
        %dma_wait3A_61 = tpu.memref_squeeze %dma_wait3A_60 : memref<1x400x128xf32, #tpu.memory_space<hbm>> -> memref<400x128xf32, #tpu.memory_space<hbm>>
        %dma_wait3A_62 = arith.constant 9600 : i32
        %dma_wait3A_63 = arith.constant 0 : i32
        %dma_wait3A_64 = tpu.memref_slice %arg13[%dma_wait3A_62, %dma_wait3A_63] : memref<10240x128xf32, #tpu.memory_space<vmem_shared>> -> memref<400x128xf32, #tpu.memory_space<vmem_shared>>
        tpu.wait_dma2 semaphore(%run_scoped3A : memref<!tpu.dma_semaphore, #tpu.memory_space<semaphore_mem>>) src(%dma_wait3A_64 : memref<400x128xf32, #tpu.memory_space<vmem_shared>>) dst(%dma_wait3A_61 : memref<400x128xf32, #tpu.memory_space<hbm>>)
        tpu.yield
      }) : () -> ()
    } else {
    }
    return
  }
}

module attributes {stable_mosaic.version = 14 : i64} {
  func.func @_t1_body(%arg0: i32, %arg1: memref<2000x128xf32, #tpu.memory_space<vmem>>, %arg2: memref<128x128xf32, #tpu.memory_space<vmem>>, %arg3: memref<1x128xf32, #tpu.memory_space<vmem>>, %arg4: memref<128x128xf32, #tpu.memory_space<vmem>>, %arg5: memref<1x128xf32, #tpu.memory_space<vmem>>, %arg6: memref<128x128xf32, #tpu.memory_space<vmem>>, %arg7: memref<1x128xf32, #tpu.memory_space<vmem>>, %arg8: memref<2000x128xf32, #tpu.memory_space<vmem>>, %arg9: memref<2x2000x128xf32, #tpu.memory_space<vmem>>) attributes {dimension_semantics = [#tpu.dimension_semantics<arbitrary>], iteration_bounds = array<i64: 5>, scalar_prefetch = 0 : i64, scratch_operands = 0 : i64, tpu.core_type = #tpu.core_type<tc>, window_params = [{transform_indices = @transform_0, window_bounds = array<i64: 2000, 128>}, {pipeline_mode = #tpu.pipeline_mode<synchronous>, transform_indices = @transform_1, window_bounds = array<i64: 128, 128>}, {pipeline_mode = #tpu.pipeline_mode<synchronous>, transform_indices = @transform_2, window_bounds = array<i64: 1, 128>}, {pipeline_mode = #tpu.pipeline_mode<synchronous>, transform_indices = @transform_3, window_bounds = array<i64: 128, 128>}, {pipeline_mode = #tpu.pipeline_mode<synchronous>, transform_indices = @transform_4, window_bounds = array<i64: 1, 128>}, {pipeline_mode = #tpu.pipeline_mode<synchronous>, transform_indices = @transform_5, window_bounds = array<i64: 128, 128>}, {pipeline_mode = #tpu.pipeline_mode<synchronous>, transform_indices = @transform_6, window_bounds = array<i64: 1, 128>}, {transform_indices = @transform_7, window_bounds = array<i64: 2000, 128>}, {transform_indices = @transform_8, window_bounds = array<i64: 2, 2000, 128>}]} {
    %get3A = arith.constant 0 : index
    %get3A_0 = arith.constant 0 : index
    %get3A_1 = vector.load %arg1[%get3A, %get3A_0] : memref<2000x128xf32, #tpu.memory_space<vmem>>, vector<2000x128xf32>
    %get3A_2 = arith.constant 0 : index
    %get3A_3 = arith.constant 0 : index
    %get3A_4 = vector.load %arg2[%get3A_2, %get3A_3] : memref<128x128xf32, #tpu.memory_space<vmem>>, vector<128x128xf32>
    %dot_general3A = arith.constant dense<0.000000e+00> : vector<2000x128xf32>
    %dot_general3A_5 = tpu.matmul %get3A_1, %get3A_4, %dot_general3A {dimension_numbers = #tpu.dot_dimension_numbers<[1], [0], [0], [1], [0, 0, 1, 1], [], []>, transpose_lhs_hint = false} : vector<2000x128xf32>, vector<128x128xf32>, vector<2000x128xf32> -> vector<2000x128xf32>
    %get3A_6 = arith.constant 0 : index
    %get3A_7 = arith.constant 0 : index
    %get3A_8 = vector.load %arg3[%get3A_6, %get3A_7] : memref<1x128xf32, #tpu.memory_space<vmem>>, vector<1x128xf32>
    %add3A = vector.broadcast %get3A_8 : vector<1x128xf32> to vector<2000x128xf32>
    %add3A_9 = arith.addf %dot_general3A_5, %add3A : vector<2000x128xf32>
    %swap3A = arith.constant 0 : index
    %swap3A_10 = arith.constant 0 : index
    %swap3A_11 = vector.load %arg8[%swap3A, %swap3A_10] : memref<2000x128xf32, #tpu.memory_space<vmem>>, vector<2000x128xf32>
    tpu.vector_store %arg8[%swap3A, %swap3A_10], %add3A_9 {strides = array<i32>} : memref<2000x128xf32, #tpu.memory_space<vmem>>, vector<2000x128xf32>,
    %get3A_12 = arith.constant 0 : index
    %get3A_13 = arith.constant 0 : index
    %get3A_14 = vector.load %arg4[%get3A_12, %get3A_13] : memref<128x128xf32, #tpu.memory_space<vmem>>, vector<128x128xf32>
    %dot_general3A_15 = arith.constant dense<0.000000e+00> : vector<2000x128xf32>
    %dot_general3A_16 = tpu.matmul %add3A_9, %get3A_14, %dot_general3A_15 {dimension_numbers = #tpu.dot_dimension_numbers<[1], [0], [0], [1], [0, 0, 1, 1], [], []>, transpose_lhs_hint = false} : vector<2000x128xf32>, vector<128x128xf32>, vector<2000x128xf32> -> vector<2000x128xf32>
    %get3A_17 = arith.constant 0 : index
    %get3A_18 = arith.constant 0 : index
    %get3A_19 = vector.load %arg5[%get3A_17, %get3A_18] : memref<1x128xf32, #tpu.memory_space<vmem>>, vector<1x128xf32>
    %add3A_20 = vector.broadcast %get3A_19 : vector<1x128xf32> to vector<2000x128xf32>
    %add3A_21 = arith.addf %dot_general3A_16, %add3A_20 : vector<2000x128xf32>
    %max3A = arith.constant 0.000000e+00 : f32
    %max3A_22 = vector.broadcast %max3A : f32 to vector<2000x128xf32>
    %max3A_23 = arith.maximumf %add3A_21, %max3A_22 : vector<2000x128xf32>
    %swap3A_24 = arith.constant 0 : index
    %swap3A_25 = arith.constant 0 : index
    %swap3A_26 = arith.constant 0 : index
    %swap3A_27 = vector.load %arg9[%swap3A_24, %swap3A_25, %swap3A_26] : memref<2x2000x128xf32, #tpu.memory_space<vmem>>, vector<1x2000x128xf32>
    %swap3A_28 = vector.shape_cast %swap3A_27 : vector<1x2000x128xf32> to vector<2000x128xf32>
    %swap3A_29 = vector.shape_cast %max3A_23 : vector<2000x128xf32> to vector<1x2000x128xf32>
    tpu.vector_store %arg9[%swap3A_24, %swap3A_25, %swap3A_26], %swap3A_29 {strides = array<i32>} : memref<2x2000x128xf32, #tpu.memory_space<vmem>>, vector<1x2000x128xf32>,
    %get3A_30 = arith.constant 0 : index
    %get3A_31 = arith.constant 0 : index
    %get3A_32 = vector.load %arg6[%get3A_30, %get3A_31] : memref<128x128xf32, #tpu.memory_space<vmem>>, vector<128x128xf32>
    %dot_general3A_33 = arith.constant dense<0.000000e+00> : vector<2000x128xf32>
    %dot_general3A_34 = tpu.matmul %add3A_9, %get3A_32, %dot_general3A_33 {dimension_numbers = #tpu.dot_dimension_numbers<[1], [0], [0], [1], [0, 0, 1, 1], [], []>, transpose_lhs_hint = false} : vector<2000x128xf32>, vector<128x128xf32>, vector<2000x128xf32> -> vector<2000x128xf32>
    %get3A_35 = arith.constant 0 : index
    %get3A_36 = arith.constant 0 : index
    %get3A_37 = vector.load %arg7[%get3A_35, %get3A_36] : memref<1x128xf32, #tpu.memory_space<vmem>>, vector<1x128xf32>
    %add3A_38 = vector.broadcast %get3A_37 : vector<1x128xf32> to vector<2000x128xf32>
    %add3A_39 = arith.addf %dot_general3A_34, %add3A_38 : vector<2000x128xf32>
    %max3A_40 = arith.constant 0.000000e+00 : f32
    %max3A_41 = vector.broadcast %max3A_40 : f32 to vector<2000x128xf32>
    %max3A_42 = arith.maximumf %add3A_39, %max3A_41 : vector<2000x128xf32>
    %swap3A_43 = arith.constant 1 : index
    %swap3A_44 = arith.constant 0 : index
    %swap3A_45 = arith.constant 0 : index
    %swap3A_46 = vector.load %arg9[%swap3A_43, %swap3A_44, %swap3A_45] : memref<2x2000x128xf32, #tpu.memory_space<vmem>>, vector<1x2000x128xf32>
    %swap3A_47 = vector.shape_cast %swap3A_46 : vector<1x2000x128xf32> to vector<2000x128xf32>
    %swap3A_48 = vector.shape_cast %max3A_42 : vector<2000x128xf32> to vector<1x2000x128xf32>
    tpu.vector_store %arg9[%swap3A_43, %swap3A_44, %swap3A_45], %swap3A_48 {strides = array<i32>} : memref<2x2000x128xf32, #tpu.memory_space<vmem>>, vector<1x2000x128xf32>,
    return
  }
  func.func @transform_0(%arg0: i32) -> (i32, i32) {
    %c0_i32 = arith.constant 0 : i32
    %c0_i32_0 = arith.constant 0 : i32
    return %arg0, %c0_i32 : i32, i32
  }
  func.func @transform_1(%arg0: i32) -> (i32, i32) {
    %c0_i32 = arith.constant 0 : i32
    %c0_i32_0 = arith.constant 0 : i32
    %c0_i32_1 = arith.constant 0 : i32
    return %c0_i32, %c0_i32_0 : i32, i32
  }
  func.func @transform_2(%arg0: i32) -> (i32, i32) {
    %c0_i32 = arith.constant 0 : i32
    %c0_i32_0 = arith.constant 0 : i32
    %c0_i32_1 = arith.constant 0 : i32
    return %c0_i32, %c0_i32_0 : i32, i32
  }
  func.func @transform_3(%arg0: i32) -> (i32, i32) {
    %c0_i32 = arith.constant 0 : i32
    %c0_i32_0 = arith.constant 0 : i32
    %c0_i32_1 = arith.constant 0 : i32
    return %c0_i32, %c0_i32_0 : i32, i32
  }
  func.func @transform_4(%arg0: i32) -> (i32, i32) {
    %c0_i32 = arith.constant 0 : i32
    %c0_i32_0 = arith.constant 0 : i32
    %c0_i32_1 = arith.constant 0 : i32
    return %c0_i32, %c0_i32_0 : i32, i32
  }
  func.func @transform_5(%arg0: i32) -> (i32, i32) {
    %c0_i32 = arith.constant 0 : i32
    %c0_i32_0 = arith.constant 0 : i32
    %c0_i32_1 = arith.constant 0 : i32
    return %c0_i32, %c0_i32_0 : i32, i32
  }
  func.func @transform_6(%arg0: i32) -> (i32, i32) {
    %c0_i32 = arith.constant 0 : i32
    %c0_i32_0 = arith.constant 0 : i32
    %c0_i32_1 = arith.constant 0 : i32
    return %c0_i32, %c0_i32_0 : i32, i32
  }
  func.func @transform_7(%arg0: i32) -> (i32, i32) {
    %c0_i32 = arith.constant 0 : i32
    %c0_i32_0 = arith.constant 0 : i32
    return %arg0, %c0_i32 : i32, i32
  }
  func.func @transform_8(%arg0: i32) -> (i32, i32, i32) {
    %c0_i32 = arith.constant 0 : i32
    %c0_i32_0 = arith.constant 0 : i32
    %c0_i32_1 = arith.constant 0 : i32
    return %c0_i32, %arg0, %c0_i32_0 : i32, i32, i32
  }
}

module attributes {stable_mosaic.version = 14 : i64} {
  func.func @_t2_body(%arg0: i32, %arg1: memref<2000x128xf32, #tpu.memory_space<vmem>>, %arg2: memref<1x2000x128xf32, #tpu.memory_space<vmem>>, %arg3: memref<1x2000x128xf32, #tpu.memory_space<vmem>>, %arg4: memref<384x128xf32, #tpu.memory_space<vmem>>, %arg5: memref<1x128xf32, #tpu.memory_space<vmem>>, %arg6: memref<128x128xf32, #tpu.memory_space<vmem>>, %arg7: memref<1x128xf32, #tpu.memory_space<vmem>>, %arg8: memref<128x128xf32, #tpu.memory_space<vmem>>, %arg9: memref<1x128xf32, #tpu.memory_space<vmem>>, %arg10: memref<2000x128xf32, #tpu.memory_space<vmem>>, %arg11: memref<2x2000x128xf32, #tpu.memory_space<vmem>>) attributes {dimension_semantics = [#tpu.dimension_semantics<arbitrary>], iteration_bounds = array<i64: 5>, scalar_prefetch = 0 : i64, scratch_operands = 0 : i64, tpu.core_type = #tpu.core_type<tc>, window_params = [{transform_indices = @transform_0, window_bounds = array<i64: 2000, 128>}, {transform_indices = @transform_1, window_bounds = array<i64: 1, 2000, 128>}, {transform_indices = @transform_2, window_bounds = array<i64: 1, 2000, 128>}, {pipeline_mode = #tpu.pipeline_mode<synchronous>, transform_indices = @transform_3, window_bounds = array<i64: 384, 128>}, {pipeline_mode = #tpu.pipeline_mode<synchronous>, transform_indices = @transform_4, window_bounds = array<i64: 1, 128>}, {pipeline_mode = #tpu.pipeline_mode<synchronous>, transform_indices = @transform_5, window_bounds = array<i64: 128, 128>}, {pipeline_mode = #tpu.pipeline_mode<synchronous>, transform_indices = @transform_6, window_bounds = array<i64: 1, 128>}, {pipeline_mode = #tpu.pipeline_mode<synchronous>, transform_indices = @transform_7, window_bounds = array<i64: 128, 128>}, {pipeline_mode = #tpu.pipeline_mode<synchronous>, transform_indices = @transform_8, window_bounds = array<i64: 1, 128>}, {transform_indices = @transform_9, window_bounds = array<i64: 2000, 128>}, {transform_indices = @transform_10, window_bounds = array<i64: 2, 2000, 128>}]} {
    %get3A = arith.constant 0 : index
    %get3A_0 = arith.constant 0 : index
    %get3A_1 = vector.load %arg1[%get3A, %get3A_0] : memref<2000x128xf32, #tpu.memory_space<vmem>>, vector<2000x128xf32>
    %get3A_2 = arith.constant 0 : index
    %get3A_3 = arith.constant 0 : index
    %get3A_4 = arith.constant 0 : index
    %get3A_5 = vector.load %arg2[%get3A_2, %get3A_3, %get3A_4] : memref<1x2000x128xf32, #tpu.memory_space<vmem>>, vector<1x2000x128xf32>
    %get3A_6 = vector.shape_cast %get3A_5 : vector<1x2000x128xf32> to vector<2000x128xf32>
    %get3A_7 = arith.constant 0 : index
    %get3A_8 = arith.constant 0 : index
    %get3A_9 = arith.constant 0 : index
    %get3A_10 = vector.load %arg3[%get3A_7, %get3A_8, %get3A_9] : memref<1x2000x128xf32, #tpu.memory_space<vmem>>, vector<1x2000x128xf32>
    %get3A_11 = vector.shape_cast %get3A_10 : vector<1x2000x128xf32> to vector<2000x128xf32>
    %concatenate3A = tpu.concatenate %get3A_1, %get3A_6, %get3A_11 in 1 : vector<2000x128xf32>, vector<2000x128xf32>, vector<2000x128xf32> -> vector<2000x384xf32>
    %get3A_12 = arith.constant 0 : index
    %get3A_13 = arith.constant 0 : index
    %get3A_14 = vector.load %arg4[%get3A_12, %get3A_13] : memref<384x128xf32, #tpu.memory_space<vmem>>, vector<384x128xf32>
    %dot_general3A = arith.constant dense<0.000000e+00> : vector<2000x128xf32>
    %dot_general3A_15 = tpu.matmul %concatenate3A, %get3A_14, %dot_general3A {dimension_numbers = #tpu.dot_dimension_numbers<[1], [0], [0], [1], [0, 0, 1, 1], [], []>, transpose_lhs_hint = false} : vector<2000x384xf32>, vector<384x128xf32>, vector<2000x128xf32> -> vector<2000x128xf32>
    %add3A = arith.addf %get3A_1, %dot_general3A_15 : vector<2000x128xf32>
    %get3A_16 = arith.constant 0 : index
    %get3A_17 = arith.constant 0 : index
    %get3A_18 = vector.load %arg5[%get3A_16, %get3A_17] : memref<1x128xf32, #tpu.memory_space<vmem>>, vector<1x128xf32>
    %add3A_19 = vector.broadcast %get3A_18 : vector<1x128xf32> to vector<2000x128xf32>
    %add3A_20 = arith.addf %add3A, %add3A_19 : vector<2000x128xf32>
    %swap3A = arith.constant 0 : index
    %swap3A_21 = arith.constant 0 : index
    %swap3A_22 = vector.load %arg10[%swap3A, %swap3A_21] : memref<2000x128xf32, #tpu.memory_space<vmem>>, vector<2000x128xf32>
    tpu.vector_store %arg10[%swap3A, %swap3A_21], %add3A_20 {strides = array<i32>} : memref<2000x128xf32, #tpu.memory_space<vmem>>, vector<2000x128xf32>,
    %get3A_23 = arith.constant 0 : index
    %get3A_24 = arith.constant 0 : index
    %get3A_25 = vector.load %arg6[%get3A_23, %get3A_24] : memref<128x128xf32, #tpu.memory_space<vmem>>, vector<128x128xf32>
    %dot_general3A_26 = arith.constant dense<0.000000e+00> : vector<2000x128xf32>
    %dot_general3A_27 = tpu.matmul %add3A_20, %get3A_25, %dot_general3A_26 {dimension_numbers = #tpu.dot_dimension_numbers<[1], [0], [0], [1], [0, 0, 1, 1], [], []>, transpose_lhs_hint = false} : vector<2000x128xf32>, vector<128x128xf32>, vector<2000x128xf32> -> vector<2000x128xf32>
    %get3A_28 = arith.constant 0 : index
    %get3A_29 = arith.constant 0 : index
    %get3A_30 = vector.load %arg7[%get3A_28, %get3A_29] : memref<1x128xf32, #tpu.memory_space<vmem>>, vector<1x128xf32>
    %add3A_31 = vector.broadcast %get3A_30 : vector<1x128xf32> to vector<2000x128xf32>
    %add3A_32 = arith.addf %dot_general3A_27, %add3A_31 : vector<2000x128xf32>
    %max3A = arith.constant 0.000000e+00 : f32
    %max3A_33 = vector.broadcast %max3A : f32 to vector<2000x128xf32>
    %max3A_34 = arith.maximumf %add3A_32, %max3A_33 : vector<2000x128xf32>
    %swap3A_35 = arith.constant 0 : index
    %swap3A_36 = arith.constant 0 : index
    %swap3A_37 = arith.constant 0 : index
    %swap3A_38 = vector.load %arg11[%swap3A_35, %swap3A_36, %swap3A_37] : memref<2x2000x128xf32, #tpu.memory_space<vmem>>, vector<1x2000x128xf32>
    %swap3A_39 = vector.shape_cast %swap3A_38 : vector<1x2000x128xf32> to vector<2000x128xf32>
    %swap3A_40 = vector.shape_cast %max3A_34 : vector<2000x128xf32> to vector<1x2000x128xf32>
    tpu.vector_store %arg11[%swap3A_35, %swap3A_36, %swap3A_37], %swap3A_40 {strides = array<i32>} : memref<2x2000x128xf32, #tpu.memory_space<vmem>>, vector<1x2000x128xf32>,
    %get3A_41 = arith.constant 0 : index
    %get3A_42 = arith.constant 0 : index
    %get3A_43 = vector.load %arg8[%get3A_41, %get3A_42] : memref<128x128xf32, #tpu.memory_space<vmem>>, vector<128x128xf32>
    %dot_general3A_44 = arith.constant dense<0.000000e+00> : vector<2000x128xf32>
    %dot_general3A_45 = tpu.matmul %add3A_20, %get3A_43, %dot_general3A_44 {dimension_numbers = #tpu.dot_dimension_numbers<[1], [0], [0], [1], [0, 0, 1, 1], [], []>, transpose_lhs_hint = false} : vector<2000x128xf32>, vector<128x128xf32>, vector<2000x128xf32> -> vector<2000x128xf32>
    %get3A_46 = arith.constant 0 : index
    %get3A_47 = arith.constant 0 : index
    %get3A_48 = vector.load %arg9[%get3A_46, %get3A_47] : memref<1x128xf32, #tpu.memory_space<vmem>>, vector<1x128xf32>
    %add3A_49 = vector.broadcast %get3A_48 : vector<1x128xf32> to vector<2000x128xf32>
    %add3A_50 = arith.addf %dot_general3A_45, %add3A_49 : vector<2000x128xf32>
    %max3A_51 = arith.constant 0.000000e+00 : f32
    %max3A_52 = vector.broadcast %max3A_51 : f32 to vector<2000x128xf32>
    %max3A_53 = arith.maximumf %add3A_50, %max3A_52 : vector<2000x128xf32>
    %swap3A_54 = arith.constant 1 : index
    %swap3A_55 = arith.constant 0 : index
    %swap3A_56 = arith.constant 0 : index
    %swap3A_57 = vector.load %arg11[%swap3A_54, %swap3A_55, %swap3A_56] : memref<2x2000x128xf32, #tpu.memory_space<vmem>>, vector<1x2000x128xf32>
    %swap3A_58 = vector.shape_cast %swap3A_57 : vector<1x2000x128xf32> to vector<2000x128xf32>
    %swap3A_59 = vector.shape_cast %max3A_53 : vector<2000x128xf32> to vector<1x2000x128xf32>
    tpu.vector_store %arg11[%swap3A_54, %swap3A_55, %swap3A_56], %swap3A_59 {strides = array<i32>} : memref<2x2000x128xf32, #tpu.memory_space<vmem>>, vector<1x2000x128xf32>,
    return
  }
  func.func @transform_0(%arg0: i32) -> (i32, i32) {
    %c0_i32 = arith.constant 0 : i32
    %c0_i32_0 = arith.constant 0 : i32
    return %arg0, %c0_i32 : i32, i32
  }
  func.func @transform_1(%arg0: i32) -> (i32, i32, i32) {
    %c0_i32 = arith.constant 0 : i32
    %c0_i32_0 = arith.constant 0 : i32
    %c0_i32_1 = arith.constant 0 : i32
    return %c0_i32, %arg0, %c0_i32_0 : i32, i32, i32
  }
  func.func @transform_2(%arg0: i32) -> (i32, i32, i32) {
    %c1_i32 = arith.constant 1 : i32
    %c0_i32 = arith.constant 0 : i32
    %c0_i32_0 = arith.constant 0 : i32
    return %c1_i32, %arg0, %c0_i32 : i32, i32, i32
  }
  func.func @transform_3(%arg0: i32) -> (i32, i32) {
    %c0_i32 = arith.constant 0 : i32
    %c0_i32_0 = arith.constant 0 : i32
    %c0_i32_1 = arith.constant 0 : i32
    return %c0_i32, %c0_i32_0 : i32, i32
  }
  func.func @transform_4(%arg0: i32) -> (i32, i32) {
    %c0_i32 = arith.constant 0 : i32
    %c0_i32_0 = arith.constant 0 : i32
    %c0_i32_1 = arith.constant 0 : i32
    return %c0_i32, %c0_i32_0 : i32, i32
  }
  func.func @transform_5(%arg0: i32) -> (i32, i32) {
    %c0_i32 = arith.constant 0 : i32
    %c0_i32_0 = arith.constant 0 : i32
    %c0_i32_1 = arith.constant 0 : i32
    return %c0_i32, %c0_i32_0 : i32, i32
  }
  func.func @transform_6(%arg0: i32) -> (i32, i32) {
    %c0_i32 = arith.constant 0 : i32
    %c0_i32_0 = arith.constant 0 : i32
    %c0_i32_1 = arith.constant 0 : i32
    return %c0_i32, %c0_i32_0 : i32, i32
  }
  func.func @transform_7(%arg0: i32) -> (i32, i32) {
    %c0_i32 = arith.constant 0 : i32
    %c0_i32_0 = arith.constant 0 : i32
    %c0_i32_1 = arith.constant 0 : i32
    return %c0_i32, %c0_i32_0 : i32, i32
  }
  func.func @transform_8(%arg0: i32) -> (i32, i32) {
    %c0_i32 = arith.constant 0 : i32
    %c0_i32_0 = arith.constant 0 : i32
    %c0_i32_1 = arith.constant 0 : i32
    return %c0_i32, %c0_i32_0 : i32, i32
  }
  func.func @transform_9(%arg0: i32) -> (i32, i32) {
    %c0_i32 = arith.constant 0 : i32
    %c0_i32_0 = arith.constant 0 : i32
    return %arg0, %c0_i32 : i32, i32
  }
  func.func @transform_10(%arg0: i32) -> (i32, i32, i32) {
    %c0_i32 = arith.constant 0 : i32
    %c0_i32_0 = arith.constant 0 : i32
    %c0_i32_1 = arith.constant 0 : i32
    return %c0_i32, %arg0, %c0_i32_0 : i32, i32, i32
  }
}

module attributes {stable_mosaic.version = 14 : i64} {
  func.func @_t3_body(%arg0: i32, %arg1: memref<2000x128xf32, #tpu.memory_space<vmem>>, %arg2: memref<1x2000x128xf32, #tpu.memory_space<vmem>>, %arg3: memref<1x2000x128xf32, #tpu.memory_space<vmem>>, %arg4: memref<384x128xf32, #tpu.memory_space<vmem>>, %arg5: memref<1x128xf32, #tpu.memory_space<vmem>>, %arg6: memref<128x256xf32, #tpu.memory_space<vmem>>, %arg7: memref<1x256xf32, #tpu.memory_space<vmem>>, %arg8: memref<2000x256xf32, #tpu.memory_space<vmem>>) attributes {dimension_semantics = [#tpu.dimension_semantics<arbitrary>], iteration_bounds = array<i64: 5>, scalar_prefetch = 0 : i64, scratch_operands = 0 : i64, tpu.core_type = #tpu.core_type<tc>, window_params = [{transform_indices = @transform_0, window_bounds = array<i64: 2000, 128>}, {transform_indices = @transform_1, window_bounds = array<i64: 1, 2000, 128>}, {transform_indices = @transform_2, window_bounds = array<i64: 1, 2000, 128>}, {pipeline_mode = #tpu.pipeline_mode<synchronous>, transform_indices = @transform_3, window_bounds = array<i64: 384, 128>}, {pipeline_mode = #tpu.pipeline_mode<synchronous>, transform_indices = @transform_4, window_bounds = array<i64: 1, 128>}, {pipeline_mode = #tpu.pipeline_mode<synchronous>, transform_indices = @transform_5, window_bounds = array<i64: 128, 256>}, {pipeline_mode = #tpu.pipeline_mode<synchronous>, transform_indices = @transform_6, window_bounds = array<i64: 1, 256>}, {transform_indices = @transform_7, window_bounds = array<i64: 2000, 256>}]} {
    %get3A = arith.constant 0 : index
    %get3A_0 = arith.constant 0 : index
    %get3A_1 = vector.load %arg1[%get3A, %get3A_0] : memref<2000x128xf32, #tpu.memory_space<vmem>>, vector<2000x128xf32>
    %get3A_2 = arith.constant 0 : index
    %get3A_3 = arith.constant 0 : index
    %get3A_4 = arith.constant 0 : index
    %get3A_5 = vector.load %arg2[%get3A_2, %get3A_3, %get3A_4] : memref<1x2000x128xf32, #tpu.memory_space<vmem>>, vector<1x2000x128xf32>
    %get3A_6 = vector.shape_cast %get3A_5 : vector<1x2000x128xf32> to vector<2000x128xf32>
    %get3A_7 = arith.constant 0 : index
    %get3A_8 = arith.constant 0 : index
    %get3A_9 = arith.constant 0 : index
    %get3A_10 = vector.load %arg3[%get3A_7, %get3A_8, %get3A_9] : memref<1x2000x128xf32, #tpu.memory_space<vmem>>, vector<1x2000x128xf32>
    %get3A_11 = vector.shape_cast %get3A_10 : vector<1x2000x128xf32> to vector<2000x128xf32>
    %concatenate3A = tpu.concatenate %get3A_1, %get3A_6, %get3A_11 in 1 : vector<2000x128xf32>, vector<2000x128xf32>, vector<2000x128xf32> -> vector<2000x384xf32>
    %get3A_12 = arith.constant 0 : index
    %get3A_13 = arith.constant 0 : index
    %get3A_14 = vector.load %arg4[%get3A_12, %get3A_13] : memref<384x128xf32, #tpu.memory_space<vmem>>, vector<384x128xf32>
    %dot_general3A = arith.constant dense<0.000000e+00> : vector<2000x128xf32>
    %dot_general3A_15 = tpu.matmul %concatenate3A, %get3A_14, %dot_general3A {dimension_numbers = #tpu.dot_dimension_numbers<[1], [0], [0], [1], [0, 0, 1, 1], [], []>, transpose_lhs_hint = false} : vector<2000x384xf32>, vector<384x128xf32>, vector<2000x128xf32> -> vector<2000x128xf32>
    %add3A = arith.addf %get3A_1, %dot_general3A_15 : vector<2000x128xf32>
    %get3A_16 = arith.constant 0 : index
    %get3A_17 = arith.constant 0 : index
    %get3A_18 = vector.load %arg5[%get3A_16, %get3A_17] : memref<1x128xf32, #tpu.memory_space<vmem>>, vector<1x128xf32>
    %add3A_19 = vector.broadcast %get3A_18 : vector<1x128xf32> to vector<2000x128xf32>
    %add3A_20 = arith.addf %add3A, %add3A_19 : vector<2000x128xf32>
    %get3A_21 = arith.constant 0 : index
    %get3A_22 = arith.constant 0 : index
    %get3A_23 = vector.load %arg6[%get3A_21, %get3A_22] : memref<128x256xf32, #tpu.memory_space<vmem>>, vector<128x256xf32>
    %dot_general3A_24 = arith.constant dense<0.000000e+00> : vector<2000x256xf32>
    %dot_general3A_25 = tpu.matmul %add3A_20, %get3A_23, %dot_general3A_24 {dimension_numbers = #tpu.dot_dimension_numbers<[1], [0], [0], [1], [0, 0, 1, 1], [], []>, transpose_lhs_hint = false} : vector<2000x128xf32>, vector<128x256xf32>, vector<2000x256xf32> -> vector<2000x256xf32>
    %get3A_26 = arith.constant 0 : index
    %get3A_27 = arith.constant 0 : index
    %get3A_28 = vector.load %arg7[%get3A_26, %get3A_27] : memref<1x256xf32, #tpu.memory_space<vmem>>, vector<1x256xf32>
    %add3A_29 = vector.broadcast %get3A_28 : vector<1x256xf32> to vector<2000x256xf32>
    %add3A_30 = arith.addf %dot_general3A_25, %add3A_29 : vector<2000x256xf32>
    %swap3A = arith.constant 0 : index
    %swap3A_31 = arith.constant 0 : index
    %swap3A_32 = vector.load %arg8[%swap3A, %swap3A_31] : memref<2000x256xf32, #tpu.memory_space<vmem>>, vector<2000x256xf32>
    tpu.vector_store %arg8[%swap3A, %swap3A_31], %add3A_30 {strides = array<i32>} : memref<2000x256xf32, #tpu.memory_space<vmem>>, vector<2000x256xf32>,
    return
  }
  func.func @transform_0(%arg0: i32) -> (i32, i32) {
    %c0_i32 = arith.constant 0 : i32
    %c0_i32_0 = arith.constant 0 : i32
    return %arg0, %c0_i32 : i32, i32
  }
  func.func @transform_1(%arg0: i32) -> (i32, i32, i32) {
    %c0_i32 = arith.constant 0 : i32
    %c0_i32_0 = arith.constant 0 : i32
    %c0_i32_1 = arith.constant 0 : i32
    return %c0_i32, %arg0, %c0_i32_0 : i32, i32, i32
  }
  func.func @transform_2(%arg0: i32) -> (i32, i32, i32) {
    %c1_i32 = arith.constant 1 : i32
    %c0_i32 = arith.constant 0 : i32
    %c0_i32_0 = arith.constant 0 : i32
    return %c1_i32, %arg0, %c0_i32 : i32, i32, i32
  }
  func.func @transform_3(%arg0: i32) -> (i32, i32) {
    %c0_i32 = arith.constant 0 : i32
    %c0_i32_0 = arith.constant 0 : i32
    %c0_i32_1 = arith.constant 0 : i32
    return %c0_i32, %c0_i32_0 : i32, i32
  }
  func.func @transform_4(%arg0: i32) -> (i32, i32) {
    %c0_i32 = arith.constant 0 : i32
    %c0_i32_0 = arith.constant 0 : i32
    %c0_i32_1 = arith.constant 0 : i32
    return %c0_i32, %c0_i32_0 : i32, i32
  }
  func.func @transform_5(%arg0: i32) -> (i32, i32) {
    %c0_i32 = arith.constant 0 : i32
    %c0_i32_0 = arith.constant 0 : i32
    %c0_i32_1 = arith.constant 0 : i32
    return %c0_i32, %c0_i32_0 : i32, i32
  }
  func.func @transform_6(%arg0: i32) -> (i32, i32) {
    %c0_i32 = arith.constant 0 : i32
    %c0_i32_0 = arith.constant 0 : i32
    %c0_i32_1 = arith.constant 0 : i32
    return %c0_i32, %c0_i32_0 : i32, i32
  }
  func.func @transform_7(%arg0: i32) -> (i32, i32) {
    %c0_i32 = arith.constant 0 : i32
    %c0_i32_0 = arith.constant 0 : i32
    return %arg0, %c0_i32 : i32, i32
  }
}

</mosaic_0001>

<sc_bundles>
// kernel: kernel.12.cloned.1.call-start
scs
__scs_entry_jumppad:
0x0: {  	(pc) =	sbr.rel $0x88, $3  }
0x1: {  	(tag) =	ssettag $0x0;
	lr =	simm.s32 $0x1  }
0x2: {  	[smem:$0x3F95] =	sst lr;
	_ =	strace $0xD0000000  }
0x3: {  	_ = 	snop  }
0x4: {  	_ = 	snop  }
0x5: {  	_ = 	snop  }
0x6: {  	_ = 	snop  }
0x7: {  	_ = 	snop  }
__scs_overlays_trampoline_lowered:
0x8: {  	[smem:$0x3FA4] =	sst s0  }
0x9: {  	[smem:$0x3FA5] =	sst s1  }
0xa: {  	[smem:$0x3FA6] =	sst s2  }
0xb: {  	[smem:$0x3FA7] =	sst s3  }
0xc: {  	[smem:$0x3FA8] =	sst s4  }
0xd: {  	[smem:$0x3FA9] =	sst s5  }
0xe: {  	[smem:$0x3FAA] =	sst s6  }
0xf: {  	[smem:$0x3FAB] =	sst s7  }
0x10: {  	[smem:$0x3FAC] =	sst s8  }
0x11: {  	[smem:$0x3FAD] =	sst s9;
	s0 =	simm.s32 @!p0 $0x0  }
0x12: {  	s1 =	sld [smem:$0x3F93];
	s0 =	simm.s32 @p0 $0x1  }
0x13: {  	[smem:$0x3FAE] =	sst s0;
	s0 =	simm.s32 @!p1 $0x0  }
0x14: {  	s2 =	sld [smem:$0x3F92];
	s0 =	simm.s32 @p1 $0x1  }
0x15: {  	[smem:$0x3FAF] =	sst s0;
	s0 =	simm.s32 @!p2 $0x0  }
0x16: {  	s3 =	sld [smem:$0x3FDB];
	s0 =	simm.s32 @p2 $0x1  }
0x17: {  	s4 =	simm.s32 $0x1BF5;
	[smem:$0x3FB1] =	sst s0  }
0x18: {  	s0 =	sld [smem:$0x3F94];
	_ =	swait.ge [sflag:s4], $0x0  }
0x19: {  	s7 =	sld [smem:$0x3F95]  }
0x1a: {  	s8 =	sadd.s32 $0xFFFFE003, lr  }
0x1b: {  	s9 =	sadd.s32 $0xFFFFFEF7, lr;
	s5 =	simm.s32 $0xFFFFFFFF;
	p2 =	slt.u32 s8, $0xFFFFF086  }
0x1c: {  	p1 =	slt.u32 s9, $0xF7A;
	s5 =	simm.s32 @!p2 $0x0  }
0x1d: {  	s5 =	simm.s32 @p1 $0x1;
	p0 =	seq.s32 s7, s2  }
0x1e: {  	s7 =	smul.u32 @!p0 $0xF7A, s2;
	p2 =	seq.s32 @!p0 s5, $0x0  }
0x1f: {  	s9 =	smul.u32 $0xF7A, s1;
	s8 =	simm.s32 @!p0 $0x1BF5;
	p2 =	por !p2, p0  }
0x20: {  	[sflag:s8] =	ssyncset.s32 @!p0 $0xFFFFF086;
	s6 =	sadd.s32 @!p0 s3, s7;
	s7 =	simm.s32 @!p0 $0x108  }
0x21: {  	s3 =	sadd.s32 s3, s9;
	s6 =	sadd.s32 @!p0 $0x88, s6;
	s7 =	simm.s32 @p2 $0x1082  }
0x22: {  	[simem:s7], [sflag:s8] =	dma.local @!p0 [hbm:s6], $0xF7A  }
0x23: {  	s9 =	sor.u32 $0xD0000000, s2;
	s6 =	simm.s32 $0x108;
	_ =	swait.ge @!p0 [sflag:s8], $0x0  }
0x24: {  	s3 =	sadd.s32 $0x88, s3;
	s6 =	simm.s32 @!p1 $0x1082;
	[sflag:s4] =	ssyncset.s32 $0xFFFFF086  }
0x25: {  	[simem:s6], [sflag:s4] =	dma.local [hbm:s3], $0xF7A  }
0x26: {  	[smem:$0x3F95] =	sst s1;
	(tag) =	ssettag s2;
	_ =	strace s9  }
0x27: {  	s1 =	sld [smem:$0x3FA5]  }
0x28: {  	s2 =	sld [smem:$0x3FA6]  }
0x29: {  	s4 =	sld [smem:$0x3FA8]  }
0x2a: {  	p0 =	seq.s32 s5, $0x0;
	s5 =	sld [smem:$0x3FA9]  }
0x2b: {  	s6 =	sld [smem:$0x3FAA]  }
0x2c: {  	s7 =	sld [smem:$0x3FAB]  }
0x2d: {  	s3 =	simm.s32 $0x108;
	s8 =	sld [smem:$0x3FAC]  }
0x2e: {  	s3 =	simm.s32 @!p0 $0x1082;
	s9 =	sld [smem:$0x3FAD]  }
0x2f: {  	lr =	sadd.s32 s0, s3;
	s0 =	sld [smem:$0x3FA4]  }
0x30: {  	s3 =	sld [smem:$0x3FA7]  }
0x31: {  	[smem:$0x3FB0] =	sst s10  }
0x32: {  	s10 =	sld [smem:$0x3FAE];
	_ =	sdelay $0x3  }
0x33: {  	p0 =	seq.s32 s10, $0x1;
	s10 =	sld [smem:$0x3FB0];
	_ =	sdelay $0x3  }
0x34: {  	[smem:$0x3FB0] =	sst s10  }
0x35: {  	s10 =	sld [smem:$0x3FAF];
	_ =	sdelay $0x3  }
0x36: {  	p1 =	seq.s32 s10, $0x1;
	s10 =	sld [smem:$0x3FB0];
	_ =	sdelay $0x3  }
0x37: {  	[smem:$0x3FB0] =	sst s10  }
0x38: {  	s10 =	sld [smem:$0x3FB1]  }
0x39: {  	_ = 	snop;
	(pc) =	sbr.ind lr, $3  }
0x3a: {  	_ = 	snop  }
0x3b: {  	_ = 	snop  }
0x3c: {  	p2 =	seq.s32 s10, $0x1;
	s10 =	sld [smem:$0x3FB0]  }
0x3d: {  	_ =	shalt  }
0x3e: {  	_ =	shalt  }
0x3f: {  	_ =	shalt  }
0x40: {  	_ =	shalt  }
0x41: {  	_ =	shalt  }
0x42: {  	_ =	shalt  }
0x43: {  	_ =	shalt  }
0x44: {  	_ =	shalt  }
0x45: {  	_ =	shalt  }
0x46: {  	_ =	shalt  }
0x47: {  	_ =	shalt  }
0x48: {  	_ =	shalt  }
0x49: {  	_ =	shalt  }
0x4a: {  	_ =	shalt  }
0x4b: {  	_ =	shalt  }
0x4c: {  	_ =	shalt  }
0x4d: {  	_ =	shalt  }
0x4e: {  	_ =	shalt  }
0x4f: {  	_ =	shalt  }
0x50: {  	_ =	shalt  }
0x51: {  	_ =	shalt  }
0x52: {  	_ =	shalt  }
0x53: {  	_ =	shalt  }
0x54: {  	_ =	shalt  }
0x55: {  	_ =	shalt  }
0x56: {  	_ =	shalt  }
0x57: {  	_ =	shalt  }
0x58: {  	_ =	shalt  }
0x59: {  	_ =	shalt  }
0x5a: {  	_ =	shalt  }
0x5b: {  	_ =	shalt  }
0x5c: {  	_ =	shalt  }
0x5d: {  	_ =	shalt  }
0x5e: {  	_ =	shalt  }
0x5f: {  	_ =	shalt  }
0x60: {  	_ =	shalt  }
0x61: {  	_ =	shalt  }
0x62: {  	_ =	shalt  }
0x63: {  	_ =	shalt  }
0x64: {  	_ =	shalt  }
0x65: {  	_ =	shalt  }
0x66: {  	_ =	shalt  }
0x67: {  	_ =	shalt  }
0x68: {  	_ =	shalt  }
0x69: {  	_ =	shalt  }
0x6a: {  	_ =	shalt  }
0x6b: {  	_ =	shalt  }
0x6c: {  	_ =	shalt  }
0x6d: {  	_ =	shalt  }
0x6e: {  	_ =	shalt  }
0x6f: {  	_ =	shalt  }
0x70: {  	_ =	shalt  }
0x71: {  	_ =	shalt  }
0x72: {  	_ =	shalt  }
0x73: {  	_ =	shalt  }
0x74: {  	_ =	shalt  }
0x75: {  	_ =	shalt  }
0x76: {  	_ =	shalt  }
0x77: {  	_ =	shalt  }
0x78: {  	_ =	shalt  }
0x79: {  	_ =	shalt  }
0x7a: {  	_ =	shalt  }
0x7b: {  	_ =	shalt  }
0x7c: {  	_ =	shalt  }
0x7d: {  	_ =	shalt  }
0x7e: {  	_ =	shalt  }
0x7f: {  	_ =	shalt  }
0x80: {  	_ =	shalt  }
0x81: {  	_ =	shalt  }
0x82: {  	_ =	shalt  }
0x83: {  	_ =	shalt  }
0x84: {  	_ =	shalt  }
0x85: {  	_ =	shalt  }
0x86: {  	_ =	shalt  }
0x87: {  	_ =	shalt  }
.Lfunc_end0:
.L_simem_size_0:
called_computation.1_lowered:
.L_overlay_start_0:
0x88: {  	s2 =	sld [smem:$0x3FD9]  }
0x89: {  	s3 =	sld [smem:$0x3FFE];
	_ =	sdelay $0x1  }
0x8a: {  	s1 =	srdreg.scid  }
0x8b: {  	s0 =	sand.u32 $0x1, s1  }
0x8c: {  	s17 =	sshll.u32 s0, $0xA;
	s2 =	sadd.s32 s3, s2  }
0x8d: {  	s2 =	sadd.s32 s2, s17  }
0x8e: {  	[smem:$0x3FBC] =	sst s2  }
0x8f: {  	_ = 	snop  }
0x90: {  	s2 =	sld [smem:$0x3FD0];
	(tm) =	ssettm $0x1  }
0x91: {  	s18 =	sld [smem:$0x3FFB];
	_ =	sdelay $0x3  }
0x92: {  	_ =	strace s18  }
0x93: {  	s3 =	sld [smem:$0x3FFC];
	_ =	sdelay $0x3  }
0x94: {  	_ =	strace s3  }
0x95: {  	s3 =	sld [smem:$0x3FFD];
	_ =	sdelay $0x3  }
0x96: {  	_ =	strace s3  }
0x97: {  	_ =	strace $0x8FFFFFFF  }
0x98: {  	s19 =	sld [smem:$0x3FDB];
	_ =	sdelay $0x1  }
0x99: {  	s4 =	simm.s32 $_scs_section_size  }
0x9a: {  	s5 =	simm.s32 $_size__tile_overlayer_lowered;
	s6 =	simm.s32 $_tile_overlayer_lowered  }
0x9b: {  	s22 =	simm.s32 $0x1BFF;
	s21 =	sshll.u32 s6, $0x1;
	s3 =	sadd.s32 s4, s19  }
0x9c: {  	s7 =	simm.s32 $0x0;
	s20 =	sshll.u32 s5, $0x1;
	s5 =	sadd.s32 s21, s3  }
0x9d: {  	[timem:s7], [sflag:s22] =	dma.local [hbm:s5], s20  }
0x9e: {  	_ =	swait.ge [sflag:s22], s20  }
0x9f: {  	s4 =	ssub.s32 $0x0, s20;
	[sflag:s22] =	ssyncset.done $0x0  }
0xa0: {  	[sflag:s22] =	ssyncadd.s32 s4;
	_ =	sdelay $0x1  }
0xa1: {  	s23 =	simm.s32 $0x1B8B  }
0xa2: {  	_ =	swait.ge [sflag:s23], $0x1  }
0xa3: {  	[sflag:s23] =	ssyncset.done $0x0  }
0xa4: {  	s25 =	simm.s32 $0x1B8E;
	s24 =	sld [smem:$0x3FFE];
	[sflag:s23] =	ssyncadd.s32 $0xFFFFFFFF  }
0xa5: {  	s26 =	simm.s32 $execute0_lowered;
	[smem:$0x3FD2] =	sst s25  }
0xa6: {  	s5 =	sshll.u32 s26, $0x1;
	_ =	strace $0x80000049;
	[dreg:$0x1] =	wrdreg $0xFFFFFFFF  }
0xa7: {  	s28 =	simm.s32 $_size_execute0_lowered;
	s3 =	sadd.s32 s3, s5;
	[dreg:$0x0] =	wrdreg $0x0  }
0xa8: {  	s5 =	sshll.u32 s28, $0x1;
	[dreg:$0x2] =	wrdreg s3  }
0xa9: {  	[dreg:$0x3] =	wrdreg s5  }
0xaa: {  	[dreg:$0x4] =	wrdreg $0xC0  }
0xab: {  	_ =	task [dreg:s7], $0x5FFFF  }
0xac: {  	[dreg:$0x1] =	wrdreg $0xFFFFFFFF  }
0xad: {  	[dreg:$0x0] =	wrdreg $0x60  }
0xae: {  	[dreg:$0x2] =	wrdreg s2  }
0xaf: {  	[dreg:$0x3] =	wrdreg s24  }
0xb0: {  	[dreg:$0x4] =	wrdreg $0x92000  }
0xb1: {  	[dreg:$0x5] =	wrdreg $0x9  }
0xb2: {  	_ =	task.clear_ibuf [dreg:s7], $0x6FFFF;
	_ =	strace $0x90000049  }
0xb3: {  	s29 =	simm.s32 $0x9;
	_ =	strace $0x8000004B  }
0xb4: {  	_ =	swait.ge [sflag:s29], $0x1  }
0xb5: {  	[sflag:s29] =	ssyncadd.s32 $0xFFFFFFFF  }
0xb6: {  	_ =	strace $0x9000004B  }
0xb7: {  	_ =	sfence  }
0xb8: {  	s30 =	sld [smem:$0x0];
	_ =	sdelay $0x2  }
0xb9: {  	s31 =	sshll.u32 s1, $0xD;
	s1 =	sshrl.u32 s1, $0x2  }
0xba: {  	s3 =	sand.u32 $0x4000, s31;
	s1 =	sadd.s32 s1, s30  }
0xbb: {  	s0 =	sor.u32 s3, s0;
	s1 =	sshll.u32 s1, $0x11  }
0xbc: {  	s0 =	sor.u32 s1, s0  }
0xbd: {  	s0 =	sadd.s32 $0x8F2B, s0  }
0xbe: {  	[sflag:s0] =	ssyncadd.remote.s32 $0x1  }
0xbf: {  	_ =	sfence.sel $0xFFFF  }
0xc0: {  	[dreg:$0x0] =	wrdreg $0xFFFFFFFF;
	(pc) =	sbr.abs _section_cstart, $3  }
0xc1: {  	[dreg:$0x1] =	wrdreg $0xFFFFFFFF  }
0xc2: {  	_ =	task.clear_ibuf [dreg:s7], $0x2FFFF;
	_ =	strace $0x9FFFFFFF  }
0xc3: {  	(tm) =	ssettm $0x7FFFFFFF  }
tec
execute0_lowered:
.L_overlay_start_1:
0x0: {  	(tag) =	ssettag $0x1  }
0x1: {  	s1 =	rddreg [dreg:$0x0]  }
0x2: {  	s0 =	rddreg [dreg:$0x1]  }
0x3: {  	s2 =	rddreg [dreg:$0x2];
	s4 =	simm.s32 $0x0;
	s3 =	srdreg.scid  }
0x4: {  	s12 =	stileid.u32;
	s28 =	simm.s32 $0x200;
	s29 =	simm.s32 $0x100  }
0x5: {  	s30 =	simm.s32 $0x180;
	s31 =	simm.s32 $0x2A00;
	[smem:$0x7FF] =	sst s4  }
0x6: {  	s5 =	sadd.s32 $0x16A00, s0;
	s3 =	sand.u32 $0x1, s3;
	s7 =	smul.u32 $0x50000, s12  }
0x7: {  	s6 =	sadd.s32 $0x3000, s0;
	s11 =	smul.u32 $0x4E20, s12;
	s0 =	sadd.s32 $0x2A400, s0  }
0x8: {  	s16 =	smul.u32 $0x14000, s12;
	p0 =	seq.s32 s12, $0xF;
	_ =	strace $0x8000004A  }
0x9: {  	s8 =	ssub.s32 $0x2, s3;
	s9 =	smul.u32 $0x4E200, s3;
	s7 =	sshrl.u32 s7, $0x2  }
0xa: {  	s3 =	smul.u32 $0x138800, s3;
	s10 =	sshrl.u32 s8, $0x1;
	s7 =	sadd.s32 s7, s2  }
0xb: {  	s8 =	ssub.s32 s8, s10;
	s9 =	sadd.s32 s11, s9;
	s19 =	sadd.s32 $0x4000, s7  }
0xc: {  	s25 =	sadd.s32 s16, s3;
	s20 =	sadd.s32 $0x8000, s7;
	[dreg:$0x4] =	wrdreg s19  }
0xd: {  	s3 =	sshrl.u32 s3, $0x3;
	s21 =	sadd.s32 $0xC000, s7;
	[dreg:$0x5] =	wrdreg s20  }
0xe: {  	s22 =	sshrl.u32 s9, $0x3;
	s23 =	sadd.s32 $0x10000, s7;
	[dreg:$0x6] =	wrdreg s21  }
0xf: {  	s3 =	sadd.s32 s0, s3;
	s18 =	sadd.s32 $0xF0, s9;
	[dreg:$0x7] =	wrdreg s23  }
0x10: {  	s15 =	sadd.s32 $0xA, s22;
	s24 =	sadd.s32 s5, s22;
	s10 =	sadd.s32 s6, s22  }
0x11: {  	s17 =	sadd.s32 $0x25800, s3;
	s26 =	sshrl.u32 s18, $0x3;
	s3 =	sadd.s32 $0x12C000, s2  }
0x12: {  	s18 =	smax.u32 s8, $0x1;
	s21 =	sadd.s32 $0xA0, s9;
	s22 =	simm.s32 $0x5200  }
0x13: {  	s23 =	simm.s32 $0x3;
	s8 =	simm.s32 $0x0;
	[dreg:$0x8] =	wrdreg s24  }
0x14: {  	[dreg:$0x9] =	wrdreg s10;
	s14 =	sadd.s32 s5, s15;
	s15 =	sadd.s32 s6, s15  }
0x15: {  	s10 =	sshrl.u32 s25, $0x3;
	s19 =	sadd.s32 s26, s6;
	s20 =	sadd.s32 s26, s5  }
0x16: {  	s24 =	simm.s32 $0x80;
	s25 =	sshrl.u32 @p0 s3, $0x3;
	s26 =	simm.s32 $0x50  }
0x17: {  	v0 =	vimm.f32 $0.0e+00;
	s3 =	simm.s32 $0x2;
	s16 =	sadd.s32 s0, s10;
	s0 =	simm.s32 $0x1  }
.LBB2_1:
0x18: {  	s9 =	simm.s32 $0x0;
	s10 =	simm.s32 $0x200  }
.LBB2_2:
0x19: {  	p1 =	sne.s32 s10, $0xFE00;
	[tilespmem:s9+$0x5270] =	vst v0  }
0x1a: {  	[tilespmem:s9+$0x5200] =	vst v0  }
0x1b: {  	[tilespmem:s9+$0x5210] =	vst v0  }
.Ltmp0:
0x1c: {  	[tilespmem:s9+$0x5220] =	vst v0;
	(pc) =	sbr.rel @p1 .LBB2_2-.Ltmp0, $4  }
0x1d: {  	[tilespmem:s9+$0x5230] =	vst v0  }
0x1e: {  	[tilespmem:s9+$0x5240] =	vst v0  }
0x1f: {  	[tilespmem:s9+$0x5250] =	vst v0  }
0x20: {  	[tilespmem:s9+$0x5260] =	vst v0;
	s9 =	sshra.s32 s10, $0x2;
	s10 =	sadd.s32 $0x200, s10  }
0x21: {  	[tilespmem:s9+$0x5270] =	vst v0  }
0x22: {  	[tilespmem:s9+$0x5200] =	vst v0  }
0x23: {  	[tilespmem:s9+$0x5210] =	vst v0  }
0x24: {  	[tilespmem:s9+$0x5220] =	vst v0  }
0x25: {  	[tilespmem:s9+$0x5230] =	vst v0  }
0x26: {  	[tilespmem:s9+$0x5240] =	vst v0  }
0x27: {  	[tilespmem:s9+$0x5250] =	vst v0  }
0x28: {  	[tilespmem:s9+$0x5260] =	vst v0  }
0x29: {  	[spmem:s7] =	stream.linear.scatter [tilespmem:s22], [sflag:$0x3], $0x4000, $0x38;
	[tilespmem:$0x1D200] =	vst v63  }
0x2a: {  	_ =	swait.ge [sflag:s23], $0x4000  }
0x2b: {  	[sflag:s23] =	ssyncset.done $0x0  }
0x2c: {  	s11 =	rddreg [dreg:$0x4];
	[sflag:s23] =	ssyncadd.s32 $0xFFFFC000  }
0x2d: {  	[spmem:s11] =	stream.linear.scatter [tilespmem:s22], [sflag:$0x3], $0x4000, $0x38;
	[tilespmem:$0x1D200] =	vst v63  }
0x2e: {  	_ =	swait.ge [sflag:s23], $0x4000  }
0x2f: {  	[sflag:s23] =	ssyncset.done $0x0  }
0x30: {  	s12 =	rddreg [dreg:$0x5];
	[sflag:s23] =	ssyncadd.s32 $0xFFFFC000  }
0x31: {  	[spmem:s12] =	stream.linear.scatter [tilespmem:s22], [sflag:$0x3], $0x4000, $0x38;
	[tilespmem:$0x1D200] =	vst v63  }
0x32: {  	_ =	swait.ge [sflag:s23], $0x4000  }
0x33: {  	[sflag:s23] =	ssyncset.done $0x0  }
0x34: {  	s13 =	rddreg [dreg:$0x6];
	[sflag:s23] =	ssyncadd.s32 $0xFFFFC000  }
0x35: {  	[spmem:s13] =	stream.linear.scatter [tilespmem:s22], [sflag:$0x3], $0x4000, $0x38;
	[tilespmem:$0x1D200] =	vst v63  }
0x36: {  	_ =	swait.ge [sflag:s23], $0x4000  }
0x37: {  	[sflag:s23] =	ssyncset.done $0x0  }
0x38: {  	s10 =	rddreg [dreg:$0x7];
	[sflag:s23] =	ssyncadd.s32 $0xFFFFC000  }
0x39: {  	[spmem:s10] =	stream.linear.scatter [tilespmem:s22], [sflag:$0x3], $0x4000, $0x38;
	[tilespmem:$0x1D200] =	vst v63  }
0x3a: {  	_ =	swait.ge [sflag:s23], $0x4000  }
0x3b: {  	[sflag:s23] =	ssyncset.done $0x0  }
0x3c: {  	[sflag:s23] =	ssyncadd.s32 $0xFFFFC000  }
0x3d: {  	[bflag:$0x0] =	sbarrier.arrive $0xFFFF  }
0x3e: {  	s11 =	simm.s32 $0x0;
	s10 =	rddreg [dreg:$0x8]  }
0x3f: {  	[tilespmem:s11], [sflag:$0x3] =	stream.linear.gather [hbm4b:s10+s11], $0x50, $0x38;
	[tilespmem:$0x1D200] =	vst v63  }
0x40: {  	_ =	swait.ge [sflag:s23], $0x50  }
0x41: {  	[sflag:s23] =	ssyncset.done $0x0  }
0x42: {  	s12 =	rddreg [dreg:$0x9];
	[sflag:s23] =	ssyncadd.s32 $0xFFFFFFB0  }
0x43: {  	[tilespmem:s24], [sflag:$0x3] =	stream.linear.gather [hbm4b:s12+s11], $0x50, $0x38;
	[tilespmem:$0x1D200] =	vst v63  }
0x44: {  	_ =	swait.ge [sflag:s23], $0x50  }
0x45: {  	[sflag:s23] =	ssyncset.done $0x0  }
0x46: {  	[sflag:s23] =	ssyncadd.s32 $0xFFFFFFB0  }
0x47: {  	[tilespmem:s28], [sflag:$0x1] =	stream.indirect.gather [hbm4b:s1+s26], $0x80, s11, s26, $0xb8;
	[tilespmem:$0x1D200] =	vst v63  }
0x48: {  	_ = 	snop  }
0x49: {  	[tilespmem:s29], [sflag:$0x3] =	stream.linear.gather [hbm4b:s14+s11], $0x50, $0x38;
	[tilespmem:$0x1D200] =	vst v63  }
0x4a: {  	_ =	swait.ge [sflag:s23], $0x50  }
0x4b: {  	[sflag:s23] =	ssyncset.done $0x0  }
0x4c: {  	[sflag:s23] =	ssyncadd.s32 $0xFFFFFFB0  }
0x4d: {  	[tilespmem:s30], [sflag:$0x3] =	stream.linear.gather [hbm4b:s15+s11], $0x50, $0x38;
	[tilespmem:$0x1D200] =	vst v63  }
0x4e: {  	_ =	swait.ge [sflag:s23], $0x50  }
0x4f: {  	[sflag:s23] =	ssyncset.done $0x0  }
0x50: {  	[sflag:s23] =	ssyncadd.s32 $0xFFFFFFB0  }
0x51: {  	[tilespmem:s31], [sflag:$0x2] =	stream.indirect.gather [hbm4b:s1+s26], $0x80, s29, s26, $0xb8;
	[tilespmem:$0x1D200] =	vst v63  }
0x52: {  	_ =	swait.ge [sflag:s0], $0x2800  }
0x53: {  	[sflag:s0] =	ssyncset.done $0x0  }
0x54: {  	[sflag:s0] =	ssyncadd.s32 $0xFFFFD800  }
0x55: {  	[spmem:s2] =	stream.indirect.scatter.add.f32 [tilespmem:s28], [sflag:$0x3], $0x80, s24, s26, $0xb8;
	[tilespmem:$0x1D200] =	vst v63  }
0x56: {  	_ =	swait.ge [sflag:s23], $0x2800  }
0x57: {  	s13 =	sshrl.u32 s21, $0x3;
	[sflag:s23] =	ssyncset.done $0x0  }
0x58: {  	s11 =	sadd.s32 s5, s13;
	[sflag:s23] =	ssyncadd.s32 $0xFFFFD800  }
0x59: {  	[tilespmem:s4], [sflag:$0x3] =	stream.linear.gather [hbm4b:s11+s4], $0x50, $0x38;
	[tilespmem:$0x1D200] =	vst v63  }
0x5a: {  	_ =	swait.ge [sflag:s23], $0x50  }
0x5b: {  	[sflag:s23] =	ssyncset.done $0x0  }
0x5c: {  	s9 =	sadd.s32 s6, s13;
	[sflag:s23] =	ssyncadd.s32 $0xFFFFFFB0  }
0x5d: {  	[tilespmem:s24], [sflag:$0x3] =	stream.linear.gather [hbm4b:s9+s4], $0x50, $0x38;
	[tilespmem:$0x1D200] =	vst v63  }
0x5e: {  	_ =	swait.ge [sflag:s23], $0x50  }
0x5f: {  	[sflag:s23] =	ssyncset.done $0x0  }
0x60: {  	[sflag:s23] =	ssyncadd.s32 $0xFFFFFFB0  }
0x61: {  	[tilespmem:s28], [sflag:$0x1] =	stream.indirect.gather [hbm4b:s1+s26], $0x80, s4, s26, $0xb8;
	[tilespmem:$0x1D200] =	vst v63  }
0x62: {  	_ =	swait.ge [sflag:s3], $0x2800  }
0x63: {  	[sflag:s3] =	ssyncset.done $0x0  }
0x64: {  	[sflag:s3] =	ssyncadd.s32 $0xFFFFD800  }
0x65: {  	[spmem:s2] =	stream.indirect.scatter.add.f32 [tilespmem:s31], [sflag:$0x3], $0x80, s30, s26, $0xb8;
	[tilespmem:$0x1D200] =	vst v63  }
0x66: {  	_ =	swait.ge [sflag:s23], $0x2800  }
0x67: {  	[sflag:s23] =	ssyncset.done $0x0  }
0x68: {  	s12 =	sadd.s32 $0x0, s20;
	[sflag:s23] =	ssyncadd.s32 $0xFFFFD800  }
0x69: {  	[tilespmem:s29], [sflag:$0x3] =	stream.linear.gather [hbm4b:s12+s4], $0x50, $0x38;
	[tilespmem:$0x1D200] =	vst v63  }
0x6a: {  	_ =	swait.ge [sflag:s23], $0x50  }
0x6b: {  	[sflag:s23] =	ssyncset.done $0x0  }
0x6c: {  	s13 =	sadd.s32 $0x0, s19;
	[sflag:s23] =	ssyncadd.s32 $0xFFFFFFB0  }
0x6d: {  	[tilespmem:s30], [sflag:$0x3] =	stream.linear.gather [hbm4b:s13+s4], $0x50, $0x38;
	[tilespmem:$0x1D200] =	vst v63  }
0x6e: {  	_ =	swait.ge [sflag:s23], $0x50  }
0x6f: {  	[sflag:s23] =	ssyncset.done $0x0  }
0x70: {  	s10 =	sadd.s32 $0xA0, s21;
	s9 =	simm.s32 $0x14;
	[sflag:s23] =	ssyncadd.s32 $0xFFFFFFB0  }
.LBB2_4:
0x71: {  	[tilespmem:s31], [sflag:$0x2] =	stream.indirect.gather [hbm4b:s1+s26], $0x80, s29, s26, $0xb8;
	[tilespmem:$0x1D200] =	vst v63  }
0x72: {  	s11 =	smov.u32 s9  }
0x73: {  	p1 =	sne.s32 s9, $0x99C;
	s9 =	sadd.s32 $0x14, s9;
	_ =	swait.ge [sflag:s0], $0x2800  }
0x74: {  	[sflag:s0] =	ssyncset.done $0x0  }
0x75: {  	[sflag:s0] =	ssyncadd.s32 $0xFFFFD800  }
0x76: {  	[spmem:s2] =	stream.indirect.scatter.add.f32 [tilespmem:s28], [sflag:$0x3], $0x80, s24, s26, $0xb8;
	[tilespmem:$0x1D200] =	vst v63  }
0x77: {  	_ =	swait.ge [sflag:s23], $0x2800  }
0x78: {  	s12 =	sshrl.u32 s10, $0x3;
	[sflag:s23] =	ssyncset.done $0x0  }
0x79: {  	s13 =	sadd.s32 s5, s12;
	[sflag:s23] =	ssyncadd.s32 $0xFFFFD800  }
0x7a: {  	[tilespmem:s4], [sflag:$0x3] =	stream.linear.gather [hbm4b:s13+s4], $0x50, $0x38;
	[tilespmem:$0x1D200] =	vst v63  }
0x7b: {  	_ =	swait.ge [sflag:s23], $0x50  }
0x7c: {  	[sflag:s23] =	ssyncset.done $0x0  }
0x7d: {  	s12 =	sadd.s32 s6, s12;
	[sflag:s23] =	ssyncadd.s32 $0xFFFFFFB0  }
0x7e: {  	[tilespmem:s24], [sflag:$0x3] =	stream.linear.gather [hbm4b:s12+s4], $0x50, $0x38;
	[tilespmem:$0x1D200] =	vst v63  }
0x7f: {  	_ =	swait.ge [sflag:s23], $0x50  }
0x80: {  	[sflag:s23] =	ssyncset.done $0x0  }
0x81: {  	[sflag:s23] =	ssyncadd.s32 $0xFFFFFFB0  }
0x82: {  	[tilespmem:s28], [sflag:$0x1] =	stream.indirect.gather [hbm4b:s1+s26], $0x80, s4, s26, $0xb8;
	[tilespmem:$0x1D200] =	vst v63  }
0x83: {  	_ =	swait.ge [sflag:s3], $0x2800  }
0x84: {  	[sflag:s3] =	ssyncset.done $0x0  }
0x85: {  	[sflag:s3] =	ssyncadd.s32 $0xFFFFD800  }
0x86: {  	[spmem:s2] =	stream.indirect.scatter.add.f32 [tilespmem:s31], [sflag:$0x3], $0x80, s30, s26, $0xb8;
	[tilespmem:$0x1D200] =	vst v63  }
0x87: {  	_ =	swait.ge [sflag:s23], $0x2800  }
0x88: {  	[sflag:s23] =	ssyncset.done $0x0  }
0x89: {  	s12 =	sadd.s32 s11, s20;
	[sflag:s23] =	ssyncadd.s32 $0xFFFFD800  }
0x8a: {  	[tilespmem:s29], [sflag:$0x3] =	stream.linear.gather [hbm4b:s12+s4], $0x50, $0x38;
	[tilespmem:$0x1D200] =	vst v63  }
0x8b: {  	_ =	swait.ge [sflag:s23], $0x50  }
0x8c: {  	[sflag:s23] =	ssyncset.done $0x0  }
.Ltmp1:
0x8d: {  	s11 =	sadd.s32 s11, s19;
	[sflag:s23] =	ssyncadd.s32 $0xFFFFFFB0;
	(pc) =	sbr.rel @p1 .LBB2_4-.Ltmp1, $4  }
0x8e: {  	[tilespmem:s30], [sflag:$0x3] =	stream.linear.gather [hbm4b:s11+s4], $0x50, $0x38;
	[tilespmem:$0x1D200] =	vst v63  }
0x8f: {  	_ =	swait.ge [sflag:s23], $0x50  }
0x90: {  	[sflag:s23] =	ssyncset.done $0x0  }
0x91: {  	s10 =	sadd.s32 $0xA0, s10;
	[sflag:s23] =	ssyncadd.s32 $0xFFFFFFB0  }
0x92: {  	[tilespmem:s31], [sflag:$0x2] =	stream.indirect.gather [hbm4b:s1+s26], $0x80, s29, s26, $0xb8;
	[tilespmem:$0x1D200] =	vst v63  }
0x93: {  	_ =	swait.ge [sflag:s0], $0x2800  }
0x94: {  	[sflag:s0] =	ssyncset.done $0x0  }
0x95: {  	[sflag:s0] =	ssyncadd.s32 $0xFFFFD800  }
0x96: {  	[spmem:s2] =	stream.indirect.scatter.add.f32 [tilespmem:s28], [sflag:$0x3], $0x80, s24, s26, $0xb8;
	[tilespmem:$0x1D200] =	vst v63  }
0x97: {  	_ =	swait.ge [sflag:s23], $0x2800  }
0x98: {  	[sflag:s23] =	ssyncset.done $0x0  }
0x99: {  	[sflag:s23] =	ssyncadd.s32 $0xFFFFD800  }
0x9a: {  	_ =	swait.ge [sflag:s3], $0x2800  }
0x9b: {  	[sflag:s3] =	ssyncset.done $0x0  }
0x9c: {  	[sflag:s3] =	ssyncadd.s32 $0xFFFFD800  }
0x9d: {  	[spmem:s2] =	stream.indirect.scatter.add.f32 [tilespmem:s31], [sflag:$0x3], $0x80, s30, s26, $0xb8;
	[tilespmem:$0x1D200] =	vst v63  }
0x9e: {  	_ =	swait.ge [sflag:s23], $0x2800  }
0x9f: {  	[sflag:s23] =	ssyncset.done $0x0  }
0xa0: {  	[sflag:s23] =	ssyncadd.s32 $0xFFFFD800  }
0xa1: {  	s9 =	simm.s32 @p0 $0x1FC3;
	[bflag:$0x0] =	sbarrier.arrive $0xFFFF  }
0xa2: {  	[hbm:s17], [sflag:s9] =	dma.local @p0 [spmem:s25], $0x1900  }
0xa3: {  	s9 =	simm.s32 @p0 $0x3  }
0xa4: {  	s10 =	stileid.u32;
	s8 =	sadd.s32 $0x1, s8;
	_ =	swait.ge @p0 [sflag:s9], $0x1900  }
0xa5: {  	s10 =	sshll.u32 @!p0 s10, $0x6;
	p1 =	sne.s32 s8, s18;
	[sflag:s9] =	ssyncset.done @p0 $0x0  }
0xa6: {  	[sflag:s9] =	ssyncadd.s32 @p0 $0xFFFFE700;
	s9 =	sor.u32 @!p0 $0x1C03, s10;
	s10 =	sshrl.u32 @!p0 s7, $0x3  }
0xa7: {  	[hbm:s16], [sflag:s9] =	dma.local @!p0 [spmem:s10], $0x2800  }
.Ltmp2:
0xa8: {  	_ = 	snop;
	(pc) =	sbr.rel @p1 .LBB2_1-.Ltmp2, $4  }
0xa9: {  	s9 =	simm.s32 @!p0 $0x3  }
0xaa: {  	_ =	swait.ge @!p0 [sflag:s9], $0x2800  }
0xab: {  	[sflag:s9] =	ssyncset.done @!p0 $0x0  }
0xac: {  	[sflag:s9] =	ssyncadd.s32 @!p0 $0xFFFFD800  }
0xad: {  	_ =	sfence.sel $0x180000  }
0xae: {  	[bflag:$0x0] =	sbarrier.arrive $0xFFFF  }
0xaf: {  	_ =	strace $0x9000004A  }
0xb0: {  	s0 =	stileid.u32;
	[bflag:$0x2] =	sbarrier.arrive $0xFFFF  }
0xb1: {  	p0 =	sne.s32 s0, $0x0;
	s0 =	rddreg [dreg:$0x3]  }
0xb2: {  	s0 =	sadd.s32 @!p0 $0x100000, s0  }
0xb3: {  	[sflag:s0] =	ssyncadd.tile.s32 @!p0 $0x1;
	_ =	shalt  }
.Lfunc_end2:
_tile_overlayer_lowered:
.L_overlay_start_2:
0xb4: {  	(tag) =	ssettag $0x2  }
0xb5: {  	s0 =	rddreg [dreg:$0x0];
	s2 =	stileid.u32  }
0xb6: {  	s1 =	rddreg [dreg:$0x1];
	p0 =	sne.s32 s2, $0x0  }
0xb7: {  	s3 =	rddreg [dreg:$0x2];
	[bflag:$0x3] =	sbarrier.arrive $0xFFFF;
	s2 =	simm.s32 @!p0 $0x1C03  }
0xb8: {  	[timem:s3], [sflag:s2] =	dma.local @!p0 [hbm:s0], s1  }
0xb9: {  	s0 =	simm.s32 @!p0 $0x3  }
0xba: {  	_ =	swait.ge @!p0 [sflag:s0], s1  }
0xbb: {  	s1 =	ssub.s32 @!p0 $0x0, s1;
	[sflag:s0] =	ssyncset.done @!p0 $0x0  }
0xbc: {  	[sflag:s0] =	ssyncadd.s32 @!p0 s1  }
0xbd: {  	[bflag:$0x3] =	sbarrier.arrive $0xFFFF  }
0xbe: {  	_ =	shalt  }

// kernel: kernel.15.cloned.1.call-start
scs
__scs_entry_jumppad:
0x0: {  	(pc) =	sbr.rel $0x88, $3  }
0x1: {  	(tag) =	ssettag $0x0;
	lr =	simm.s32 $0x1  }
0x2: {  	[smem:$0x3F95] =	sst lr;
	_ =	strace $0xD0000000  }
0x3: {  	_ = 	snop  }
0x4: {  	_ = 	snop  }
0x5: {  	_ = 	snop  }
0x6: {  	_ = 	snop  }
0x7: {  	_ = 	snop  }
__scs_overlays_trampoline_lowered:
0x8: {  	[smem:$0x3FA4] =	sst s0  }
0x9: {  	[smem:$0x3FA5] =	sst s1  }
0xa: {  	[smem:$0x3FA6] =	sst s2  }
0xb: {  	[smem:$0x3FA7] =	sst s3  }
0xc: {  	[smem:$0x3FA8] =	sst s4  }
0xd: {  	[smem:$0x3FA9] =	sst s5  }
0xe: {  	[smem:$0x3FAA] =	sst s6  }
0xf: {  	[smem:$0x3FAB] =	sst s7  }
0x10: {  	[smem:$0x3FAC] =	sst s8  }
0x11: {  	[smem:$0x3FAD] =	sst s9;
	s0 =	simm.s32 @!p0 $0x0  }
0x12: {  	s1 =	sld [smem:$0x3F93];
	s0 =	simm.s32 @p0 $0x1  }
0x13: {  	[smem:$0x3FAE] =	sst s0;
	s0 =	simm.s32 @!p1 $0x0  }
0x14: {  	s2 =	sld [smem:$0x3F92];
	s0 =	simm.s32 @p1 $0x1  }
0x15: {  	[smem:$0x3FAF] =	sst s0;
	s0 =	simm.s32 @!p2 $0x0  }
0x16: {  	s3 =	sld [smem:$0x3FDB];
	s0 =	simm.s32 @p2 $0x1  }
0x17: {  	s4 =	simm.s32 $0x1BF5;
	[smem:$0x3FB1] =	sst s0  }
0x18: {  	s0 =	sld [smem:$0x3F94];
	_ =	swait.ge [sflag:s4], $0x0  }
0x19: {  	s7 =	sld [smem:$0x3F95]  }
0x1a: {  	s8 =	sadd.s32 $0xFFFFE003, lr  }
0x1b: {  	s9 =	sadd.s32 $0xFFFFFEF7, lr;
	s5 =	simm.s32 $0xFFFFFFFF;
	p2 =	slt.u32 s8, $0xFFFFF086  }
0x1c: {  	p1 =	slt.u32 s9, $0xF7A;
	s5 =	simm.s32 @!p2 $0x0  }
0x1d: {  	s5 =	simm.s32 @p1 $0x1;
	p0 =	seq.s32 s7, s2  }
0x1e: {  	s7 =	smul.u32 @!p0 $0xF7A, s2;
	p2 =	seq.s32 @!p0 s5, $0x0  }
0x1f: {  	s9 =	smul.u32 $0xF7A, s1;
	s8 =	simm.s32 @!p0 $0x1BF5;
	p2 =	por !p2, p0  }
0x20: {  	[sflag:s8] =	ssyncset.s32 @!p0 $0xFFFFF086;
	s6 =	sadd.s32 @!p0 s3, s7;
	s7 =	simm.s32 @!p0 $0x108  }
0x21: {  	s3 =	sadd.s32 s3, s9;
	s6 =	sadd.s32 @!p0 $0x88, s6;
	s7 =	simm.s32 @p2 $0x1082  }
0x22: {  	[simem:s7], [sflag:s8] =	dma.local @!p0 [hbm:s6], $0xF7A  }
0x23: {  	s9 =	sor.u32 $0xD0000000, s2;
	s6 =	simm.s32 $0x108;
	_ =	swait.ge @!p0 [sflag:s8], $0x0  }
0x24: {  	s3 =	sadd.s32 $0x88, s3;
	s6 =	simm.s32 @!p1 $0x1082;
	[sflag:s4] =	ssyncset.s32 $0xFFFFF086  }
0x25: {  	[simem:s6], [sflag:s4] =	dma.local [hbm:s3], $0xF7A  }
0x26: {  	[smem:$0x3F95] =	sst s1;
	(tag) =	ssettag s2;
	_ =	strace s9  }
0x27: {  	s1 =	sld [smem:$0x3FA5]  }
0x28: {  	s2 =	sld [smem:$0x3FA6]  }
0x29: {  	s4 =	sld [smem:$0x3FA8]  }
0x2a: {  	p0 =	seq.s32 s5, $0x0;
	s5 =	sld [smem:$0x3FA9]  }
0x2b: {  	s6 =	sld [smem:$0x3FAA]  }
0x2c: {  	s7 =	sld [smem:$0x3FAB]  }
0x2d: {  	s3 =	simm.s32 $0x108;
	s8 =	sld [smem:$0x3FAC]  }
0x2e: {  	s3 =	simm.s32 @!p0 $0x1082;
	s9 =	sld [smem:$0x3FAD]  }
0x2f: {  	lr =	sadd.s32 s0, s3;
	s0 =	sld [smem:$0x3FA4]  }
0x30: {  	s3 =	sld [smem:$0x3FA7]  }
0x31: {  	[smem:$0x3FB0] =	sst s10  }
0x32: {  	s10 =	sld [smem:$0x3FAE];
	_ =	sdelay $0x3  }
0x33: {  	p0 =	seq.s32 s10, $0x1;
	s10 =	sld [smem:$0x3FB0];
	_ =	sdelay $0x3  }
0x34: {  	[smem:$0x3FB0] =	sst s10  }
0x35: {  	s10 =	sld [smem:$0x3FAF];
	_ =	sdelay $0x3  }
0x36: {  	p1 =	seq.s32 s10, $0x1;
	s10 =	sld [smem:$0x3FB0];
	_ =	sdelay $0x3  }
0x37: {  	[smem:$0x3FB0] =	sst s10  }
0x38: {  	s10 =	sld [smem:$0x3FB1]  }
0x39: {  	_ = 	snop;
	(pc) =	sbr.ind lr, $3  }
0x3a: {  	_ = 	snop  }
0x3b: {  	_ = 	snop  }
0x3c: {  	p2 =	seq.s32 s10, $0x1;
	s10 =	sld [smem:$0x3FB0]  }
0x3d: {  	_ =	shalt  }
0x3e: {  	_ =	shalt  }
0x3f: {  	_ =	shalt  }
0x40: {  	_ =	shalt  }
0x41: {  	_ =	shalt  }
0x42: {  	_ =	shalt  }
0x43: {  	_ =	shalt  }
0x44: {  	_ =	shalt  }
0x45: {  	_ =	shalt  }
0x46: {  	_ =	shalt  }
0x47: {  	_ =	shalt  }
0x48: {  	_ =	shalt  }
0x49: {  	_ =	shalt  }
0x4a: {  	_ =	shalt  }
0x4b: {  	_ =	shalt  }
0x4c: {  	_ =	shalt  }
0x4d: {  	_ =	shalt  }
0x4e: {  	_ =	shalt  }
0x4f: {  	_ =	shalt  }
0x50: {  	_ =	shalt  }
0x51: {  	_ =	shalt  }
0x52: {  	_ =	shalt  }
0x53: {  	_ =	shalt  }
0x54: {  	_ =	shalt  }
0x55: {  	_ =	shalt  }
0x56: {  	_ =	shalt  }
0x57: {  	_ =	shalt  }
0x58: {  	_ =	shalt  }
0x59: {  	_ =	shalt  }
0x5a: {  	_ =	shalt  }
0x5b: {  	_ =	shalt  }
0x5c: {  	_ =	shalt  }
0x5d: {  	_ =	shalt  }
0x5e: {  	_ =	shalt  }
0x5f: {  	_ =	shalt  }
0x60: {  	_ =	shalt  }
0x61: {  	_ =	shalt  }
0x62: {  	_ =	shalt  }
0x63: {  	_ =	shalt  }
0x64: {  	_ =	shalt  }
0x65: {  	_ =	shalt  }
0x66: {  	_ =	shalt  }
0x67: {  	_ =	shalt  }
0x68: {  	_ =	shalt  }
0x69: {  	_ =	shalt  }
0x6a: {  	_ =	shalt  }
0x6b: {  	_ =	shalt  }
0x6c: {  	_ =	shalt  }
0x6d: {  	_ =	shalt  }
0x6e: {  	_ =	shalt  }
0x6f: {  	_ =	shalt  }
0x70: {  	_ =	shalt  }
0x71: {  	_ =	shalt  }
0x72: {  	_ =	shalt  }
0x73: {  	_ =	shalt  }
0x74: {  	_ =	shalt  }
0x75: {  	_ =	shalt  }
0x76: {  	_ =	shalt  }
0x77: {  	_ =	shalt  }
0x78: {  	_ =	shalt  }
0x79: {  	_ =	shalt  }
0x7a: {  	_ =	shalt  }
0x7b: {  	_ =	shalt  }
0x7c: {  	_ =	shalt  }
0x7d: {  	_ =	shalt  }
0x7e: {  	_ =	shalt  }
0x7f: {  	_ =	shalt  }
0x80: {  	_ =	shalt  }
0x81: {  	_ =	shalt  }
0x82: {  	_ =	shalt  }
0x83: {  	_ =	shalt  }
0x84: {  	_ =	shalt  }
0x85: {  	_ =	shalt  }
0x86: {  	_ =	shalt  }
0x87: {  	_ =	shalt  }
.Lfunc_end0:
.L_simem_size_0:
called_computation.2_lowered:
.L_overlay_start_0:
0x88: {  	s2 =	sld [smem:$0x3FD9]  }
0x89: {  	s3 =	sld [smem:$0x3FFE];
	_ =	sdelay $0x1  }
0x8a: {  	s1 =	srdreg.scid  }
0x8b: {  	s0 =	sand.u32 $0x1, s1  }
0x8c: {  	s17 =	sshll.u32 s0, $0xA;
	s2 =	sadd.s32 s3, s2  }
0x8d: {  	s2 =	sadd.s32 s2, s17  }
0x8e: {  	[smem:$0x3FBC] =	sst s2  }
0x8f: {  	_ = 	snop  }
0x90: {  	s2 =	sld [smem:$0x3FD0];
	(tm) =	ssettm $0x1  }
0x91: {  	s18 =	sld [smem:$0x3FFB];
	_ =	sdelay $0x3  }
0x92: {  	_ =	strace s18  }
0x93: {  	s3 =	sld [smem:$0x3FFC];
	_ =	sdelay $0x3  }
0x94: {  	_ =	strace s3  }
0x95: {  	s3 =	sld [smem:$0x3FFD];
	_ =	sdelay $0x3  }
0x96: {  	_ =	strace s3  }
0x97: {  	_ =	strace $0x8FFFFFFF  }
0x98: {  	s19 =	sld [smem:$0x3FDB];
	_ =	sdelay $0x1  }
0x99: {  	s4 =	simm.s32 $_scs_section_size  }
0x9a: {  	s5 =	simm.s32 $_size__tile_overlayer_lowered;
	s6 =	simm.s32 $_tile_overlayer_lowered  }
0x9b: {  	s22 =	simm.s32 $0x1BFF;
	s21 =	sshll.u32 s6, $0x1;
	s3 =	sadd.s32 s4, s19  }
0x9c: {  	s7 =	simm.s32 $0x0;
	s20 =	sshll.u32 s5, $0x1;
	s5 =	sadd.s32 s21, s3  }
0x9d: {  	[timem:s7], [sflag:s22] =	dma.local [hbm:s5], s20  }
0x9e: {  	_ =	swait.ge [sflag:s22], s20  }
0x9f: {  	s4 =	ssub.s32 $0x0, s20;
	[sflag:s22] =	ssyncset.done $0x0  }
0xa0: {  	[sflag:s22] =	ssyncadd.s32 s4;
	_ =	sdelay $0x1  }
0xa1: {  	s23 =	simm.s32 $0x1B8B  }
0xa2: {  	_ =	swait.ge [sflag:s23], $0x1  }
0xa3: {  	[sflag:s23] =	ssyncset.done $0x0  }
0xa4: {  	s25 =	simm.s32 $0x1B8E;
	s24 =	sld [smem:$0x3FFE];
	[sflag:s23] =	ssyncadd.s32 $0xFFFFFFFF  }
0xa5: {  	s26 =	simm.s32 $execute0_lowered;
	[smem:$0x3FD2] =	sst s25  }
0xa6: {  	s5 =	sshll.u32 s26, $0x1;
	_ =	strace $0x8000004C;
	[dreg:$0x1] =	wrdreg $0xFFFFFFFF  }
0xa7: {  	s28 =	simm.s32 $_size_execute0_lowered;
	s3 =	sadd.s32 s3, s5;
	[dreg:$0x0] =	wrdreg $0x0  }
0xa8: {  	s5 =	sshll.u32 s28, $0x1;
	[dreg:$0x2] =	wrdreg s3  }
0xa9: {  	[dreg:$0x3] =	wrdreg s5  }
0xaa: {  	[dreg:$0x4] =	wrdreg $0xC0  }
0xab: {  	_ =	task [dreg:s7], $0x5FFFF  }
0xac: {  	[dreg:$0x1] =	wrdreg $0xFFFFFFFF  }
0xad: {  	[dreg:$0x0] =	wrdreg $0x60  }
0xae: {  	[dreg:$0x2] =	wrdreg s2  }
0xaf: {  	[dreg:$0x3] =	wrdreg s24  }
0xb0: {  	[dreg:$0x4] =	wrdreg $0x92000  }
0xb1: {  	[dreg:$0x5] =	wrdreg $0x9  }
0xb2: {  	_ =	task.clear_ibuf [dreg:s7], $0x6FFFF;
	_ =	strace $0x9000004C  }
0xb3: {  	s29 =	simm.s32 $0x9;
	_ =	strace $0x8000004E  }
0xb4: {  	_ =	swait.ge [sflag:s29], $0x1  }
0xb5: {  	[sflag:s29] =	ssyncadd.s32 $0xFFFFFFFF  }
0xb6: {  	_ =	strace $0x9000004E  }
0xb7: {  	_ =	sfence  }
0xb8: {  	s30 =	sld [smem:$0x0];
	_ =	sdelay $0x2  }
0xb9: {  	s31 =	sshll.u32 s1, $0xD;
	s1 =	sshrl.u32 s1, $0x2  }
0xba: {  	s3 =	sand.u32 $0x4000, s31;
	s1 =	sadd.s32 s1, s30  }
0xbb: {  	s0 =	sor.u32 s3, s0;
	s1 =	sshll.u32 s1, $0x11  }
0xbc: {  	s0 =	sor.u32 s1, s0  }
0xbd: {  	s0 =	sadd.s32 $0x8F2B, s0  }
0xbe: {  	[sflag:s0] =	ssyncadd.remote.s32 $0x1  }
0xbf: {  	_ =	sfence.sel $0xFFFF  }
0xc0: {  	[dreg:$0x0] =	wrdreg $0xFFFFFFFF;
	(pc) =	sbr.abs _section_cstart, $3  }
0xc1: {  	[dreg:$0x1] =	wrdreg $0xFFFFFFFF  }
0xc2: {  	_ =	task.clear_ibuf [dreg:s7], $0x2FFFF;
	_ =	strace $0x9FFFFFFF  }
0xc3: {  	(tm) =	ssettm $0x7FFFFFFF  }
tec
execute0_lowered:
.L_overlay_start_1:
0x0: {  	(tag) =	ssettag $0x1  }
0x1: {  	s1 =	rddreg [dreg:$0x0]  }
0x2: {  	s0 =	rddreg [dreg:$0x1]  }
0x3: {  	s2 =	rddreg [dreg:$0x2];
	s4 =	simm.s32 $0x0;
	s3 =	srdreg.scid  }
0x4: {  	s12 =	stileid.u32;
	s28 =	simm.s32 $0x200;
	s29 =	simm.s32 $0x100  }
0x5: {  	s30 =	simm.s32 $0x180;
	s31 =	simm.s32 $0x2A00;
	[smem:$0x7FF] =	sst s4  }
0x6: {  	s5 =	sadd.s32 $0x16A00, s0;
	s3 =	sand.u32 $0x1, s3;
	s7 =	smul.u32 $0x50000, s12  }
0x7: {  	s6 =	sadd.s32 $0x3000, s0;
	s11 =	smul.u32 $0x4E20, s12;
	s0 =	sadd.s32 $0x2A400, s0  }
0x8: {  	s16 =	smul.u32 $0x14000, s12;
	p0 =	seq.s32 s12, $0xF;
	_ =	strace $0x8000004D  }
0x9: {  	s8 =	ssub.s32 $0x2, s3;
	s9 =	smul.u32 $0x4E200, s3;
	s7 =	sshrl.u32 s7, $0x2  }
0xa: {  	s3 =	smul.u32 $0x138800, s3;
	s10 =	sshrl.u32 s8, $0x1;
	s7 =	sadd.s32 s7, s2  }
0xb: {  	s8 =	ssub.s32 s8, s10;
	s9 =	sadd.s32 s11, s9;
	s19 =	sadd.s32 $0x4000, s7  }
0xc: {  	s25 =	sadd.s32 s16, s3;
	s20 =	sadd.s32 $0x8000, s7;
	[dreg:$0x4] =	wrdreg s19  }
0xd: {  	s3 =	sshrl.u32 s3, $0x3;
	s21 =	sadd.s32 $0xC000, s7;
	[dreg:$0x5] =	wrdreg s20  }
0xe: {  	s22 =	sshrl.u32 s9, $0x3;
	s23 =	sadd.s32 $0x10000, s7;
	[dreg:$0x6] =	wrdreg s21  }
0xf: {  	s3 =	sadd.s32 s0, s3;
	s18 =	sadd.s32 $0xF0, s9;
	[dreg:$0x7] =	wrdreg s23  }
0x10: {  	s15 =	sadd.s32 $0xA, s22;
	s24 =	sadd.s32 s5, s22;
	s10 =	sadd.s32 s6, s22  }
0x11: {  	s17 =	sadd.s32 $0x25800, s3;
	s26 =	sshrl.u32 s18, $0x3;
	s3 =	sadd.s32 $0x12C000, s2  }
0x12: {  	s18 =	smax.u32 s8, $0x1;
	s21 =	sadd.s32 $0xA0, s9;
	s22 =	simm.s32 $0x5200  }
0x13: {  	s23 =	simm.s32 $0x3;
	s8 =	simm.s32 $0x0;
	[dreg:$0x8] =	wrdreg s24  }
0x14: {  	[dreg:$0x9] =	wrdreg s10;
	s14 =	sadd.s32 s5, s15;
	s15 =	sadd.s32 s6, s15  }
0x15: {  	s10 =	sshrl.u32 s25, $0x3;
	s19 =	sadd.s32 s26, s6;
	s20 =	sadd.s32 s26, s5  }
0x16: {  	s24 =	simm.s32 $0x80;
	s25 =	sshrl.u32 @p0 s3, $0x3;
	s26 =	simm.s32 $0x50  }
0x17: {  	v0 =	vimm.f32 $0.0e+00;
	s3 =	simm.s32 $0x2;
	s16 =	sadd.s32 s0, s10;
	s0 =	simm.s32 $0x1  }
.LBB2_1:
0x18: {  	s9 =	simm.s32 $0x0;
	s10 =	simm.s32 $0x200  }
.LBB2_2:
0x19: {  	p1 =	sne.s32 s10, $0xFE00;
	[tilespmem:s9+$0x5270] =	vst v0  }
0x1a: {  	[tilespmem:s9+$0x5200] =	vst v0  }
0x1b: {  	[tilespmem:s9+$0x5210] =	vst v0  }
.Ltmp0:
0x1c: {  	[tilespmem:s9+$0x5220] =	vst v0;
	(pc) =	sbr.rel @p1 .LBB2_2-.Ltmp0, $4  }
0x1d: {  	[tilespmem:s9+$0x5230] =	vst v0  }
0x1e: {  	[tilespmem:s9+$0x5240] =	vst v0  }
0x1f: {  	[tilespmem:s9+$0x5250] =	vst v0  }
0x20: {  	[tilespmem:s9+$0x5260] =	vst v0;
	s9 =	sshra.s32 s10, $0x2;
	s10 =	sadd.s32 $0x200, s10  }
0x21: {  	[tilespmem:s9+$0x5270] =	vst v0  }
0x22: {  	[tilespmem:s9+$0x5200] =	vst v0  }
0x23: {  	[tilespmem:s9+$0x5210] =	vst v0  }
0x24: {  	[tilespmem:s9+$0x5220] =	vst v0  }
0x25: {  	[tilespmem:s9+$0x5230] =	vst v0  }
0x26: {  	[tilespmem:s9+$0x5240] =	vst v0  }
0x27: {  	[tilespmem:s9+$0x5250] =	vst v0  }
0x28: {  	[tilespmem:s9+$0x5260] =	vst v0  }
0x29: {  	[spmem:s7] =	stream.linear.scatter [tilespmem:s22], [sflag:$0x3], $0x4000, $0x38;
	[tilespmem:$0x1D200] =	vst v63  }
0x2a: {  	_ =	swait.ge [sflag:s23], $0x4000  }
0x2b: {  	[sflag:s23] =	ssyncset.done $0x0  }
0x2c: {  	s11 =	rddreg [dreg:$0x4];
	[sflag:s23] =	ssyncadd.s32 $0xFFFFC000  }
0x2d: {  	[spmem:s11] =	stream.linear.scatter [tilespmem:s22], [sflag:$0x3], $0x4000, $0x38;
	[tilespmem:$0x1D200] =	vst v63  }
0x2e: {  	_ =	swait.ge [sflag:s23], $0x4000  }
0x2f: {  	[sflag:s23] =	ssyncset.done $0x0  }
0x30: {  	s12 =	rddreg [dreg:$0x5];
	[sflag:s23] =	ssyncadd.s32 $0xFFFFC000  }
0x31: {  	[spmem:s12] =	stream.linear.scatter [tilespmem:s22], [sflag:$0x3], $0x4000, $0x38;
	[tilespmem:$0x1D200] =	vst v63  }
0x32: {  	_ =	swait.ge [sflag:s23], $0x4000  }
0x33: {  	[sflag:s23] =	ssyncset.done $0x0  }
0x34: {  	s13 =	rddreg [dreg:$0x6];
	[sflag:s23] =	ssyncadd.s32 $0xFFFFC000  }
0x35: {  	[spmem:s13] =	stream.linear.scatter [tilespmem:s22], [sflag:$0x3], $0x4000, $0x38;
	[tilespmem:$0x1D200] =	vst v63  }
0x36: {  	_ =	swait.ge [sflag:s23], $0x4000  }
0x37: {  	[sflag:s23] =	ssyncset.done $0x0  }
0x38: {  	s10 =	rddreg [dreg:$0x7];
	[sflag:s23] =	ssyncadd.s32 $0xFFFFC000  }
0x39: {  	[spmem:s10] =	stream.linear.scatter [tilespmem:s22], [sflag:$0x3], $0x4000, $0x38;
	[tilespmem:$0x1D200] =	vst v63  }
0x3a: {  	_ =	swait.ge [sflag:s23], $0x4000  }
0x3b: {  	[sflag:s23] =	ssyncset.done $0x0  }
0x3c: {  	[sflag:s23] =	ssyncadd.s32 $0xFFFFC000  }
0x3d: {  	[bflag:$0x0] =	sbarrier.arrive $0xFFFF  }
0x3e: {  	s11 =	simm.s32 $0x0;
	s10 =	rddreg [dreg:$0x8]  }
0x3f: {  	[tilespmem:s11], [sflag:$0x3] =	stream.linear.gather [hbm4b:s10+s11], $0x50, $0x38;
	[tilespmem:$0x1D200] =	vst v63  }
0x40: {  	_ =	swait.ge [sflag:s23], $0x50  }
0x41: {  	[sflag:s23] =	ssyncset.done $0x0  }
0x42: {  	s12 =	rddreg [dreg:$0x9];
	[sflag:s23] =	ssyncadd.s32 $0xFFFFFFB0  }
0x43: {  	[tilespmem:s24], [sflag:$0x3] =	stream.linear.gather [hbm4b:s12+s11], $0x50, $0x38;
	[tilespmem:$0x1D200] =	vst v63  }
0x44: {  	_ =	swait.ge [sflag:s23], $0x50  }
0x45: {  	[sflag:s23] =	ssyncset.done $0x0  }
0x46: {  	[sflag:s23] =	ssyncadd.s32 $0xFFFFFFB0  }
0x47: {  	[tilespmem:s28], [sflag:$0x1] =	stream.indirect.gather [hbm4b:s1+s26], $0x80, s11, s26, $0xb8;
	[tilespmem:$0x1D200] =	vst v63  }
0x48: {  	_ = 	snop  }
0x49: {  	[tilespmem:s29], [sflag:$0x3] =	stream.linear.gather [hbm4b:s14+s11], $0x50, $0x38;
	[tilespmem:$0x1D200] =	vst v63  }
0x4a: {  	_ =	swait.ge [sflag:s23], $0x50  }
0x4b: {  	[sflag:s23] =	ssyncset.done $0x0  }
0x4c: {  	[sflag:s23] =	ssyncadd.s32 $0xFFFFFFB0  }
0x4d: {  	[tilespmem:s30], [sflag:$0x3] =	stream.linear.gather [hbm4b:s15+s11], $0x50, $0x38;
	[tilespmem:$0x1D200] =	vst v63  }
0x4e: {  	_ =	swait.ge [sflag:s23], $0x50  }
0x4f: {  	[sflag:s23] =	ssyncset.done $0x0  }
0x50: {  	[sflag:s23] =	ssyncadd.s32 $0xFFFFFFB0  }
0x51: {  	[tilespmem:s31], [sflag:$0x2] =	stream.indirect.gather [hbm4b:s1+s26], $0x80, s29, s26, $0xb8;
	[tilespmem:$0x1D200] =	vst v63  }
0x52: {  	_ =	swait.ge [sflag:s0], $0x2800  }
0x53: {  	[sflag:s0] =	ssyncset.done $0x0  }
0x54: {  	[sflag:s0] =	ssyncadd.s32 $0xFFFFD800  }
0x55: {  	[spmem:s2] =	stream.indirect.scatter.add.f32 [tilespmem:s28], [sflag:$0x3], $0x80, s24, s26, $0xb8;
	[tilespmem:$0x1D200] =	vst v63  }
0x56: {  	_ =	swait.ge [sflag:s23], $0x2800  }
0x57: {  	s13 =	sshrl.u32 s21, $0x3;
	[sflag:s23] =	ssyncset.done $0x0  }
0x58: {  	s11 =	sadd.s32 s5, s13;
	[sflag:s23] =	ssyncadd.s32 $0xFFFFD800  }
0x59: {  	[tilespmem:s4], [sflag:$0x3] =	stream.linear.gather [hbm4b:s11+s4], $0x50, $0x38;
	[tilespmem:$0x1D200] =	vst v63  }
0x5a: {  	_ =	swait.ge [sflag:s23], $0x50  }
0x5b: {  	[sflag:s23] =	ssyncset.done $0x0  }
0x5c: {  	s9 =	sadd.s32 s6, s13;
	[sflag:s23] =	ssyncadd.s32 $0xFFFFFFB0  }
0x5d: {  	[tilespmem:s24], [sflag:$0x3] =	stream.linear.gather [hbm4b:s9+s4], $0x50, $0x38;
	[tilespmem:$0x1D200] =	vst v63  }
0x5e: {  	_ =	swait.ge [sflag:s23], $0x50  }
0x5f: {  	[sflag:s23] =	ssyncset.done $0x0  }
0x60: {  	[sflag:s23] =	ssyncadd.s32 $0xFFFFFFB0  }
0x61: {  	[tilespmem:s28], [sflag:$0x1] =	stream.indirect.gather [hbm4b:s1+s26], $0x80, s4, s26, $0xb8;
	[tilespmem:$0x1D200] =	vst v63  }
0x62: {  	_ =	swait.ge [sflag:s3], $0x2800  }
0x63: {  	[sflag:s3] =	ssyncset.done $0x0  }
0x64: {  	[sflag:s3] =	ssyncadd.s32 $0xFFFFD800  }
0x65: {  	[spmem:s2] =	stream.indirect.scatter.add.f32 [tilespmem:s31], [sflag:$0x3], $0x80, s30, s26, $0xb8;
	[tilespmem:$0x1D200] =	vst v63  }
0x66: {  	_ =	swait.ge [sflag:s23], $0x2800  }
0x67: {  	[sflag:s23] =	ssyncset.done $0x0  }
0x68: {  	s12 =	sadd.s32 $0x0, s20;
	[sflag:s23] =	ssyncadd.s32 $0xFFFFD800  }
0x69: {  	[tilespmem:s29], [sflag:$0x3] =	stream.linear.gather [hbm4b:s12+s4], $0x50, $0x38;
	[tilespmem:$0x1D200] =	vst v63  }
0x6a: {  	_ =	swait.ge [sflag:s23], $0x50  }
0x6b: {  	[sflag:s23] =	ssyncset.done $0x0  }
0x6c: {  	s13 =	sadd.s32 $0x0, s19;
	[sflag:s23] =	ssyncadd.s32 $0xFFFFFFB0  }
0x6d: {  	[tilespmem:s30], [sflag:$0x3] =	stream.linear.gather [hbm4b:s13+s4], $0x50, $0x38;
	[tilespmem:$0x1D200] =	vst v63  }
0x6e: {  	_ =	swait.ge [sflag:s23], $0x50  }
0x6f: {  	[sflag:s23] =	ssyncset.done $0x0  }
0x70: {  	s10 =	sadd.s32 $0xA0, s21;
	s9 =	simm.s32 $0x14;
	[sflag:s23] =	ssyncadd.s32 $0xFFFFFFB0  }
.LBB2_4:
0x71: {  	[tilespmem:s31], [sflag:$0x2] =	stream.indirect.gather [hbm4b:s1+s26], $0x80, s29, s26, $0xb8;
	[tilespmem:$0x1D200] =	vst v63  }
0x72: {  	s11 =	smov.u32 s9  }
0x73: {  	p1 =	sne.s32 s9, $0x99C;
	s9 =	sadd.s32 $0x14, s9;
	_ =	swait.ge [sflag:s0], $0x2800  }
0x74: {  	[sflag:s0] =	ssyncset.done $0x0  }
0x75: {  	[sflag:s0] =	ssyncadd.s32 $0xFFFFD800  }
0x76: {  	[spmem:s2] =	stream.indirect.scatter.add.f32 [tilespmem:s28], [sflag:$0x3], $0x80, s24, s26, $0xb8;
	[tilespmem:$0x1D200] =	vst v63  }
0x77: {  	_ =	swait.ge [sflag:s23], $0x2800  }
0x78: {  	s12 =	sshrl.u32 s10, $0x3;
	[sflag:s23] =	ssyncset.done $0x0  }
0x79: {  	s13 =	sadd.s32 s5, s12;
	[sflag:s23] =	ssyncadd.s32 $0xFFFFD800  }
0x7a: {  	[tilespmem:s4], [sflag:$0x3] =	stream.linear.gather [hbm4b:s13+s4], $0x50, $0x38;
	[tilespmem:$0x1D200] =	vst v63  }
0x7b: {  	_ =	swait.ge [sflag:s23], $0x50  }
0x7c: {  	[sflag:s23] =	ssyncset.done $0x0  }
0x7d: {  	s12 =	sadd.s32 s6, s12;
	[sflag:s23] =	ssyncadd.s32 $0xFFFFFFB0  }
0x7e: {  	[tilespmem:s24], [sflag:$0x3] =	stream.linear.gather [hbm4b:s12+s4], $0x50, $0x38;
	[tilespmem:$0x1D200] =	vst v63  }
0x7f: {  	_ =	swait.ge [sflag:s23], $0x50  }
0x80: {  	[sflag:s23] =	ssyncset.done $0x0  }
0x81: {  	[sflag:s23] =	ssyncadd.s32 $0xFFFFFFB0  }
0x82: {  	[tilespmem:s28], [sflag:$0x1] =	stream.indirect.gather [hbm4b:s1+s26], $0x80, s4, s26, $0xb8;
	[tilespmem:$0x1D200] =	vst v63  }
0x83: {  	_ =	swait.ge [sflag:s3], $0x2800  }
0x84: {  	[sflag:s3] =	ssyncset.done $0x0  }
0x85: {  	[sflag:s3] =	ssyncadd.s32 $0xFFFFD800  }
0x86: {  	[spmem:s2] =	stream.indirect.scatter.add.f32 [tilespmem:s31], [sflag:$0x3], $0x80, s30, s26, $0xb8;
	[tilespmem:$0x1D200] =	vst v63  }
0x87: {  	_ =	swait.ge [sflag:s23], $0x2800  }
0x88: {  	[sflag:s23] =	ssyncset.done $0x0  }
0x89: {  	s12 =	sadd.s32 s11, s20;
	[sflag:s23] =	ssyncadd.s32 $0xFFFFD800  }
0x8a: {  	[tilespmem:s29], [sflag:$0x3] =	stream.linear.gather [hbm4b:s12+s4], $0x50, $0x38;
	[tilespmem:$0x1D200] =	vst v63  }
0x8b: {  	_ =	swait.ge [sflag:s23], $0x50  }
0x8c: {  	[sflag:s23] =	ssyncset.done $0x0  }
.Ltmp1:
0x8d: {  	s11 =	sadd.s32 s11, s19;
	[sflag:s23] =	ssyncadd.s32 $0xFFFFFFB0;
	(pc) =	sbr.rel @p1 .LBB2_4-.Ltmp1, $4  }
0x8e: {  	[tilespmem:s30], [sflag:$0x3] =	stream.linear.gather [hbm4b:s11+s4], $0x50, $0x38;
	[tilespmem:$0x1D200] =	vst v63  }
0x8f: {  	_ =	swait.ge [sflag:s23], $0x50  }
0x90: {  	[sflag:s23] =	ssyncset.done $0x0  }
0x91: {  	s10 =	sadd.s32 $0xA0, s10;
	[sflag:s23] =	ssyncadd.s32 $0xFFFFFFB0  }
0x92: {  	[tilespmem:s31], [sflag:$0x2] =	stream.indirect.gather [hbm4b:s1+s26], $0x80, s29, s26, $0xb8;
	[tilespmem:$0x1D200] =	vst v63  }
0x93: {  	_ =	swait.ge [sflag:s0], $0x2800  }
0x94: {  	[sflag:s0] =	ssyncset.done $0x0  }
0x95: {  	[sflag:s0] =	ssyncadd.s32 $0xFFFFD800  }
0x96: {  	[spmem:s2] =	stream.indirect.scatter.add.f32 [tilespmem:s28], [sflag:$0x3], $0x80, s24, s26, $0xb8;
	[tilespmem:$0x1D200] =	vst v63  }
0x97: {  	_ =	swait.ge [sflag:s23], $0x2800  }
0x98: {  	[sflag:s23] =	ssyncset.done $0x0  }
0x99: {  	[sflag:s23] =	ssyncadd.s32 $0xFFFFD800  }
0x9a: {  	_ =	swait.ge [sflag:s3], $0x2800  }
0x9b: {  	[sflag:s3] =	ssyncset.done $0x0  }
0x9c: {  	[sflag:s3] =	ssyncadd.s32 $0xFFFFD800  }
0x9d: {  	[spmem:s2] =	stream.indirect.scatter.add.f32 [tilespmem:s31], [sflag:$0x3], $0x80, s30, s26, $0xb8;
	[tilespmem:$0x1D200] =	vst v63  }
0x9e: {  	_ =	swait.ge [sflag:s23], $0x2800  }
0x9f: {  	[sflag:s23] =	ssyncset.done $0x0  }
0xa0: {  	[sflag:s23] =	ssyncadd.s32 $0xFFFFD800  }
0xa1: {  	s9 =	simm.s32 @p0 $0x1FC3;
	[bflag:$0x0] =	sbarrier.arrive $0xFFFF  }
0xa2: {  	[hbm:s17], [sflag:s9] =	dma.local @p0 [spmem:s25], $0x1900  }
0xa3: {  	s9 =	simm.s32 @p0 $0x3  }
0xa4: {  	s10 =	stileid.u32;
	s8 =	sadd.s32 $0x1, s8;
	_ =	swait.ge @p0 [sflag:s9], $0x1900  }
0xa5: {  	s10 =	sshll.u32 @!p0 s10, $0x6;
	p1 =	sne.s32 s8, s18;
	[sflag:s9] =	ssyncset.done @p0 $0x0  }
0xa6: {  	[sflag:s9] =	ssyncadd.s32 @p0 $0xFFFFE700;
	s9 =	sor.u32 @!p0 $0x1C03, s10;
	s10 =	sshrl.u32 @!p0 s7, $0x3  }
0xa7: {  	[hbm:s16], [sflag:s9] =	dma.local @!p0 [spmem:s10], $0x2800  }
.Ltmp2:
0xa8: {  	_ = 	snop;
	(pc) =	sbr.rel @p1 .LBB2_1-.Ltmp2, $4  }
0xa9: {  	s9 =	simm.s32 @!p0 $0x3  }
0xaa: {  	_ =	swait.ge @!p0 [sflag:s9], $0x2800  }
0xab: {  	[sflag:s9] =	ssyncset.done @!p0 $0x0  }
0xac: {  	[sflag:s9] =	ssyncadd.s32 @!p0 $0xFFFFD800  }
0xad: {  	_ =	sfence.sel $0x180000  }
0xae: {  	[bflag:$0x0] =	sbarrier.arrive $0xFFFF  }
0xaf: {  	_ =	strace $0x9000004D  }
0xb0: {  	s0 =	stileid.u32;
	[bflag:$0x2] =	sbarrier.arrive $0xFFFF  }
0xb1: {  	p0 =	sne.s32 s0, $0x0;
	s0 =	rddreg [dreg:$0x3]  }
0xb2: {  	s0 =	sadd.s32 @!p0 $0x100000, s0  }
0xb3: {  	[sflag:s0] =	ssyncadd.tile.s32 @!p0 $0x1;
	_ =	shalt  }
.Lfunc_end2:
_tile_overlayer_lowered:
.L_overlay_start_2:
0xb4: {  	(tag) =	ssettag $0x2  }
0xb5: {  	s0 =	rddreg [dreg:$0x0];
	s2 =	stileid.u32  }
0xb6: {  	s1 =	rddreg [dreg:$0x1];
	p0 =	sne.s32 s2, $0x0  }
0xb7: {  	s3 =	rddreg [dreg:$0x2];
	[bflag:$0x3] =	sbarrier.arrive $0xFFFF;
	s2 =	simm.s32 @!p0 $0x1C03  }
0xb8: {  	[timem:s3], [sflag:s2] =	dma.local @!p0 [hbm:s0], s1  }
0xb9: {  	s0 =	simm.s32 @!p0 $0x3  }
0xba: {  	_ =	swait.ge @!p0 [sflag:s0], s1  }
0xbb: {  	s1 =	ssub.s32 @!p0 $0x0, s1;
	[sflag:s0] =	ssyncset.done @!p0 $0x0  }
0xbc: {  	[sflag:s0] =	ssyncadd.s32 @!p0 s1  }
0xbd: {  	[bflag:$0x3] =	sbarrier.arrive $0xFFFF  }
0xbe: {  	_ =	shalt  }

// kernel: kernel.9.cloned.1.call-start
scs
__scs_entry_jumppad:
0x0: {  	(pc) =	sbr.rel $0x88, $3  }
0x1: {  	(tag) =	ssettag $0x0;
	lr =	simm.s32 $0x1  }
0x2: {  	[smem:$0x3F95] =	sst lr;
	_ =	strace $0xD0000000  }
0x3: {  	_ = 	snop  }
0x4: {  	_ = 	snop  }
0x5: {  	_ = 	snop  }
0x6: {  	_ = 	snop  }
0x7: {  	_ = 	snop  }
__scs_overlays_trampoline_lowered:
0x8: {  	[smem:$0x3FA4] =	sst s0  }
0x9: {  	[smem:$0x3FA5] =	sst s1  }
0xa: {  	[smem:$0x3FA6] =	sst s2  }
0xb: {  	[smem:$0x3FA7] =	sst s3  }
0xc: {  	[smem:$0x3FA8] =	sst s4  }
0xd: {  	[smem:$0x3FA9] =	sst s5  }
0xe: {  	[smem:$0x3FAA] =	sst s6  }
0xf: {  	[smem:$0x3FAB] =	sst s7  }
0x10: {  	[smem:$0x3FAC] =	sst s8  }
0x11: {  	[smem:$0x3FAD] =	sst s9;
	s0 =	simm.s32 @!p0 $0x0  }
0x12: {  	s1 =	sld [smem:$0x3F93];
	s0 =	simm.s32 @p0 $0x1  }
0x13: {  	[smem:$0x3FAE] =	sst s0;
	s0 =	simm.s32 @!p1 $0x0  }
0x14: {  	s2 =	sld [smem:$0x3F92];
	s0 =	simm.s32 @p1 $0x1  }
0x15: {  	[smem:$0x3FAF] =	sst s0;
	s0 =	simm.s32 @!p2 $0x0  }
0x16: {  	s3 =	sld [smem:$0x3FDB];
	s0 =	simm.s32 @p2 $0x1  }
0x17: {  	s4 =	simm.s32 $0x1BF5;
	[smem:$0x3FB1] =	sst s0  }
0x18: {  	s0 =	sld [smem:$0x3F94];
	_ =	swait.ge [sflag:s4], $0x0  }
0x19: {  	s7 =	sld [smem:$0x3F95]  }
0x1a: {  	s8 =	sadd.s32 $0xFFFFE003, lr  }
0x1b: {  	s9 =	sadd.s32 $0xFFFFFEF7, lr;
	s5 =	simm.s32 $0xFFFFFFFF;
	p2 =	slt.u32 s8, $0xFFFFF086  }
0x1c: {  	p1 =	slt.u32 s9, $0xF7A;
	s5 =	simm.s32 @!p2 $0x0  }
0x1d: {  	s5 =	simm.s32 @p1 $0x1;
	p0 =	seq.s32 s7, s2  }
0x1e: {  	s7 =	smul.u32 @!p0 $0xF7A, s2;
	p2 =	seq.s32 @!p0 s5, $0x0  }
0x1f: {  	s9 =	smul.u32 $0xF7A, s1;
	s8 =	simm.s32 @!p0 $0x1BF5;
	p2 =	por !p2, p0  }
0x20: {  	[sflag:s8] =	ssyncset.s32 @!p0 $0xFFFFF086;
	s6 =	sadd.s32 @!p0 s3, s7;
	s7 =	simm.s32 @!p0 $0x108  }
0x21: {  	s3 =	sadd.s32 s3, s9;
	s6 =	sadd.s32 @!p0 $0x88, s6;
	s7 =	simm.s32 @p2 $0x1082  }
0x22: {  	[simem:s7], [sflag:s8] =	dma.local @!p0 [hbm:s6], $0xF7A  }
0x23: {  	s9 =	sor.u32 $0xD0000000, s2;
	s6 =	simm.s32 $0x108;
	_ =	swait.ge @!p0 [sflag:s8], $0x0  }
0x24: {  	s3 =	sadd.s32 $0x88, s3;
	s6 =	simm.s32 @!p1 $0x1082;
	[sflag:s4] =	ssyncset.s32 $0xFFFFF086  }
0x25: {  	[simem:s6], [sflag:s4] =	dma.local [hbm:s3], $0xF7A  }
0x26: {  	[smem:$0x3F95] =	sst s1;
	(tag) =	ssettag s2;
	_ =	strace s9  }
0x27: {  	s1 =	sld [smem:$0x3FA5]  }
0x28: {  	s2 =	sld [smem:$0x3FA6]  }
0x29: {  	s4 =	sld [smem:$0x3FA8]  }
0x2a: {  	p0 =	seq.s32 s5, $0x0;
	s5 =	sld [smem:$0x3FA9]  }
0x2b: {  	s6 =	sld [smem:$0x3FAA]  }
0x2c: {  	s7 =	sld [smem:$0x3FAB]  }
0x2d: {  	s3 =	simm.s32 $0x108;
	s8 =	sld [smem:$0x3FAC]  }
0x2e: {  	s3 =	simm.s32 @!p0 $0x1082;
	s9 =	sld [smem:$0x3FAD]  }
0x2f: {  	lr =	sadd.s32 s0, s3;
	s0 =	sld [smem:$0x3FA4]  }
0x30: {  	s3 =	sld [smem:$0x3FA7]  }
0x31: {  	[smem:$0x3FB0] =	sst s10  }
0x32: {  	s10 =	sld [smem:$0x3FAE];
	_ =	sdelay $0x3  }
0x33: {  	p0 =	seq.s32 s10, $0x1;
	s10 =	sld [smem:$0x3FB0];
	_ =	sdelay $0x3  }
0x34: {  	[smem:$0x3FB0] =	sst s10  }
0x35: {  	s10 =	sld [smem:$0x3FAF];
	_ =	sdelay $0x3  }
0x36: {  	p1 =	seq.s32 s10, $0x1;
	s10 =	sld [smem:$0x3FB0];
	_ =	sdelay $0x3  }
0x37: {  	[smem:$0x3FB0] =	sst s10  }
0x38: {  	s10 =	sld [smem:$0x3FB1]  }
0x39: {  	_ = 	snop;
	(pc) =	sbr.ind lr, $3  }
0x3a: {  	_ = 	snop  }
0x3b: {  	_ = 	snop  }
0x3c: {  	p2 =	seq.s32 s10, $0x1;
	s10 =	sld [smem:$0x3FB0]  }
0x3d: {  	_ =	shalt  }
0x3e: {  	_ =	shalt  }
0x3f: {  	_ =	shalt  }
0x40: {  	_ =	shalt  }
0x41: {  	_ =	shalt  }
0x42: {  	_ =	shalt  }
0x43: {  	_ =	shalt  }
0x44: {  	_ =	shalt  }
0x45: {  	_ =	shalt  }
0x46: {  	_ =	shalt  }
0x47: {  	_ =	shalt  }
0x48: {  	_ =	shalt  }
0x49: {  	_ =	shalt  }
0x4a: {  	_ =	shalt  }
0x4b: {  	_ =	shalt  }
0x4c: {  	_ =	shalt  }
0x4d: {  	_ =	shalt  }
0x4e: {  	_ =	shalt  }
0x4f: {  	_ =	shalt  }
0x50: {  	_ =	shalt  }
0x51: {  	_ =	shalt  }
0x52: {  	_ =	shalt  }
0x53: {  	_ =	shalt  }
0x54: {  	_ =	shalt  }
0x55: {  	_ =	shalt  }
0x56: {  	_ =	shalt  }
0x57: {  	_ =	shalt  }
0x58: {  	_ =	shalt  }
0x59: {  	_ =	shalt  }
0x5a: {  	_ =	shalt  }
0x5b: {  	_ =	shalt  }
0x5c: {  	_ =	shalt  }
0x5d: {  	_ =	shalt  }
0x5e: {  	_ =	shalt  }
0x5f: {  	_ =	shalt  }
0x60: {  	_ =	shalt  }
0x61: {  	_ =	shalt  }
0x62: {  	_ =	shalt  }
0x63: {  	_ =	shalt  }
0x64: {  	_ =	shalt  }
0x65: {  	_ =	shalt  }
0x66: {  	_ =	shalt  }
0x67: {  	_ =	shalt  }
0x68: {  	_ =	shalt  }
0x69: {  	_ =	shalt  }
0x6a: {  	_ =	shalt  }
0x6b: {  	_ =	shalt  }
0x6c: {  	_ =	shalt  }
0x6d: {  	_ =	shalt  }
0x6e: {  	_ =	shalt  }
0x6f: {  	_ =	shalt  }
0x70: {  	_ =	shalt  }
0x71: {  	_ =	shalt  }
0x72: {  	_ =	shalt  }
0x73: {  	_ =	shalt  }
0x74: {  	_ =	shalt  }
0x75: {  	_ =	shalt  }
0x76: {  	_ =	shalt  }
0x77: {  	_ =	shalt  }
0x78: {  	_ =	shalt  }
0x79: {  	_ =	shalt  }
0x7a: {  	_ =	shalt  }
0x7b: {  	_ =	shalt  }
0x7c: {  	_ =	shalt  }
0x7d: {  	_ =	shalt  }
0x7e: {  	_ =	shalt  }
0x7f: {  	_ =	shalt  }
0x80: {  	_ =	shalt  }
0x81: {  	_ =	shalt  }
0x82: {  	_ =	shalt  }
0x83: {  	_ =	shalt  }
0x84: {  	_ =	shalt  }
0x85: {  	_ =	shalt  }
0x86: {  	_ =	shalt  }
0x87: {  	_ =	shalt  }
.Lfunc_end0:
.L_simem_size_0:
called_computation_lowered:
.L_overlay_start_0:
0x88: {  	s2 =	sld [smem:$0x3FD9]  }
0x89: {  	s3 =	sld [smem:$0x3FFE];
	_ =	sdelay $0x1  }
0x8a: {  	s1 =	srdreg.scid  }
0x8b: {  	s0 =	sand.u32 $0x1, s1  }
0x8c: {  	s17 =	sshll.u32 s0, $0xA;
	s2 =	sadd.s32 s3, s2  }
0x8d: {  	s2 =	sadd.s32 s2, s17  }
0x8e: {  	[smem:$0x3FBC] =	sst s2  }
0x8f: {  	_ = 	snop  }
0x90: {  	s2 =	sld [smem:$0x3FD0];
	(tm) =	ssettm $0x1  }
0x91: {  	s18 =	sld [smem:$0x3FFB];
	_ =	sdelay $0x3  }
0x92: {  	_ =	strace s18  }
0x93: {  	s3 =	sld [smem:$0x3FFC];
	_ =	sdelay $0x3  }
0x94: {  	_ =	strace s3  }
0x95: {  	s3 =	sld [smem:$0x3FFD];
	_ =	sdelay $0x3  }
0x96: {  	_ =	strace s3  }
0x97: {  	_ =	strace $0x8FFFFFFF  }
0x98: {  	s19 =	sld [smem:$0x3FDB];
	_ =	sdelay $0x1  }
0x99: {  	s4 =	simm.s32 $_scs_section_size  }
0x9a: {  	s5 =	simm.s32 $_size__tile_overlayer_lowered;
	s6 =	simm.s32 $_tile_overlayer_lowered  }
0x9b: {  	s22 =	simm.s32 $0x1BFF;
	s21 =	sshll.u32 s6, $0x1;
	s3 =	sadd.s32 s4, s19  }
0x9c: {  	s7 =	simm.s32 $0x0;
	s20 =	sshll.u32 s5, $0x1;
	s5 =	sadd.s32 s21, s3  }
0x9d: {  	[timem:s7], [sflag:s22] =	dma.local [hbm:s5], s20  }
0x9e: {  	_ =	swait.ge [sflag:s22], s20  }
0x9f: {  	s4 =	ssub.s32 $0x0, s20;
	[sflag:s22] =	ssyncset.done $0x0  }
0xa0: {  	[sflag:s22] =	ssyncadd.s32 s4;
	_ =	sdelay $0x1  }
0xa1: {  	s23 =	simm.s32 $0x1B8B  }
0xa2: {  	_ =	swait.ge [sflag:s23], $0x1  }
0xa3: {  	[sflag:s23] =	ssyncset.done $0x0  }
0xa4: {  	s25 =	simm.s32 $0x1B8E;
	s24 =	sld [smem:$0x3FFE];
	[sflag:s23] =	ssyncadd.s32 $0xFFFFFFFF  }
0xa5: {  	s26 =	simm.s32 $execute0_lowered;
	[smem:$0x3FD2] =	sst s25  }
0xa6: {  	s5 =	sshll.u32 s26, $0x1;
	_ =	strace $0x80000046;
	[dreg:$0x1] =	wrdreg $0xFFFFFFFF  }
0xa7: {  	s28 =	simm.s32 $_size_execute0_lowered;
	s3 =	sadd.s32 s3, s5;
	[dreg:$0x0] =	wrdreg $0x0  }
0xa8: {  	s5 =	sshll.u32 s28, $0x1;
	[dreg:$0x2] =	wrdreg s3  }
0xa9: {  	[dreg:$0x3] =	wrdreg s5  }
0xaa: {  	[dreg:$0x4] =	wrdreg $0xC0  }
0xab: {  	_ =	task [dreg:s7], $0x5FFFF  }
0xac: {  	[dreg:$0x1] =	wrdreg $0xFFFFFFFF  }
0xad: {  	[dreg:$0x0] =	wrdreg $0x60  }
0xae: {  	[dreg:$0x2] =	wrdreg s2  }
0xaf: {  	[dreg:$0x3] =	wrdreg s24  }
0xb0: {  	[dreg:$0x4] =	wrdreg $0x92000  }
0xb1: {  	[dreg:$0x5] =	wrdreg $0x9  }
0xb2: {  	_ =	task.clear_ibuf [dreg:s7], $0x6FFFF;
	_ =	strace $0x90000046  }
0xb3: {  	s29 =	simm.s32 $0x9;
	_ =	strace $0x80000048  }
0xb4: {  	_ =	swait.ge [sflag:s29], $0x1  }
0xb5: {  	[sflag:s29] =	ssyncadd.s32 $0xFFFFFFFF  }
0xb6: {  	_ =	strace $0x90000048  }
0xb7: {  	_ =	sfence  }
0xb8: {  	s30 =	sld [smem:$0x0];
	_ =	sdelay $0x2  }
0xb9: {  	s31 =	sshll.u32 s1, $0xD;
	s1 =	sshrl.u32 s1, $0x2  }
0xba: {  	s3 =	sand.u32 $0x4000, s31;
	s1 =	sadd.s32 s1, s30  }
0xbb: {  	s0 =	sor.u32 s3, s0;
	s1 =	sshll.u32 s1, $0x11  }
0xbc: {  	s0 =	sor.u32 s1, s0  }
0xbd: {  	s0 =	sadd.s32 $0x8F2B, s0  }
0xbe: {  	[sflag:s0] =	ssyncadd.remote.s32 $0x1  }
0xbf: {  	_ =	sfence.sel $0xFFFF  }
0xc0: {  	[dreg:$0x0] =	wrdreg $0xFFFFFFFF;
	(pc) =	sbr.abs _section_cstart, $3  }
0xc1: {  	[dreg:$0x1] =	wrdreg $0xFFFFFFFF  }
0xc2: {  	_ =	task.clear_ibuf [dreg:s7], $0x2FFFF;
	_ =	strace $0x9FFFFFFF  }
0xc3: {  	(tm) =	ssettm $0x7FFFFFFF  }
tec
execute0_lowered:
.L_overlay_start_1:
0x0: {  	(tag) =	ssettag $0x1  }
0x1: {  	s1 =	rddreg [dreg:$0x0]  }
0x2: {  	s0 =	rddreg [dreg:$0x1]  }
0x3: {  	s2 =	rddreg [dreg:$0x2];
	s4 =	simm.s32 $0x0;
	s3 =	srdreg.scid  }
0x4: {  	s12 =	stileid.u32;
	s28 =	simm.s32 $0x200;
	s29 =	simm.s32 $0x100  }
0x5: {  	s30 =	simm.s32 $0x180;
	s31 =	simm.s32 $0x2A00;
	[smem:$0x7FF] =	sst s4  }
0x6: {  	s5 =	sadd.s32 $0x16A00, s0;
	s3 =	sand.u32 $0x1, s3;
	s7 =	smul.u32 $0x50000, s12  }
0x7: {  	s6 =	sadd.s32 $0x3000, s0;
	s11 =	smul.u32 $0x4E20, s12;
	s0 =	sadd.s32 $0x2A400, s0  }
0x8: {  	s16 =	smul.u32 $0x14000, s12;
	p0 =	seq.s32 s12, $0xF;
	_ =	strace $0x80000047  }
0x9: {  	s8 =	ssub.s32 $0x2, s3;
	s9 =	smul.u32 $0x4E200, s3;
	s7 =	sshrl.u32 s7, $0x2  }
0xa: {  	s3 =	smul.u32 $0x138800, s3;
	s10 =	sshrl.u32 s8, $0x1;
	s7 =	sadd.s32 s7, s2  }
0xb: {  	s8 =	ssub.s32 s8, s10;
	s9 =	sadd.s32 s11, s9;
	s19 =	sadd.s32 $0x4000, s7  }
0xc: {  	s25 =	sadd.s32 s16, s3;
	s20 =	sadd.s32 $0x8000, s7;
	[dreg:$0x4] =	wrdreg s19  }
0xd: {  	s3 =	sshrl.u32 s3, $0x3;
	s21 =	sadd.s32 $0xC000, s7;
	[dreg:$0x5] =	wrdreg s20  }
0xe: {  	s22 =	sshrl.u32 s9, $0x3;
	s23 =	sadd.s32 $0x10000, s7;
	[dreg:$0x6] =	wrdreg s21  }
0xf: {  	s3 =	sadd.s32 s0, s3;
	s18 =	sadd.s32 $0xF0, s9;
	[dreg:$0x7] =	wrdreg s23  }
0x10: {  	s15 =	sadd.s32 $0xA, s22;
	s24 =	sadd.s32 s5, s22;
	s10 =	sadd.s32 s6, s22  }
0x11: {  	s17 =	sadd.s32 $0x25800, s3;
	s26 =	sshrl.u32 s18, $0x3;
	s3 =	sadd.s32 $0x12C000, s2  }
0x12: {  	s18 =	smax.u32 s8, $0x1;
	s21 =	sadd.s32 $0xA0, s9;
	s22 =	simm.s32 $0x5200  }
0x13: {  	s23 =	simm.s32 $0x3;
	s8 =	simm.s32 $0x0;
	[dreg:$0x8] =	wrdreg s24  }
0x14: {  	[dreg:$0x9] =	wrdreg s10;
	s14 =	sadd.s32 s5, s15;
	s15 =	sadd.s32 s6, s15  }
0x15: {  	s10 =	sshrl.u32 s25, $0x3;
	s19 =	sadd.s32 s26, s6;
	s20 =	sadd.s32 s26, s5  }
0x16: {  	s24 =	simm.s32 $0x80;
	s25 =	sshrl.u32 @p0 s3, $0x3;
	s26 =	simm.s32 $0x50  }
0x17: {  	v0 =	vimm.f32 $0.0e+00;
	s3 =	simm.s32 $0x2;
	s16 =	sadd.s32 s0, s10;
	s0 =	simm.s32 $0x1  }
.LBB2_1:
0x18: {  	s9 =	simm.s32 $0x0;
	s10 =	simm.s32 $0x200  }
.LBB2_2:
0x19: {  	p1 =	sne.s32 s10, $0xFE00;
	[tilespmem:s9+$0x5270] =	vst v0  }
0x1a: {  	[tilespmem:s9+$0x5200] =	vst v0  }
0x1b: {  	[tilespmem:s9+$0x5210] =	vst v0  }
.Ltmp0:
0x1c: {  	[tilespmem:s9+$0x5220] =	vst v0;
	(pc) =	sbr.rel @p1 .LBB2_2-.Ltmp0, $4  }
0x1d: {  	[tilespmem:s9+$0x5230] =	vst v0  }
0x1e: {  	[tilespmem:s9+$0x5240] =	vst v0  }
0x1f: {  	[tilespmem:s9+$0x5250] =	vst v0  }
0x20: {  	[tilespmem:s9+$0x5260] =	vst v0;
	s9 =	sshra.s32 s10, $0x2;
	s10 =	sadd.s32 $0x200, s10  }
0x21: {  	[tilespmem:s9+$0x5270] =	vst v0  }
0x22: {  	[tilespmem:s9+$0x5200] =	vst v0  }
0x23: {  	[tilespmem:s9+$0x5210] =	vst v0  }
0x24: {  	[tilespmem:s9+$0x5220] =	vst v0  }
0x25: {  	[tilespmem:s9+$0x5230] =	vst v0  }
0x26: {  	[tilespmem:s9+$0x5240] =	vst v0  }
0x27: {  	[tilespmem:s9+$0x5250] =	vst v0  }
0x28: {  	[tilespmem:s9+$0x5260] =	vst v0  }
0x29: {  	[spmem:s7] =	stream.linear.scatter [tilespmem:s22], [sflag:$0x3], $0x4000, $0x38;
	[tilespmem:$0x1D200] =	vst v63  }
0x2a: {  	_ =	swait.ge [sflag:s23], $0x4000  }
0x2b: {  	[sflag:s23] =	ssyncset.done $0x0  }
0x2c: {  	s11 =	rddreg [dreg:$0x4];
	[sflag:s23] =	ssyncadd.s32 $0xFFFFC000  }
0x2d: {  	[spmem:s11] =	stream.linear.scatter [tilespmem:s22], [sflag:$0x3], $0x4000, $0x38;
	[tilespmem:$0x1D200] =	vst v63  }
0x2e: {  	_ =	swait.ge [sflag:s23], $0x4000  }
0x2f: {  	[sflag:s23] =	ssyncset.done $0x0  }
0x30: {  	s12 =	rddreg [dreg:$0x5];
	[sflag:s23] =	ssyncadd.s32 $0xFFFFC000  }
0x31: {  	[spmem:s12] =	stream.linear.scatter [tilespmem:s22], [sflag:$0x3], $0x4000, $0x38;
	[tilespmem:$0x1D200] =	vst v63  }
0x32: {  	_ =	swait.ge [sflag:s23], $0x4000  }
0x33: {  	[sflag:s23] =	ssyncset.done $0x0  }
0x34: {  	s13 =	rddreg [dreg:$0x6];
	[sflag:s23] =	ssyncadd.s32 $0xFFFFC000  }
0x35: {  	[spmem:s13] =	stream.linear.scatter [tilespmem:s22], [sflag:$0x3], $0x4000, $0x38;
	[tilespmem:$0x1D200] =	vst v63  }
0x36: {  	_ =	swait.ge [sflag:s23], $0x4000  }
0x37: {  	[sflag:s23] =	ssyncset.done $0x0  }
0x38: {  	s10 =	rddreg [dreg:$0x7];
	[sflag:s23] =	ssyncadd.s32 $0xFFFFC000  }
0x39: {  	[spmem:s10] =	stream.linear.scatter [tilespmem:s22], [sflag:$0x3], $0x4000, $0x38;
	[tilespmem:$0x1D200] =	vst v63  }
0x3a: {  	_ =	swait.ge [sflag:s23], $0x4000  }
0x3b: {  	[sflag:s23] =	ssyncset.done $0x0  }
0x3c: {  	[sflag:s23] =	ssyncadd.s32 $0xFFFFC000  }
0x3d: {  	[bflag:$0x0] =	sbarrier.arrive $0xFFFF  }
0x3e: {  	s11 =	simm.s32 $0x0;
	s10 =	rddreg [dreg:$0x8]  }
0x3f: {  	[tilespmem:s11], [sflag:$0x3] =	stream.linear.gather [hbm4b:s10+s11], $0x50, $0x38;
	[tilespmem:$0x1D200] =	vst v63  }
0x40: {  	_ =	swait.ge [sflag:s23], $0x50  }
0x41: {  	[sflag:s23] =	ssyncset.done $0x0  }
0x42: {  	s12 =	rddreg [dreg:$0x9];
	[sflag:s23] =	ssyncadd.s32 $0xFFFFFFB0  }
0x43: {  	[tilespmem:s24], [sflag:$0x3] =	stream.linear.gather [hbm4b:s12+s11], $0x50, $0x38;
	[tilespmem:$0x1D200] =	vst v63  }
0x44: {  	_ =	swait.ge [sflag:s23], $0x50  }
0x45: {  	[sflag:s23] =	ssyncset.done $0x0  }
0x46: {  	[sflag:s23] =	ssyncadd.s32 $0xFFFFFFB0  }
0x47: {  	[tilespmem:s28], [sflag:$0x1] =	stream.indirect.gather [hbm4b:s1+s26], $0x80, s11, s26, $0xb8;
	[tilespmem:$0x1D200] =	vst v63  }
0x48: {  	_ = 	snop  }
0x49: {  	[tilespmem:s29], [sflag:$0x3] =	stream.linear.gather [hbm4b:s14+s11], $0x50, $0x38;
	[tilespmem:$0x1D200] =	vst v63  }
0x4a: {  	_ =	swait.ge [sflag:s23], $0x50  }
0x4b: {  	[sflag:s23] =	ssyncset.done $0x0  }
0x4c: {  	[sflag:s23] =	ssyncadd.s32 $0xFFFFFFB0  }
0x4d: {  	[tilespmem:s30], [sflag:$0x3] =	stream.linear.gather [hbm4b:s15+s11], $0x50, $0x38;
	[tilespmem:$0x1D200] =	vst v63  }
0x4e: {  	_ =	swait.ge [sflag:s23], $0x50  }
0x4f: {  	[sflag:s23] =	ssyncset.done $0x0  }
0x50: {  	[sflag:s23] =	ssyncadd.s32 $0xFFFFFFB0  }
0x51: {  	[tilespmem:s31], [sflag:$0x2] =	stream.indirect.gather [hbm4b:s1+s26], $0x80, s29, s26, $0xb8;
	[tilespmem:$0x1D200] =	vst v63  }
0x52: {  	_ =	swait.ge [sflag:s0], $0x2800  }
0x53: {  	[sflag:s0] =	ssyncset.done $0x0  }
0x54: {  	[sflag:s0] =	ssyncadd.s32 $0xFFFFD800  }
0x55: {  	[spmem:s2] =	stream.indirect.scatter.add.f32 [tilespmem:s28], [sflag:$0x3], $0x80, s24, s26, $0xb8;
	[tilespmem:$0x1D200] =	vst v63  }
0x56: {  	_ =	swait.ge [sflag:s23], $0x2800  }
0x57: {  	s13 =	sshrl.u32 s21, $0x3;
	[sflag:s23] =	ssyncset.done $0x0  }
0x58: {  	s11 =	sadd.s32 s5, s13;
	[sflag:s23] =	ssyncadd.s32 $0xFFFFD800  }
0x59: {  	[tilespmem:s4], [sflag:$0x3] =	stream.linear.gather [hbm4b:s11+s4], $0x50, $0x38;
	[tilespmem:$0x1D200] =	vst v63  }
0x5a: {  	_ =	swait.ge [sflag:s23], $0x50  }
0x5b: {  	[sflag:s23] =	ssyncset.done $0x0  }
0x5c: {  	s9 =	sadd.s32 s6, s13;
	[sflag:s23] =	ssyncadd.s32 $0xFFFFFFB0  }
0x5d: {  	[tilespmem:s24], [sflag:$0x3] =	stream.linear.gather [hbm4b:s9+s4], $0x50, $0x38;
	[tilespmem:$0x1D200] =	vst v63  }
0x5e: {  	_ =	swait.ge [sflag:s23], $0x50  }
0x5f: {  	[sflag:s23] =	ssyncset.done $0x0  }
0x60: {  	[sflag:s23] =	ssyncadd.s32 $0xFFFFFFB0  }
0x61: {  	[tilespmem:s28], [sflag:$0x1] =	stream.indirect.gather [hbm4b:s1+s26], $0x80, s4, s26, $0xb8;
	[tilespmem:$0x1D200] =	vst v63  }
0x62: {  	_ =	swait.ge [sflag:s3], $0x2800  }
0x63: {  	[sflag:s3] =	ssyncset.done $0x0  }
0x64: {  	[sflag:s3] =	ssyncadd.s32 $0xFFFFD800  }
0x65: {  	[spmem:s2] =	stream.indirect.scatter.add.f32 [tilespmem:s31], [sflag:$0x3], $0x80, s30, s26, $0xb8;
	[tilespmem:$0x1D200] =	vst v63  }
0x66: {  	_ =	swait.ge [sflag:s23], $0x2800  }
0x67: {  	[sflag:s23] =	ssyncset.done $0x0  }
0x68: {  	s12 =	sadd.s32 $0x0, s20;
	[sflag:s23] =	ssyncadd.s32 $0xFFFFD800  }
0x69: {  	[tilespmem:s29], [sflag:$0x3] =	stream.linear.gather [hbm4b:s12+s4], $0x50, $0x38;
	[tilespmem:$0x1D200] =	vst v63  }
0x6a: {  	_ =	swait.ge [sflag:s23], $0x50  }
0x6b: {  	[sflag:s23] =	ssyncset.done $0x0  }
0x6c: {  	s13 =	sadd.s32 $0x0, s19;
	[sflag:s23] =	ssyncadd.s32 $0xFFFFFFB0  }
0x6d: {  	[tilespmem:s30], [sflag:$0x3] =	stream.linear.gather [hbm4b:s13+s4], $0x50, $0x38;
	[tilespmem:$0x1D200] =	vst v63  }
0x6e: {  	_ =	swait.ge [sflag:s23], $0x50  }
0x6f: {  	[sflag:s23] =	ssyncset.done $0x0  }
0x70: {  	s10 =	sadd.s32 $0xA0, s21;
	s9 =	simm.s32 $0x14;
	[sflag:s23] =	ssyncadd.s32 $0xFFFFFFB0  }
.LBB2_4:
0x71: {  	[tilespmem:s31], [sflag:$0x2] =	stream.indirect.gather [hbm4b:s1+s26], $0x80, s29, s26, $0xb8;
	[tilespmem:$0x1D200] =	vst v63  }
0x72: {  	s11 =	smov.u32 s9  }
0x73: {  	p1 =	sne.s32 s9, $0x99C;
	s9 =	sadd.s32 $0x14, s9;
	_ =	swait.ge [sflag:s0], $0x2800  }
0x74: {  	[sflag:s0] =	ssyncset.done $0x0  }
0x75: {  	[sflag:s0] =	ssyncadd.s32 $0xFFFFD800  }
0x76: {  	[spmem:s2] =	stream.indirect.scatter.add.f32 [tilespmem:s28], [sflag:$0x3], $0x80, s24, s26, $0xb8;
	[tilespmem:$0x1D200] =	vst v63  }
0x77: {  	_ =	swait.ge [sflag:s23], $0x2800  }
0x78: {  	s12 =	sshrl.u32 s10, $0x3;
	[sflag:s23] =	ssyncset.done $0x0  }
0x79: {  	s13 =	sadd.s32 s5, s12;
	[sflag:s23] =	ssyncadd.s32 $0xFFFFD800  }
0x7a: {  	[tilespmem:s4], [sflag:$0x3] =	stream.linear.gather [hbm4b:s13+s4], $0x50, $0x38;
	[tilespmem:$0x1D200] =	vst v63  }
0x7b: {  	_ =	swait.ge [sflag:s23], $0x50  }
0x7c: {  	[sflag:s23] =	ssyncset.done $0x0  }
0x7d: {  	s12 =	sadd.s32 s6, s12;
	[sflag:s23] =	ssyncadd.s32 $0xFFFFFFB0  }
0x7e: {  	[tilespmem:s24], [sflag:$0x3] =	stream.linear.gather [hbm4b:s12+s4], $0x50, $0x38;
	[tilespmem:$0x1D200] =	vst v63  }
0x7f: {  	_ =	swait.ge [sflag:s23], $0x50  }
0x80: {  	[sflag:s23] =	ssyncset.done $0x0  }
0x81: {  	[sflag:s23] =	ssyncadd.s32 $0xFFFFFFB0  }
0x82: {  	[tilespmem:s28], [sflag:$0x1] =	stream.indirect.gather [hbm4b:s1+s26], $0x80, s4, s26, $0xb8;
	[tilespmem:$0x1D200] =	vst v63  }
0x83: {  	_ =	swait.ge [sflag:s3], $0x2800  }
0x84: {  	[sflag:s3] =	ssyncset.done $0x0  }
0x85: {  	[sflag:s3] =	ssyncadd.s32 $0xFFFFD800  }
0x86: {  	[spmem:s2] =	stream.indirect.scatter.add.f32 [tilespmem:s31], [sflag:$0x3], $0x80, s30, s26, $0xb8;
	[tilespmem:$0x1D200] =	vst v63  }
0x87: {  	_ =	swait.ge [sflag:s23], $0x2800  }
0x88: {  	[sflag:s23] =	ssyncset.done $0x0  }
0x89: {  	s12 =	sadd.s32 s11, s20;
	[sflag:s23] =	ssyncadd.s32 $0xFFFFD800  }
0x8a: {  	[tilespmem:s29], [sflag:$0x3] =	stream.linear.gather [hbm4b:s12+s4], $0x50, $0x38;
	[tilespmem:$0x1D200] =	vst v63  }
0x8b: {  	_ =	swait.ge [sflag:s23], $0x50  }
0x8c: {  	[sflag:s23] =	ssyncset.done $0x0  }
.Ltmp1:
0x8d: {  	s11 =	sadd.s32 s11, s19;
	[sflag:s23] =	ssyncadd.s32 $0xFFFFFFB0;
	(pc) =	sbr.rel @p1 .LBB2_4-.Ltmp1, $4  }
0x8e: {  	[tilespmem:s30], [sflag:$0x3] =	stream.linear.gather [hbm4b:s11+s4], $0x50, $0x38;
	[tilespmem:$0x1D200] =	vst v63  }
0x8f: {  	_ =	swait.ge [sflag:s23], $0x50  }
0x90: {  	[sflag:s23] =	ssyncset.done $0x0  }
0x91: {  	s10 =	sadd.s32 $0xA0, s10;
	[sflag:s23] =	ssyncadd.s32 $0xFFFFFFB0  }
0x92: {  	[tilespmem:s31], [sflag:$0x2] =	stream.indirect.gather [hbm4b:s1+s26], $0x80, s29, s26, $0xb8;
	[tilespmem:$0x1D200] =	vst v63  }
0x93: {  	_ =	swait.ge [sflag:s0], $0x2800  }
0x94: {  	[sflag:s0] =	ssyncset.done $0x0  }
0x95: {  	[sflag:s0] =	ssyncadd.s32 $0xFFFFD800  }
0x96: {  	[spmem:s2] =	stream.indirect.scatter.add.f32 [tilespmem:s28], [sflag:$0x3], $0x80, s24, s26, $0xb8;
	[tilespmem:$0x1D200] =	vst v63  }
0x97: {  	_ =	swait.ge [sflag:s23], $0x2800  }
0x98: {  	[sflag:s23] =	ssyncset.done $0x0  }
0x99: {  	[sflag:s23] =	ssyncadd.s32 $0xFFFFD800  }
0x9a: {  	_ =	swait.ge [sflag:s3], $0x2800  }
0x9b: {  	[sflag:s3] =	ssyncset.done $0x0  }
0x9c: {  	[sflag:s3] =	ssyncadd.s32 $0xFFFFD800  }
0x9d: {  	[spmem:s2] =	stream.indirect.scatter.add.f32 [tilespmem:s31], [sflag:$0x3], $0x80, s30, s26, $0xb8;
	[tilespmem:$0x1D200] =	vst v63  }
0x9e: {  	_ =	swait.ge [sflag:s23], $0x2800  }
0x9f: {  	[sflag:s23] =	ssyncset.done $0x0  }
0xa0: {  	[sflag:s23] =	ssyncadd.s32 $0xFFFFD800  }
0xa1: {  	s9 =	simm.s32 @p0 $0x1FC3;
	[bflag:$0x0] =	sbarrier.arrive $0xFFFF  }
0xa2: {  	[hbm:s17], [sflag:s9] =	dma.local @p0 [spmem:s25], $0x1900  }
0xa3: {  	s9 =	simm.s32 @p0 $0x3  }
0xa4: {  	s10 =	stileid.u32;
	s8 =	sadd.s32 $0x1, s8;
	_ =	swait.ge @p0 [sflag:s9], $0x1900  }
0xa5: {  	s10 =	sshll.u32 @!p0 s10, $0x6;
	p1 =	sne.s32 s8, s18;
	[sflag:s9] =	ssyncset.done @p0 $0x0  }
0xa6: {  	[sflag:s9] =	ssyncadd.s32 @p0 $0xFFFFE700;
	s9 =	sor.u32 @!p0 $0x1C03, s10;
	s10 =	sshrl.u32 @!p0 s7, $0x3  }
0xa7: {  	[hbm:s16], [sflag:s9] =	dma.local @!p0 [spmem:s10], $0x2800  }
.Ltmp2:
0xa8: {  	_ = 	snop;
	(pc) =	sbr.rel @p1 .LBB2_1-.Ltmp2, $4  }
0xa9: {  	s9 =	simm.s32 @!p0 $0x3  }
0xaa: {  	_ =	swait.ge @!p0 [sflag:s9], $0x2800  }
0xab: {  	[sflag:s9] =	ssyncset.done @!p0 $0x0  }
0xac: {  	[sflag:s9] =	ssyncadd.s32 @!p0 $0xFFFFD800  }
0xad: {  	_ =	sfence.sel $0x180000  }
0xae: {  	[bflag:$0x0] =	sbarrier.arrive $0xFFFF  }
0xaf: {  	_ =	strace $0x90000047  }
0xb0: {  	s0 =	stileid.u32;
	[bflag:$0x2] =	sbarrier.arrive $0xFFFF  }
0xb1: {  	p0 =	sne.s32 s0, $0x0;
	s0 =	rddreg [dreg:$0x3]  }
0xb2: {  	s0 =	sadd.s32 @!p0 $0x100000, s0  }
0xb3: {  	[sflag:s0] =	ssyncadd.tile.s32 @!p0 $0x1;
	_ =	shalt  }
.Lfunc_end2:
_tile_overlayer_lowered:
.L_overlay_start_2:
0xb4: {  	(tag) =	ssettag $0x2  }
0xb5: {  	s0 =	rddreg [dreg:$0x0];
	s2 =	stileid.u32  }
0xb6: {  	s1 =	rddreg [dreg:$0x1];
	p0 =	sne.s32 s2, $0x0  }
0xb7: {  	s3 =	rddreg [dreg:$0x2];
	[bflag:$0x3] =	sbarrier.arrive $0xFFFF;
	s2 =	simm.s32 @!p0 $0x1C03  }
0xb8: {  	[timem:s3], [sflag:s2] =	dma.local @!p0 [hbm:s0], s1  }
0xb9: {  	s0 =	simm.s32 @!p0 $0x3  }
0xba: {  	_ =	swait.ge @!p0 [sflag:s0], s1  }
0xbb: {  	s1 =	ssub.s32 @!p0 $0x0, s1;
	[sflag:s0] =	ssyncset.done @!p0 $0x0  }
0xbc: {  	[sflag:s0] =	ssyncadd.s32 @!p0 s1  }
0xbd: {  	[bflag:$0x3] =	sbarrier.arrive $0xFFFF  }
0xbe: {  	_ =	shalt  }

</sc_bundles>
